<compile_context>
chip_gen: v7x
topology: tpu7x:2x2x1
jax: 0.10.2.dev20260603
libtpu: 0.0.44.dev20260713+nightly
codegen_flags: <defaults>
</compile_context>

<pallas_src>
import functools

import jax
import jax.numpy as jnp
from jax import lax
from jax.experimental import pallas as pl
from jax.experimental.pallas import tpu as pltpu
from jax.experimental.pallas import tpu_sc as plsc

_NC = 2
_NS = 16
_NW = _NC * _NS
_LANES = 16

_CH = 50
_G = 40
_NBUF = 4
_DCH = 125
_DG = 16


def _sc_mesh():
    return plsc.VectorSubcoreMesh(
        core_axis_name="c", subcore_axis_name="s",
        num_cores=_NC, num_subcores=_NS)


@functools.lru_cache(maxsize=None)
def _make_deg_kernel(n, ngroup):
    nper = n // _NS
    zr = 128
    assert nper % zr == 0

    @functools.partial(
        pl.kernel, mesh=_sc_mesh(),
        out_type=jax.ShapeDtypeStruct((_NC, n, _LANES), jnp.float32),
        scratch_types=[
            pltpu.VMEM((_DG, _DCH), jnp.int32),
            pltpu.VMEM((_DCH, _LANES), jnp.float32),
            pltpu.VMEM((zr, _LANES), jnp.float32),
            pltpu.VMEM_SHARED((n, _LANES), jnp.float32),
        ],
    )
    def deg_k(dst_hbm, out_hbm, idx_d, ones_v, zero_v, acc):
        c = lax.axis_index("c")
        s = lax.axis_index("s")
        wid = s * _NC + c
        zeros16 = jnp.zeros((_LANES,), jnp.float32)
        ones16 = jnp.ones((_LANES,), jnp.float32)

        @pl.loop(0, _DCH)
        def _(i):
            ones_v[i, :] = ones16

        @pl.loop(0, zr)
        def _(i):
            zero_v[i, :] = zeros16

        base = s * nper

        @pl.loop(0, nper // zr)
        def _(j):
            pltpu.sync_copy(zero_v, acc.at[pl.ds(base + j * zr, zr), :])

        plsc.subcore_barrier()

        @pl.loop(0, ngroup)
        def _(g):
            pltpu.sync_copy(dst_hbm.at[wid, g], idx_d)

            @pl.loop(0, _DG)
            def _(i):
                pltpu.sync_copy(ones_v, acc.at[idx_d.at[i]], add=True)

        plsc.subcore_barrier()

        @pl.loop(0, nper // zr)
        def _(j):
            r0 = base + j * zr
            pltpu.sync_copy(acc.at[pl.ds(r0, zr), :],
                            out_hbm.at[c, pl.ds(r0, zr), :])

    return deg_k


@functools.lru_cache(maxsize=None)
def _make_agg_kernel(n, f, ngroup):
    nper = n // _NS
    dr = 128
    assert nper % dr == 0
    assert f % _LANES == 0 and _G % _NBUF == 0

    @functools.partial(
        pl.kernel, mesh=_sc_mesh(),
        out_type=jax.ShapeDtypeStruct((_NC, n, f), jnp.float32),
        scratch_types=[
            pltpu.VMEM((_G, _CH), jnp.int32),
            pltpu.VMEM((_G, _CH), jnp.int32),
            pltpu.VMEM((_NBUF, _CH, f), jnp.float32),
            pltpu.VMEM((32, f), jnp.float32),
            pltpu.SemaphoreType.DMA((_NBUF,)),
            pltpu.SemaphoreType.DMA((_NBUF,)),
            pltpu.VMEM_SHARED((n, f), jnp.float32),
        ],
    )
    def agg_k(g_hbm, src_hbm, dst_hbm, out_hbm, idx_s, idx_d, rows, zero_v,
              sem_g, sem_s, acc):
        c = lax.axis_index("c")
        s = lax.axis_index("s")
        wid = s * _NC + c
        zeros16 = jnp.zeros((_LANES,), jnp.float32)

        def buf(j):
            return rows.at[j]

        zc = 32

        @pl.loop(0, zc)
        def _(i):
            @pl.loop(0, f // _LANES)
            def _(j):
                zero_v[i, pl.ds(j * _LANES, _LANES)] = zeros16

        base = s * nper

        @pl.loop(0, nper // zc)
        def _(j):
            pltpu.sync_copy(zero_v, acc.at[pl.ds(base + j * zc, zc), :])

        plsc.subcore_barrier()

        @pl.loop(0, ngroup)
        def _(g):
            pltpu.sync_copy(src_hbm.at[wid, g], idx_s)
            pltpu.sync_copy(dst_hbm.at[wid, g], idx_d)
            for j in range(_NBUF):
                pltpu.async_copy(g_hbm.at[idx_s.at[j]], buf(j), sem_g.at[j])

            @pl.loop(0, _G, step=_NBUF)
            def _(k):
                for j in range(_NBUF):
                    i = k + j
                    pltpu.make_async_copy(g_hbm.at[idx_s.at[i]], buf(j),
                                          sem_g.at[j]).wait()
                    pltpu.sync_copy(buf(j), acc.at[idx_d.at[i]], add=True)

                    @pl.when(i + _NBUF < _G)
                    def _():
                        pltpu.async_copy(g_hbm.at[idx_s.at[i + _NBUF]],
                                         buf(j), sem_g.at[j])

        plsc.subcore_barrier()

        @pl.loop(0, nper // dr)
        def _(j):
            r0 = base + j * dr
            pltpu.sync_copy(acc.at[pl.ds(r0, dr), :],
                            out_hbm.at[c, pl.ds(r0, dr), :])

    return agg_k


def _dis_from_cnt(cnt_ref, n):
    count = cnt_ref[0][:n, 0:1] + cnt_ref[1][:n, 0:1]
    return lax.rsqrt(count + 1.0)


def _tc_layer1(cnt, x, w1):
    n = x.shape[0]
    h_dim = w1.shape[1]

    def body(cnt_ref, x_ref, w1_ref, g_ref):
        dis = _dis_from_cnt(cnt_ref, n)
        h = jnp.dot(x_ref[...], w1_ref[...],
                    preferred_element_type=jnp.float32)
        g_ref[...] = h * dis

    return pl.pallas_call(
        body,
        out_shape=jax.ShapeDtypeStruct((n, h_dim), jnp.float32),
    )(cnt, x, w1)


def _tc_mid(aggp, g1, cnt, b1, w2, fpad):
    n = g1.shape[0]
    c_dim = w2.shape[1]

    def body(aggp_ref, g1_ref, cnt_ref, b1_ref, w2_ref, g2_ref):
        dis = _dis_from_cnt(cnt_ref, n)
        agg = aggp_ref[0][:n] + aggp_ref[1][:n] + g1_ref[...]
        out1 = jnp.maximum(agg * dis + b1_ref[...], 0.0)
        h2 = jnp.dot(out1, w2_ref[...], preferred_element_type=jnp.float32)
        g2 = h2 * dis
        if fpad > c_dim:
            g2 = jnp.concatenate(
                [g2, jnp.zeros((n, fpad - c_dim), jnp.float32)], axis=1)
        g2_ref[...] = g2

    return pl.pallas_call(
        body,
        out_shape=jax.ShapeDtypeStruct((n, fpad), jnp.float32),
    )(aggp, g1, cnt, b1, w2)


def _tc_final(aggp, g2, cnt, b2, c_dim):
    n = g2.shape[0]

    def body(aggp_ref, g2_ref, cnt_ref, b2_ref, o_ref):
        dis = _dis_from_cnt(cnt_ref, n)
        agg = (aggp_ref[0][:n] + aggp_ref[1][:n] + g2_ref[...])[:, :c_dim]
        o = agg * dis + b2_ref[...]
        m = jnp.max(o, axis=1, keepdims=True)
        e = jnp.exp(o - m)
        lse = jnp.log(jnp.sum(e, axis=1, keepdims=True)) + m
        o_ref[...] = o - lse

    return pl.pallas_call(
        body,
        out_shape=jax.ShapeDtypeStruct((n, c_dim), jnp.float32),
    )(aggp, g2, cnt, b2)


def kernel(x, edge_index, W1, b1, W2, b2):
    n, d = x.shape
    e = edge_index.shape[1]
    h_dim = W1.shape[1]
    c_dim = W2.shape[1]

    epw = e // _NW
    ngroup = epw // (_G * _CH)
    assert e == _NW * ngroup * _G * _CH

    src = edge_index[0].reshape(_NW, ngroup, _G, _CH)
    dst = edge_index[1].reshape(_NW, ngroup, _G, _CH)

    npad = -(-n // (_NS * 128)) * (_NS * 128)

    ngroup_d = epw // (_DG * _DCH)
    assert e == _NW * ngroup_d * _DG * _DCH
    dst_d = edge_index[1].reshape(_NW, ngroup_d, _DG, _DCH)

    fpad = 128

    cnt = _make_deg_kernel(npad, ngroup_d)(dst_d)
    g1 = _tc_layer1(cnt, x, W1)
    p1 = _make_agg_kernel(npad, h_dim, ngroup)(g1, src, dst)
    g2 = _tc_mid(p1, g1, cnt, b1.reshape(1, h_dim), W2, fpad)
    p2 = _make_agg_kernel(npad, fpad, ngroup)(g2, src, dst)
    return _tc_final(p2, g2, cnt, b2.reshape(1, c_dim), c_dim)

# --- scband reference (transcript-rebuilt; emitter-appended) ---
"""Pipeline reference for scband-gcn-net-85985245266265 (READ-ONLY COPY).

The authoritative reference and input builder live on the scoring server;
editing this copy changes nothing except your own understanding.
"""

import jax, jax.numpy as jnp
import numpy as np

N = 10000
E = 320000
D = 128
H = 128
C = 64


def setup_inputs(seed: int = 0) -> dict:
    key = jax.random.key(seed)
    k1, k2, k3, k4, k5, k6 = jax.random.split(key, 6)
    x = jax.random.normal(k1, (N, D), dtype=jnp.float32)
    edge_index = jax.random.randint(k2, (2, E), 0, N, dtype=jnp.int32)
    # GCNConv layer 1 params (glorot init for W, zeros for bias)
    s1 = (6.0 / (D + H)) ** 0.5
    W1 = jax.random.uniform(k3, (D, H), dtype=jnp.float32, minval=-s1, maxval=s1)
    b1 = jnp.zeros((H,), dtype=jnp.float32)
    # GCNConv layer 2 params
    s2 = (6.0 / (H + C)) ** 0.5
    W2 = jax.random.uniform(k4, (H, C), dtype=jnp.float32, minval=-s2, maxval=s2)
    b2 = jnp.zeros((C,), dtype=jnp.float32)
    return {"x": x, "edge_index": edge_index, "W1": W1, "b1": b1, "W2": W2, "b2": b2}


def _gcn_conv(x, src, dst, W, b, n_nodes):
    # GCNConv with added self-loops and symmetric normalization (PyG defaults)
    h = x @ W
    deg = jax.ops.segment_sum(jnp.ones_like(dst, dtype=h.dtype), dst, num_segments=n_nodes)
    deg_inv_sqrt = jnp.where(deg > 0, jax.lax.rsqrt(deg), 0.0)
    norm = deg_inv_sqrt[src] * deg_inv_sqrt[dst]
    msg = h[src] * norm[:, None]
    out = jax.ops.segment_sum(msg, dst, num_segments=n_nodes)
    return out + b


def reference(x, edge_index, W1, b1, W2, b2):
    n_nodes = x.shape[0]
    loops = jnp.arange(n_nodes, dtype=edge_index.dtype)
    src = jnp.concatenate([edge_index[0], loops])
    dst = jnp.concatenate([edge_index[1], loops])
    h = _gcn_conv(x, src, dst, W1, b1, n_nodes)
    h = jax.nn.relu(h)
    # Dropout is identity in deterministic/eval reference
    out = _gcn_conv(h, src, dst, W2, b2, n_nodes)
    return jax.nn.log_softmax(out, axis=1)

if __name__ == "__main__":
    import jax
    _d = setup_inputs()
    print(jax.jit(kernel)(*tuple(_d.values())))

</pallas_src>

<mosaic_0001>
#map = affine_map<(d0, d1) -> (0, 0)>
#map1 = affine_map<(d0, d1) -> (0, 0, 0, 0)>
#map2 = affine_map<(d0, d1) -> (0, 0, 0)>
module attributes {stable_mosaic.version = 14 : i64} {
  func.func @agg_k(%arg0: i32, %arg1: i32, %arg2: memref<10000x128xf32, #tpu.memory_space<hbm>>, %arg3: memref<32x5x40x50xi32, #tpu.memory_space<hbm>>, %arg4: memref<32x5x40x50xi32, #tpu.memory_space<hbm>>, %arg5: memref<2x10240x128xf32, #tpu.memory_space<hbm>>, %arg6: memref<40x50xi32, #tpu.memory_space<vmem>>, %arg7: memref<40x50xi32, #tpu.memory_space<vmem>>, %arg8: memref<4x50x128xf32, #tpu.memory_space<vmem>>, %arg9: memref<32x128xf32, #tpu.memory_space<vmem>>, %arg10: memref<4x!tpu.dma_semaphore, #tpu.memory_space<semaphore_mem>>, %arg11: memref<4x!tpu.dma_semaphore, #tpu.memory_space<semaphore_mem>>, %arg12: memref<10240x128xf32, #tpu.memory_space<vmem_shared>>) attributes {dimension_semantics = [#tpu.dimension_semantics<core_parallel>, #tpu.dimension_semantics<subcore_parallel>], iteration_bounds = array<i64: 2, 16>, scalar_prefetch = 0 : i64, scratch_operands = 7 : i64, tpu.core_type = #tpu.core_type<sc_vector_subcore>, window_params = [{transform_indices = #map}, {transform_indices = #map1}, {transform_indices = #map1}, {transform_indices = #map2}]} {
    %mul3A = arith.constant 2 : i32
    %mul3A_0 = arith.muli %arg1, %mul3A : i32
    %add3A = arith.addi %mul3A_0, %arg0 : i32
    %broadcast_in_dim3A = arith.constant 0.000000e+00 : f32
    %broadcast_in_dim3A_1 = vector.broadcast %broadcast_in_dim3A : f32 to vector<16xf32>
    %scan3A = arith.constant 0 : i32
    %scan3A_2 = arith.constant 32 : i32
    %scan3A_3 = arith.addi %scan3A, %scan3A_2 : i32
    %scan3A_4 = arith.constant 1 : i32
    scf.for %scan3A_24 = %scan3A to %scan3A_3 step %scan3A_4  : i32 {
      %mul3A_25 = arith.constant 1 : i32
      %mul3A_26 = arith.muli %scan3A_24, %mul3A_25 : i32
      %add3A_27 = arith.constant 0 : i32
      %add3A_28 = arith.addi %add3A_27, %mul3A_26 : i32
      %scan3A_29 = arith.constant 0 : i32
      %scan3A_30 = arith.constant 8 : i32
      %scan3A_31 = arith.addi %scan3A_29, %scan3A_30 : i32
      %scan3A_32 = arith.constant 1 : i32
      scf.for %scan3A_34 = %scan3A_29 to %scan3A_31 step %scan3A_32  : i32 {
        %mul3A_35 = arith.constant 1 : i32
        %mul3A_36 = arith.muli %scan3A_34, %mul3A_35 : i32
        %add3A_37 = arith.constant 0 : i32
        %add3A_38 = arith.addi %add3A_37, %mul3A_36 : i32
        %mul3A_39 = arith.constant 16 : i32
        %mul3A_40 = arith.muli %add3A_38, %mul3A_39 : i32
        %swap3A = arith.index_cast %add3A_28 : i32 to index
        %swap3A_41 = arith.index_cast %mul3A_40 : i32 to index
        %swap3A_42 = tpu.vector_load %arg9[%swap3A, %swap3A_41] {strides = array<i32>} : memref<32x128xf32, #tpu.memory_space<vmem>>, vector<1x16xf32>,
        %swap3A_43 = vector.shape_cast %swap3A_42 : vector<1x16xf32> to vector<16xf32>
        %swap3A_44 = vector.shape_cast %broadcast_in_dim3A_1 : vector<16xf32> to vector<1x16xf32>
        tpu.vector_store %arg9[%swap3A, %swap3A_41], %swap3A_44 {strides = array<i32>} : memref<32x128xf32, #tpu.memory_space<vmem>>, vector<1x16xf32>,
      }
      %scan3A_33 = arith.constant 8 : i32
    }
    %scan3A_5 = arith.constant 32 : i32
    %mul3A_6 = arith.constant 640 : i32
    %mul3A_7 = arith.muli %arg1, %mul3A_6 : i32
    %scan3A_8 = arith.constant 0 : i32
    %scan3A_9 = arith.constant 20 : i32
    %scan3A_10 = arith.addi %scan3A_8, %scan3A_9 : i32
    %scan3A_11 = arith.constant 1 : i32
    scf.for %scan3A_24 = %scan3A_8 to %scan3A_10 step %scan3A_11  : i32 {
      %mul3A_25 = arith.constant 1 : i32
      %mul3A_26 = arith.muli %scan3A_24, %mul3A_25 : i32
      %add3A_27 = arith.constant 0 : i32
      %add3A_28 = arith.addi %add3A_27, %mul3A_26 : i32
      %mul3A_29 = arith.constant 32 : i32
      %mul3A_30 = arith.muli %add3A_28, %mul3A_29 : i32
      %add3A_31 = arith.addi %mul3A_7, %mul3A_30 : i32
      "tpu.region"() ({
        %run_scoped3A = tpu.sem_alloc : memref<!tpu.dma_semaphore, #tpu.memory_space<semaphore_mem>>
        %dma_start3A = arith.constant 0 : i32
        %dma_start3A_32 = tpu.memref_slice %arg12[%add3A_31, %dma_start3A] : memref<10240x128xf32, #tpu.memory_space<vmem_shared>> -> memref<32x128xf32, #tpu.memory_space<vmem_shared>>
        %dma_start3A_33 = arith.constant 0 : i32
        %dma_start3A_34 = tpu.memref_slice %arg12[%add3A_31, %dma_start3A_33] : memref<10240x128xf32, #tpu.memory_space<vmem_shared>> -> memref<32x128xf32, #tpu.memory_space<vmem_shared>>
        tpu.enqueue_dma source(%arg9 : memref<32x128xf32, #tpu.memory_space<vmem>>) target(%dma_start3A_34 : memref<32x128xf32, #tpu.memory_space<vmem_shared>>) target_semaphore(%run_scoped3A : memref<!tpu.dma_semaphore, #tpu.memory_space<semaphore_mem>>)
        %dma_wait3A = arith.constant 0 : i32
        %dma_wait3A_35 = tpu.memref_slice %arg12[%add3A_31, %dma_wait3A] : memref<10240x128xf32, #tpu.memory_space<vmem_shared>> -> memref<32x128xf32, #tpu.memory_space<vmem_shared>>
        %dma_wait3A_36 = arith.constant 0 : i32
        %dma_wait3A_37 = tpu.memref_slice %arg12[%add3A_31, %dma_wait3A_36] : memref<10240x128xf32, #tpu.memory_space<vmem_shared>> -> memref<32x128xf32, #tpu.memory_space<vmem_shared>>
        tpu.wait_dma2 semaphore(%run_scoped3A : memref<!tpu.dma_semaphore, #tpu.memory_space<semaphore_mem>>) src(%arg9 : memref<32x128xf32, #tpu.memory_space<vmem>>) dst(%dma_wait3A_37 : memref<32x128xf32, #tpu.memory_space<vmem_shared>>)
        tpu.yield
      }) : () -> ()
    }
    %scan3A_12 = arith.constant 20 : i32
    %barrier3A = arith.constant 0 : index
    tpu.barrier barrier_id(%barrier3A)
    %scan3A_13 = arith.constant 0 : i32
    %scan3A_14 = arith.constant 5 : i32
    %scan3A_15 = arith.addi %scan3A_13, %scan3A_14 : i32
    %scan3A_16 = arith.constant 1 : i32
    scf.for %scan3A_24 = %scan3A_13 to %scan3A_15 step %scan3A_16  : i32 {
      %mul3A_25 = arith.constant 1 : i32
      %mul3A_26 = arith.muli %scan3A_24, %mul3A_25 : i32
      %add3A_27 = arith.constant 0 : i32
      %add3A_28 = arith.addi %add3A_27, %mul3A_26 : i32
      "tpu.region"() ({
        %run_scoped3A = tpu.sem_alloc : memref<!tpu.dma_semaphore, #tpu.memory_space<semaphore_mem>>
        %dma_start3A_93 = arith.constant 0 : i32
        %dma_start3A_94 = arith.constant 0 : i32
        %dma_start3A_95 = tpu.memref_slice %arg3[%add3A, %add3A_28, %dma_start3A_93, %dma_start3A_94] : memref<32x5x40x50xi32, #tpu.memory_space<hbm>> -> memref<1x1x40x50xi32, #tpu.memory_space<hbm>>
        %dma_start3A_96 = tpu.memref_squeeze %dma_start3A_95 : memref<1x1x40x50xi32, #tpu.memory_space<hbm>> -> memref<40x50xi32, #tpu.memory_space<hbm>>
        %dma_start3A_97 = arith.constant 0 : i32
        %dma_start3A_98 = arith.constant 0 : i32
        %dma_start3A_99 = tpu.memref_slice %arg3[%add3A, %add3A_28, %dma_start3A_97, %dma_start3A_98] : memref<32x5x40x50xi32, #tpu.memory_space<hbm>> -> memref<1x1x40x50xi32, #tpu.memory_space<hbm>>
        %dma_start3A_100 = tpu.memref_squeeze %dma_start3A_99 : memref<1x1x40x50xi32, #tpu.memory_space<hbm>> -> memref<40x50xi32, #tpu.memory_space<hbm>>
        tpu.enqueue_dma source(%dma_start3A_100 : memref<40x50xi32, #tpu.memory_space<hbm>>) target(%arg6 : memref<40x50xi32, #tpu.memory_space<vmem>>) target_semaphore(%run_scoped3A : memref<!tpu.dma_semaphore, #tpu.memory_space<semaphore_mem>>)
        %dma_wait3A = arith.constant 0 : i32
        %dma_wait3A_101 = arith.constant 0 : i32
        %dma_wait3A_102 = tpu.memref_slice %arg3[%add3A, %add3A_28, %dma_wait3A, %dma_wait3A_101] : memref<32x5x40x50xi32, #tpu.memory_space<hbm>> -> memref<1x1x40x50xi32, #tpu.memory_space<hbm>>
        %dma_wait3A_103 = tpu.memref_squeeze %dma_wait3A_102 : memref<1x1x40x50xi32, #tpu.memory_space<hbm>> -> memref<40x50xi32, #tpu.memory_space<hbm>>
        %dma_wait3A_104 = arith.constant 0 : i32
        %dma_wait3A_105 = arith.constant 0 : i32
        %dma_wait3A_106 = tpu.memref_slice %arg3[%add3A, %add3A_28, %dma_wait3A_104, %dma_wait3A_105] : memref<32x5x40x50xi32, #tpu.memory_space<hbm>> -> memref<1x1x40x50xi32, #tpu.memory_space<hbm>>
        %dma_wait3A_107 = tpu.memref_squeeze %dma_wait3A_106 : memref<1x1x40x50xi32, #tpu.memory_space<hbm>> -> memref<40x50xi32, #tpu.memory_space<hbm>>
        tpu.wait_dma2 semaphore(%run_scoped3A : memref<!tpu.dma_semaphore, #tpu.memory_space<semaphore_mem>>) src(%dma_wait3A_107 : memref<40x50xi32, #tpu.memory_space<hbm>>) dst(%arg6 : memref<40x50xi32, #tpu.memory_space<vmem>>)
        tpu.yield
      }) : () -> ()
      "tpu.region"() ({
        %run_scoped3A = tpu.sem_alloc : memref<!tpu.dma_semaphore, #tpu.memory_space<semaphore_mem>>
        %dma_start3A_93 = arith.constant 0 : i32
        %dma_start3A_94 = arith.constant 0 : i32
        %dma_start3A_95 = tpu.memref_slice %arg4[%add3A, %add3A_28, %dma_start3A_93, %dma_start3A_94] : memref<32x5x40x50xi32, #tpu.memory_space<hbm>> -> memref<1x1x40x50xi32, #tpu.memory_space<hbm>>
        %dma_start3A_96 = tpu.memref_squeeze %dma_start3A_95 : memref<1x1x40x50xi32, #tpu.memory_space<hbm>> -> memref<40x50xi32, #tpu.memory_space<hbm>>
        %dma_start3A_97 = arith.constant 0 : i32
        %dma_start3A_98 = arith.constant 0 : i32
        %dma_start3A_99 = tpu.memref_slice %arg4[%add3A, %add3A_28, %dma_start3A_97, %dma_start3A_98] : memref<32x5x40x50xi32, #tpu.memory_space<hbm>> -> memref<1x1x40x50xi32, #tpu.memory_space<hbm>>
        %dma_start3A_100 = tpu.memref_squeeze %dma_start3A_99 : memref<1x1x40x50xi32, #tpu.memory_space<hbm>> -> memref<40x50xi32, #tpu.memory_space<hbm>>
        tpu.enqueue_dma source(%dma_start3A_100 : memref<40x50xi32, #tpu.memory_space<hbm>>) target(%arg7 : memref<40x50xi32, #tpu.memory_space<vmem>>) target_semaphore(%run_scoped3A : memref<!tpu.dma_semaphore, #tpu.memory_space<semaphore_mem>>)
        %dma_wait3A = arith.constant 0 : i32
        %dma_wait3A_101 = arith.constant 0 : i32
        %dma_wait3A_102 = tpu.memref_slice %arg4[%add3A, %add3A_28, %dma_wait3A, %dma_wait3A_101] : memref<32x5x40x50xi32, #tpu.memory_space<hbm>> -> memref<1x1x40x50xi32, #tpu.memory_space<hbm>>
        %dma_wait3A_103 = tpu.memref_squeeze %dma_wait3A_102 : memref<1x1x40x50xi32, #tpu.memory_space<hbm>> -> memref<40x50xi32, #tpu.memory_space<hbm>>
        %dma_wait3A_104 = arith.constant 0 : i32
        %dma_wait3A_105 = arith.constant 0 : i32
        %dma_wait3A_106 = tpu.memref_slice %arg4[%add3A, %add3A_28, %dma_wait3A_104, %dma_wait3A_105] : memref<32x5x40x50xi32, #tpu.memory_space<hbm>> -> memref<1x1x40x50xi32, #tpu.memory_space<hbm>>
        %dma_wait3A_107 = tpu.memref_squeeze %dma_wait3A_106 : memref<1x1x40x50xi32, #tpu.memory_space<hbm>> -> memref<40x50xi32, #tpu.memory_space<hbm>>
        tpu.wait_dma2 semaphore(%run_scoped3A : memref<!tpu.dma_semaphore, #tpu.memory_space<semaphore_mem>>) src(%dma_wait3A_107 : memref<40x50xi32, #tpu.memory_space<hbm>>) dst(%arg7 : memref<40x50xi32, #tpu.memory_space<vmem>>)
        tpu.yield
      }) : () -> ()
      %dma_start3A = arith.constant 0 : i32
      %dma_start3A_29 = arith.constant 0 : i32
      %dma_start3A_30 = arith.constant 0 : i32
      %dma_start3A_31 = arith.constant 0 : i32
      %dma_start3A_32 = arith.constant 0 : i32
      %dma_start3A_33 = tpu.memref_slice %arg8[%dma_start3A_29, %dma_start3A_31, %dma_start3A_32] : memref<4x50x128xf32, #tpu.memory_space<vmem>> -> memref<1x50x128xf32, #tpu.memory_space<vmem>>
      %dma_start3A_34 = tpu.memref_squeeze %dma_start3A_33 : memref<1x50x128xf32, #tpu.memory_space<vmem>> -> memref<50x128xf32, #tpu.memory_space<vmem>>
      %dma_start3A_35 = arith.constant 0 : i32
      %dma_start3A_36 = tpu.memref_slice %arg6[%dma_start3A, %dma_start3A_35] : memref<40x50xi32, #tpu.memory_space<vmem>> -> memref<1x50xi32, #tpu.memory_space<vmem>>
      %dma_start3A_37 = tpu.memref_squeeze %dma_start3A_36 : memref<1x50xi32, #tpu.memory_space<vmem>> -> memref<50xi32, #tpu.memory_space<vmem>>
      %dma_start3A_38 = arith.constant 0 : i32
      %dma_start3A_39 = arith.constant 0 : i32
      %dma_start3A_40 = tpu.memref_slice %arg2[%dma_start3A_38, %dma_start3A_39] : memref<10000x128xf32, #tpu.memory_space<hbm>> -> memref<10000x128xf32, #tpu.memory_space<hbm>>
      %dma_start3A_41 = tpu.memref_slice %arg10[%dma_start3A_30] : memref<4x!tpu.dma_semaphore, #tpu.memory_space<semaphore_mem>> -> memref<1x!tpu.dma_semaphore, #tpu.memory_space<semaphore_mem>>
      %dma_start3A_42 = tpu.memref_squeeze %dma_start3A_41 : memref<1x!tpu.dma_semaphore, #tpu.memory_space<semaphore_mem>> -> memref<!tpu.dma_semaphore, #tpu.memory_space<semaphore_mem>>
      tpu.enqueue_indirect_dma source(%dma_start3A_40 : memref<10000x128xf32, #tpu.memory_space<hbm>>) target(%dma_start3A_34 : memref<50x128xf32, #tpu.memory_space<vmem>>) offsets(%dma_start3A_37 : memref<50xi32, #tpu.memory_space<vmem>>) semaphore(%dma_start3A_42 : memref<!tpu.dma_semaphore, #tpu.memory_space<semaphore_mem>>)
      %dma_start3A_43 = arith.constant 1 : i32
      %dma_start3A_44 = arith.constant 1 : i32
      %dma_start3A_45 = arith.constant 1 : i32
      %dma_start3A_46 = arith.constant 0 : i32
      %dma_start3A_47 = arith.constant 0 : i32
      %dma_start3A_48 = tpu.memref_slice %arg8[%dma_start3A_44, %dma_start3A_46, %dma_start3A_47] : memref<4x50x128xf32, #tpu.memory_space<vmem>> -> memref<1x50x128xf32, #tpu.memory_space<vmem>>
      %dma_start3A_49 = tpu.memref_squeeze %dma_start3A_48 : memref<1x50x128xf32, #tpu.memory_space<vmem>> -> memref<50x128xf32, #tpu.memory_space<vmem>>
      %dma_start3A_50 = arith.constant 0 : i32
      %dma_start3A_51 = tpu.memref_slice %arg6[%dma_start3A_43, %dma_start3A_50] : memref<40x50xi32, #tpu.memory_space<vmem>> -> memref<1x50xi32, #tpu.memory_space<vmem>>
      %dma_start3A_52 = tpu.memref_squeeze %dma_start3A_51 : memref<1x50xi32, #tpu.memory_space<vmem>> -> memref<50xi32, #tpu.memory_space<vmem>>
      %dma_start3A_53 = arith.constant 0 : i32
      %dma_start3A_54 = arith.constant 0 : i32
      %dma_start3A_55 = tpu.memref_slice %arg2[%dma_start3A_53, %dma_start3A_54] : memref<10000x128xf32, #tpu.memory_space<hbm>> -> memref<10000x128xf32, #tpu.memory_space<hbm>>
      %dma_start3A_56 = tpu.memref_slice %arg10[%dma_start3A_45] : memref<4x!tpu.dma_semaphore, #tpu.memory_space<semaphore_mem>> -> memref<1x!tpu.dma_semaphore, #tpu.memory_space<semaphore_mem>>
      %dma_start3A_57 = tpu.memref_squeeze %dma_start3A_56 : memref<1x!tpu.dma_semaphore, #tpu.memory_space<semaphore_mem>> -> memref<!tpu.dma_semaphore, #tpu.memory_space<semaphore_mem>>
      tpu.enqueue_indirect_dma source(%dma_start3A_55 : memref<10000x128xf32, #tpu.memory_space<hbm>>) target(%dma_start3A_49 : memref<50x128xf32, #tpu.memory_space<vmem>>) offsets(%dma_start3A_52 : memref<50xi32, #tpu.memory_space<vmem>>) semaphore(%dma_start3A_57 : memref<!tpu.dma_semaphore, #tpu.memory_space<semaphore_mem>>)
      %dma_start3A_58 = arith.constant 2 : i32
      %dma_start3A_59 = arith.constant 2 : i32
      %dma_start3A_60 = arith.constant 2 : i32
      %dma_start3A_61 = arith.constant 0 : i32
      %dma_start3A_62 = arith.constant 0 : i32
      %dma_start3A_63 = tpu.memref_slice %arg8[%dma_start3A_59, %dma_start3A_61, %dma_start3A_62] : memref<4x50x128xf32, #tpu.memory_space<vmem>> -> memref<1x50x128xf32, #tpu.memory_space<vmem>>
      %dma_start3A_64 = tpu.memref_squeeze %dma_start3A_63 : memref<1x50x128xf32, #tpu.memory_space<vmem>> -> memref<50x128xf32, #tpu.memory_space<vmem>>
      %dma_start3A_65 = arith.constant 0 : i32
      %dma_start3A_66 = tpu.memref_slice %arg6[%dma_start3A_58, %dma_start3A_65] : memref<40x50xi32, #tpu.memory_space<vmem>> -> memref<1x50xi32, #tpu.memory_space<vmem>>
      %dma_start3A_67 = tpu.memref_squeeze %dma_start3A_66 : memref<1x50xi32, #tpu.memory_space<vmem>> -> memref<50xi32, #tpu.memory_space<vmem>>
      %dma_start3A_68 = arith.constant 0 : i32
      %dma_start3A_69 = arith.constant 0 : i32
      %dma_start3A_70 = tpu.memref_slice %arg2[%dma_start3A_68, %dma_start3A_69] : memref<10000x128xf32, #tpu.memory_space<hbm>> -> memref<10000x128xf32, #tpu.memory_space<hbm>>
      %dma_start3A_71 = tpu.memref_slice %arg10[%dma_start3A_60] : memref<4x!tpu.dma_semaphore, #tpu.memory_space<semaphore_mem>> -> memref<1x!tpu.dma_semaphore, #tpu.memory_space<semaphore_mem>>
      %dma_start3A_72 = tpu.memref_squeeze %dma_start3A_71 : memref<1x!tpu.dma_semaphore, #tpu.memory_space<semaphore_mem>> -> memref<!tpu.dma_semaphore, #tpu.memory_space<semaphore_mem>>
      tpu.enqueue_indirect_dma source(%dma_start3A_70 : memref<10000x128xf32, #tpu.memory_space<hbm>>) target(%dma_start3A_64 : memref<50x128xf32, #tpu.memory_space<vmem>>) offsets(%dma_start3A_67 : memref<50xi32, #tpu.memory_space<vmem>>) semaphore(%dma_start3A_72 : memref<!tpu.dma_semaphore, #tpu.memory_space<semaphore_mem>>)
      %dma_start3A_73 = arith.constant 3 : i32
      %dma_start3A_74 = arith.constant 3 : i32
      %dma_start3A_75 = arith.constant 3 : i32
      %dma_start3A_76 = arith.constant 0 : i32
      %dma_start3A_77 = arith.constant 0 : i32
      %dma_start3A_78 = tpu.memref_slice %arg8[%dma_start3A_74, %dma_start3A_76, %dma_start3A_77] : memref<4x50x128xf32, #tpu.memory_space<vmem>> -> memref<1x50x128xf32, #tpu.memory_space<vmem>>
      %dma_start3A_79 = tpu.memref_squeeze %dma_start3A_78 : memref<1x50x128xf32, #tpu.memory_space<vmem>> -> memref<50x128xf32, #tpu.memory_space<vmem>>
      %dma_start3A_80 = arith.constant 0 : i32
      %dma_start3A_81 = tpu.memref_slice %arg6[%dma_start3A_73, %dma_start3A_80] : memref<40x50xi32, #tpu.memory_space<vmem>> -> memref<1x50xi32, #tpu.memory_space<vmem>>
      %dma_start3A_82 = tpu.memref_squeeze %dma_start3A_81 : memref<1x50xi32, #tpu.memory_space<vmem>> -> memref<50xi32, #tpu.memory_space<vmem>>
      %dma_start3A_83 = arith.constant 0 : i32
      %dma_start3A_84 = arith.constant 0 : i32
      %dma_start3A_85 = tpu.memref_slice %arg2[%dma_start3A_83, %dma_start3A_84] : memref<10000x128xf32, #tpu.memory_space<hbm>> -> memref<10000x128xf32, #tpu.memory_space<hbm>>
      %dma_start3A_86 = tpu.memref_slice %arg10[%dma_start3A_75] : memref<4x!tpu.dma_semaphore, #tpu.memory_space<semaphore_mem>> -> memref<1x!tpu.dma_semaphore, #tpu.memory_space<semaphore_mem>>
      %dma_start3A_87 = tpu.memref_squeeze %dma_start3A_86 : memref<1x!tpu.dma_semaphore, #tpu.memory_space<semaphore_mem>> -> memref<!tpu.dma_semaphore, #tpu.memory_space<semaphore_mem>>
      tpu.enqueue_indirect_dma source(%dma_start3A_85 : memref<10000x128xf32, #tpu.memory_space<hbm>>) target(%dma_start3A_79 : memref<50x128xf32, #tpu.memory_space<vmem>>) offsets(%dma_start3A_82 : memref<50xi32, #tpu.memory_space<vmem>>) semaphore(%dma_start3A_87 : memref<!tpu.dma_semaphore, #tpu.memory_space<semaphore_mem>>)
      %scan3A_88 = arith.constant 0 : i32
      %scan3A_89 = arith.constant 10 : i32
      %scan3A_90 = arith.addi %scan3A_88, %scan3A_89 : i32
      %scan3A_91 = arith.constant 1 : i32
      scf.for %scan3A_93 = %scan3A_88 to %scan3A_90 step %scan3A_91  : i32 {
        %mul3A_94 = arith.constant 4 : i32
        %mul3A_95 = arith.muli %scan3A_93, %mul3A_94 : i32
        %add3A_96 = arith.constant 0 : i32
        %add3A_97 = arith.addi %add3A_96, %mul3A_95 : i32
        %add3A_98 = arith.constant 0 : i32
        %add3A_99 = arith.addi %add3A_97, %add3A_98 : i32
        %dma_wait3A = arith.constant 0 : i32
        %dma_wait3A_100 = arith.constant 0 : i32
        %dma_wait3A_101 = arith.constant 0 : i32
        %dma_wait3A_102 = arith.constant 0 : i32
        %dma_wait3A_103 = tpu.memref_slice %arg8[%dma_wait3A, %dma_wait3A_101, %dma_wait3A_102] : memref<4x50x128xf32, #tpu.memory_space<vmem>> -> memref<1x50x128xf32, #tpu.memory_space<vmem>>
        %dma_wait3A_104 = tpu.memref_squeeze %dma_wait3A_103 : memref<1x50x128xf32, #tpu.memory_space<vmem>> -> memref<50x128xf32, #tpu.memory_space<vmem>>
        %dma_wait3A_105 = arith.constant 0 : i32
        %dma_wait3A_106 = tpu.memref_slice %arg6[%add3A_99, %dma_wait3A_105] : memref<40x50xi32, #tpu.memory_space<vmem>> -> memref<1x50xi32, #tpu.memory_space<vmem>>
        %dma_wait3A_107 = tpu.memref_squeeze %dma_wait3A_106 : memref<1x50xi32, #tpu.memory_space<vmem>> -> memref<50xi32, #tpu.memory_space<vmem>>
        %dma_wait3A_108 = arith.constant 0 : i32
        %dma_wait3A_109 = arith.constant 0 : i32
        %dma_wait3A_110 = tpu.memref_slice %arg2[%dma_wait3A_108, %dma_wait3A_109] : memref<10000x128xf32, #tpu.memory_space<hbm>> -> memref<10000x128xf32, #tpu.memory_space<hbm>>
        %dma_wait3A_111 = tpu.memref_slice %arg10[%dma_wait3A_100] : memref<4x!tpu.dma_semaphore, #tpu.memory_space<semaphore_mem>> -> memref<1x!tpu.dma_semaphore, #tpu.memory_space<semaphore_mem>>
        %dma_wait3A_112 = tpu.memref_squeeze %dma_wait3A_111 : memref<1x!tpu.dma_semaphore, #tpu.memory_space<semaphore_mem>> -> memref<!tpu.dma_semaphore, #tpu.memory_space<semaphore_mem>>
        tpu.wait_indirect_dma semaphore(%dma_wait3A_112 : memref<!tpu.dma_semaphore, #tpu.memory_space<semaphore_mem>>) src(%dma_wait3A_110 : memref<10000x128xf32, #tpu.memory_space<hbm>>) dst(%dma_wait3A_104 : memref<50x128xf32, #tpu.memory_space<vmem>>)
        %run_scoped3A = arith.constant 0 : i32
        "tpu.region"() ({
          %run_scoped3A_189 = tpu.sem_alloc : memref<!tpu.dma_semaphore, #tpu.memory_space<semaphore_mem>>
          %dma_start3A_190 = arith.constant 0 : i32
          %dma_start3A_191 = arith.constant 0 : i32
          %dma_start3A_192 = tpu.memref_slice %arg8[%run_scoped3A, %dma_start3A_190, %dma_start3A_191] : memref<4x50x128xf32, #tpu.memory_space<vmem>> -> memref<1x50x128xf32, #tpu.memory_space<vmem>>
          %dma_start3A_193 = tpu.memref_squeeze %dma_start3A_192 : memref<1x50x128xf32, #tpu.memory_space<vmem>> -> memref<50x128xf32, #tpu.memory_space<vmem>>
          %dma_start3A_194 = arith.constant 0 : i32
          %dma_start3A_195 = tpu.memref_slice %arg7[%add3A_99, %dma_start3A_194] : memref<40x50xi32, #tpu.memory_space<vmem>> -> memref<1x50xi32, #tpu.memory_space<vmem>>
          %dma_start3A_196 = tpu.memref_squeeze %dma_start3A_195 : memref<1x50xi32, #tpu.memory_space<vmem>> -> memref<50xi32, #tpu.memory_space<vmem>>
          %dma_start3A_197 = arith.constant 0 : i32
          %dma_start3A_198 = arith.constant 0 : i32
          %dma_start3A_199 = tpu.memref_slice %arg12[%dma_start3A_197, %dma_start3A_198] : memref<10240x128xf32, #tpu.memory_space<vmem_shared>> -> memref<10240x128xf32, #tpu.memory_space<vmem_shared>>
          tpu.enqueue_indirect_dma source(%dma_start3A_193 : memref<50x128xf32, #tpu.memory_space<vmem>>) target(%dma_start3A_199 : memref<10240x128xf32, #tpu.memory_space<vmem_shared>>) offsets(%dma_start3A_196 : memref<50xi32, #tpu.memory_space<vmem>>) semaphore(%run_scoped3A_189 : memref<!tpu.dma_semaphore, #tpu.memory_space<semaphore_mem>>) {add = true}
          %dma_wait3A_200 = arith.constant 0 : i32
          %dma_wait3A_201 = arith.constant 0 : i32
          %dma_wait3A_202 = tpu.memref_slice %arg8[%run_scoped3A, %dma_wait3A_200, %dma_wait3A_201] : memref<4x50x128xf32, #tpu.memory_space<vmem>> -> memref<1x50x128xf32, #tpu.memory_space<vmem>>
          %dma_wait3A_203 = tpu.memref_squeeze %dma_wait3A_202 : memref<1x50x128xf32, #tpu.memory_space<vmem>> -> memref<50x128xf32, #tpu.memory_space<vmem>>
          %dma_wait3A_204 = arith.constant 0 : i32
          %dma_wait3A_205 = tpu.memref_slice %arg7[%add3A_99, %dma_wait3A_204] : memref<40x50xi32, #tpu.memory_space<vmem>> -> memref<1x50xi32, #tpu.memory_space<vmem>>
          %dma_wait3A_206 = tpu.memref_squeeze %dma_wait3A_205 : memref<1x50xi32, #tpu.memory_space<vmem>> -> memref<50xi32, #tpu.memory_space<vmem>>
          %dma_wait3A_207 = arith.constant 0 : i32
          %dma_wait3A_208 = arith.constant 0 : i32
          %dma_wait3A_209 = tpu.memref_slice %arg12[%dma_wait3A_207, %dma_wait3A_208] : memref<10240x128xf32, #tpu.memory_space<vmem_shared>> -> memref<10240x128xf32, #tpu.memory_space<vmem_shared>>
          tpu.wait_indirect_dma semaphore(%run_scoped3A_189 : memref<!tpu.dma_semaphore, #tpu.memory_space<semaphore_mem>>) src(%dma_wait3A_203 : memref<50x128xf32, #tpu.memory_space<vmem>>) dst(%dma_wait3A_209 : memref<10240x128xf32, #tpu.memory_space<vmem_shared>>)
          tpu.yield
        }) : () -> ()
        %add3A_113 = arith.constant 4 : i32
        %add3A_114 = arith.addi %add3A_99, %add3A_113 : i32
        %lt3A = arith.constant 40 : i32
        %lt3A_115 = arith.cmpi slt, %add3A_114, %lt3A : i32
        %convert_element_type3A = arith.extui %lt3A_115 : i1 to i32
        %cond3A = arith.constant 0 : i32
        %cond3A_116 = arith.cmpi ne, %convert_element_type3A, %cond3A : i32
        scf.if %cond3A_116 {
          %add3A_189 = arith.constant 4 : i32
          %add3A_190 = arith.addi %add3A_99, %add3A_189 : i32
          %dma_start3A_191 = arith.constant 0 : i32
          %dma_start3A_192 = arith.constant 0 : i32
          %dma_start3A_193 = arith.constant 0 : i32
          %dma_start3A_194 = arith.constant 0 : i32
          %dma_start3A_195 = tpu.memref_slice %arg8[%dma_start3A_191, %dma_start3A_193, %dma_start3A_194] : memref<4x50x128xf32, #tpu.memory_space<vmem>> -> memref<1x50x128xf32, #tpu.memory_space<vmem>>
          %dma_start3A_196 = tpu.memref_squeeze %dma_start3A_195 : memref<1x50x128xf32, #tpu.memory_space<vmem>> -> memref<50x128xf32, #tpu.memory_space<vmem>>
          %dma_start3A_197 = arith.constant 0 : i32
          %dma_start3A_198 = tpu.memref_slice %arg6[%add3A_190, %dma_start3A_197] : memref<40x50xi32, #tpu.memory_space<vmem>> -> memref<1x50xi32, #tpu.memory_space<vmem>>
          %dma_start3A_199 = tpu.memref_squeeze %dma_start3A_198 : memref<1x50xi32, #tpu.memory_space<vmem>> -> memref<50xi32, #tpu.memory_space<vmem>>
          %dma_start3A_200 = arith.constant 0 : i32
          %dma_start3A_201 = arith.constant 0 : i32
          %dma_start3A_202 = tpu.memref_slice %arg2[%dma_start3A_200, %dma_start3A_201] : memref<10000x128xf32, #tpu.memory_space<hbm>> -> memref<10000x128xf32, #tpu.memory_space<hbm>>
          %dma_start3A_203 = tpu.memref_slice %arg10[%dma_start3A_192] : memref<4x!tpu.dma_semaphore, #tpu.memory_space<semaphore_mem>> -> memref<1x!tpu.dma_semaphore, #tpu.memory_space<semaphore_mem>>
          %dma_start3A_204 = tpu.memref_squeeze %dma_start3A_203 : memref<1x!tpu.dma_semaphore, #tpu.memory_space<semaphore_mem>> -> memref<!tpu.dma_semaphore, #tpu.memory_space<semaphore_mem>>
          tpu.enqueue_indirect_dma source(%dma_start3A_202 : memref<10000x128xf32, #tpu.memory_space<hbm>>) target(%dma_start3A_196 : memref<50x128xf32, #tpu.memory_space<vmem>>) offsets(%dma_start3A_199 : memref<50xi32, #tpu.memory_space<vmem>>) semaphore(%dma_start3A_204 : memref<!tpu.dma_semaphore, #tpu.memory_space<semaphore_mem>>)
        } else {
        }
        %add3A_117 = arith.constant 1 : i32
        %add3A_118 = arith.addi %add3A_97, %add3A_117 : i32
        %dma_wait3A_119 = arith.constant 1 : i32
        %dma_wait3A_120 = arith.constant 1 : i32
        %dma_wait3A_121 = arith.constant 0 : i32
        %dma_wait3A_122 = arith.constant 0 : i32
        %dma_wait3A_123 = tpu.memref_slice %arg8[%dma_wait3A_119, %dma_wait3A_121, %dma_wait3A_122] : memref<4x50x128xf32, #tpu.memory_space<vmem>> -> memref<1x50x128xf32, #tpu.memory_space<vmem>>
        %dma_wait3A_124 = tpu.memref_squeeze %dma_wait3A_123 : memref<1x50x128xf32, #tpu.memory_space<vmem>> -> memref<50x128xf32, #tpu.memory_space<vmem>>
        %dma_wait3A_125 = arith.constant 0 : i32
        %dma_wait3A_126 = tpu.memref_slice %arg6[%add3A_118, %dma_wait3A_125] : memref<40x50xi32, #tpu.memory_space<vmem>> -> memref<1x50xi32, #tpu.memory_space<vmem>>
        %dma_wait3A_127 = tpu.memref_squeeze %dma_wait3A_126 : memref<1x50xi32, #tpu.memory_space<vmem>> -> memref<50xi32, #tpu.memory_space<vmem>>
        %dma_wait3A_128 = arith.constant 0 : i32
        %dma_wait3A_129 = arith.constant 0 : i32
        %dma_wait3A_130 = tpu.memref_slice %arg2[%dma_wait3A_128, %dma_wait3A_129] : memref<10000x128xf32, #tpu.memory_space<hbm>> -> memref<10000x128xf32, #tpu.memory_space<hbm>>
        %dma_wait3A_131 = tpu.memref_slice %arg10[%dma_wait3A_120] : memref<4x!tpu.dma_semaphore, #tpu.memory_space<semaphore_mem>> -> memref<1x!tpu.dma_semaphore, #tpu.memory_space<semaphore_mem>>
        %dma_wait3A_132 = tpu.memref_squeeze %dma_wait3A_131 : memref<1x!tpu.dma_semaphore, #tpu.memory_space<semaphore_mem>> -> memref<!tpu.dma_semaphore, #tpu.memory_space<semaphore_mem>>
        tpu.wait_indirect_dma semaphore(%dma_wait3A_132 : memref<!tpu.dma_semaphore, #tpu.memory_space<semaphore_mem>>) src(%dma_wait3A_130 : memref<10000x128xf32, #tpu.memory_space<hbm>>) dst(%dma_wait3A_124 : memref<50x128xf32, #tpu.memory_space<vmem>>)
        %run_scoped3A_133 = arith.constant 1 : i32
        "tpu.region"() ({
          %run_scoped3A_189 = tpu.sem_alloc : memref<!tpu.dma_semaphore, #tpu.memory_space<semaphore_mem>>
          %dma_start3A_190 = arith.constant 0 : i32
          %dma_start3A_191 = arith.constant 0 : i32
          %dma_start3A_192 = tpu.memref_slice %arg8[%run_scoped3A_133, %dma_start3A_190, %dma_start3A_191] : memref<4x50x128xf32, #tpu.memory_space<vmem>> -> memref<1x50x128xf32, #tpu.memory_space<vmem>>
          %dma_start3A_193 = tpu.memref_squeeze %dma_start3A_192 : memref<1x50x128xf32, #tpu.memory_space<vmem>> -> memref<50x128xf32, #tpu.memory_space<vmem>>
          %dma_start3A_194 = arith.constant 0 : i32
          %dma_start3A_195 = tpu.memref_slice %arg7[%add3A_118, %dma_start3A_194] : memref<40x50xi32, #tpu.memory_space<vmem>> -> memref<1x50xi32, #tpu.memory_space<vmem>>
          %dma_start3A_196 = tpu.memref_squeeze %dma_start3A_195 : memref<1x50xi32, #tpu.memory_space<vmem>> -> memref<50xi32, #tpu.memory_space<vmem>>
          %dma_start3A_197 = arith.constant 0 : i32
          %dma_start3A_198 = arith.constant 0 : i32
          %dma_start3A_199 = tpu.memref_slice %arg12[%dma_start3A_197, %dma_start3A_198] : memref<10240x128xf32, #tpu.memory_space<vmem_shared>> -> memref<10240x128xf32, #tpu.memory_space<vmem_shared>>
          tpu.enqueue_indirect_dma source(%dma_start3A_193 : memref<50x128xf32, #tpu.memory_space<vmem>>) target(%dma_start3A_199 : memref<10240x128xf32, #tpu.memory_space<vmem_shared>>) offsets(%dma_start3A_196 : memref<50xi32, #tpu.memory_space<vmem>>) semaphore(%run_scoped3A_189 : memref<!tpu.dma_semaphore, #tpu.memory_space<semaphore_mem>>) {add = true}
          %dma_wait3A_200 = arith.constant 0 : i32
          %dma_wait3A_201 = arith.constant 0 : i32
          %dma_wait3A_202 = tpu.memref_slice %arg8[%run_scoped3A_133, %dma_wait3A_200, %dma_wait3A_201] : memref<4x50x128xf32, #tpu.memory_space<vmem>> -> memref<1x50x128xf32, #tpu.memory_space<vmem>>
          %dma_wait3A_203 = tpu.memref_squeeze %dma_wait3A_202 : memref<1x50x128xf32, #tpu.memory_space<vmem>> -> memref<50x128xf32, #tpu.memory_space<vmem>>
          %dma_wait3A_204 = arith.constant 0 : i32
          %dma_wait3A_205 = tpu.memref_slice %arg7[%add3A_118, %dma_wait3A_204] : memref<40x50xi32, #tpu.memory_space<vmem>> -> memref<1x50xi32, #tpu.memory_space<vmem>>
          %dma_wait3A_206 = tpu.memref_squeeze %dma_wait3A_205 : memref<1x50xi32, #tpu.memory_space<vmem>> -> memref<50xi32, #tpu.memory_space<vmem>>
          %dma_wait3A_207 = arith.constant 0 : i32
          %dma_wait3A_208 = arith.constant 0 : i32
          %dma_wait3A_209 = tpu.memref_slice %arg12[%dma_wait3A_207, %dma_wait3A_208] : memref<10240x128xf32, #tpu.memory_space<vmem_shared>> -> memref<10240x128xf32, #tpu.memory_space<vmem_shared>>
          tpu.wait_indirect_dma semaphore(%run_scoped3A_189 : memref<!tpu.dma_semaphore, #tpu.memory_space<semaphore_mem>>) src(%dma_wait3A_203 : memref<50x128xf32, #tpu.memory_space<vmem>>) dst(%dma_wait3A_209 : memref<10240x128xf32, #tpu.memory_space<vmem_shared>>)
          tpu.yield
        }) : () -> ()
        %add3A_134 = arith.constant 4 : i32
        %add3A_135 = arith.addi %add3A_118, %add3A_134 : i32
        %lt3A_136 = arith.constant 40 : i32
        %lt3A_137 = arith.cmpi slt, %add3A_135, %lt3A_136 : i32
        %convert_element_type3A_138 = arith.extui %lt3A_137 : i1 to i32
        %cond3A_139 = arith.constant 0 : i32
        %cond3A_140 = arith.cmpi ne, %convert_element_type3A_138, %cond3A_139 : i32
        scf.if %cond3A_140 {
          %add3A_189 = arith.constant 4 : i32
          %add3A_190 = arith.addi %add3A_118, %add3A_189 : i32
          %dma_start3A_191 = arith.constant 1 : i32
          %dma_start3A_192 = arith.constant 1 : i32
          %dma_start3A_193 = arith.constant 0 : i32
          %dma_start3A_194 = arith.constant 0 : i32
          %dma_start3A_195 = tpu.memref_slice %arg8[%dma_start3A_191, %dma_start3A_193, %dma_start3A_194] : memref<4x50x128xf32, #tpu.memory_space<vmem>> -> memref<1x50x128xf32, #tpu.memory_space<vmem>>
          %dma_start3A_196 = tpu.memref_squeeze %dma_start3A_195 : memref<1x50x128xf32, #tpu.memory_space<vmem>> -> memref<50x128xf32, #tpu.memory_space<vmem>>
          %dma_start3A_197 = arith.constant 0 : i32
          %dma_start3A_198 = tpu.memref_slice %arg6[%add3A_190, %dma_start3A_197] : memref<40x50xi32, #tpu.memory_space<vmem>> -> memref<1x50xi32, #tpu.memory_space<vmem>>
          %dma_start3A_199 = tpu.memref_squeeze %dma_start3A_198 : memref<1x50xi32, #tpu.memory_space<vmem>> -> memref<50xi32, #tpu.memory_space<vmem>>
          %dma_start3A_200 = arith.constant 0 : i32
          %dma_start3A_201 = arith.constant 0 : i32
          %dma_start3A_202 = tpu.memref_slice %arg2[%dma_start3A_200, %dma_start3A_201] : memref<10000x128xf32, #tpu.memory_space<hbm>> -> memref<10000x128xf32, #tpu.memory_space<hbm>>
          %dma_start3A_203 = tpu.memref_slice %arg10[%dma_start3A_192] : memref<4x!tpu.dma_semaphore, #tpu.memory_space<semaphore_mem>> -> memref<1x!tpu.dma_semaphore, #tpu.memory_space<semaphore_mem>>
          %dma_start3A_204 = tpu.memref_squeeze %dma_start3A_203 : memref<1x!tpu.dma_semaphore, #tpu.memory_space<semaphore_mem>> -> memref<!tpu.dma_semaphore, #tpu.memory_space<semaphore_mem>>
          tpu.enqueue_indirect_dma source(%dma_start3A_202 : memref<10000x128xf32, #tpu.memory_space<hbm>>) target(%dma_start3A_196 : memref<50x128xf32, #tpu.memory_space<vmem>>) offsets(%dma_start3A_199 : memref<50xi32, #tpu.memory_space<vmem>>) semaphore(%dma_start3A_204 : memref<!tpu.dma_semaphore, #tpu.memory_space<semaphore_mem>>)
        } else {
        }
        %add3A_141 = arith.constant 2 : i32
        %add3A_142 = arith.addi %add3A_97, %add3A_141 : i32
        %dma_wait3A_143 = arith.constant 2 : i32
        %dma_wait3A_144 = arith.constant 2 : i32
        %dma_wait3A_145 = arith.constant 0 : i32
        %dma_wait3A_146 = arith.constant 0 : i32
        %dma_wait3A_147 = tpu.memref_slice %arg8[%dma_wait3A_143, %dma_wait3A_145, %dma_wait3A_146] : memref<4x50x128xf32, #tpu.memory_space<vmem>> -> memref<1x50x128xf32, #tpu.memory_space<vmem>>
        %dma_wait3A_148 = tpu.memref_squeeze %dma_wait3A_147 : memref<1x50x128xf32, #tpu.memory_space<vmem>> -> memref<50x128xf32, #tpu.memory_space<vmem>>
        %dma_wait3A_149 = arith.constant 0 : i32
        %dma_wait3A_150 = tpu.memref_slice %arg6[%add3A_142, %dma_wait3A_149] : memref<40x50xi32, #tpu.memory_space<vmem>> -> memref<1x50xi32, #tpu.memory_space<vmem>>
        %dma_wait3A_151 = tpu.memref_squeeze %dma_wait3A_150 : memref<1x50xi32, #tpu.memory_space<vmem>> -> memref<50xi32, #tpu.memory_space<vmem>>
        %dma_wait3A_152 = arith.constant 0 : i32
        %dma_wait3A_153 = arith.constant 0 : i32
        %dma_wait3A_154 = tpu.memref_slice %arg2[%dma_wait3A_152, %dma_wait3A_153] : memref<10000x128xf32, #tpu.memory_space<hbm>> -> memref<10000x128xf32, #tpu.memory_space<hbm>>
        %dma_wait3A_155 = tpu.memref_slice %arg10[%dma_wait3A_144] : memref<4x!tpu.dma_semaphore, #tpu.memory_space<semaphore_mem>> -> memref<1x!tpu.dma_semaphore, #tpu.memory_space<semaphore_mem>>
        %dma_wait3A_156 = tpu.memref_squeeze %dma_wait3A_155 : memref<1x!tpu.dma_semaphore, #tpu.memory_space<semaphore_mem>> -> memref<!tpu.dma_semaphore, #tpu.memory_space<semaphore_mem>>
        tpu.wait_indirect_dma semaphore(%dma_wait3A_156 : memref<!tpu.dma_semaphore, #tpu.memory_space<semaphore_mem>>) src(%dma_wait3A_154 : memref<10000x128xf32, #tpu.memory_space<hbm>>) dst(%dma_wait3A_148 : memref<50x128xf32, #tpu.memory_space<vmem>>)
        %run_scoped3A_157 = arith.constant 2 : i32
        "tpu.region"() ({
          %run_scoped3A_189 = tpu.sem_alloc : memref<!tpu.dma_semaphore, #tpu.memory_space<semaphore_mem>>
          %dma_start3A_190 = arith.constant 0 : i32
          %dma_start3A_191 = arith.constant 0 : i32
          %dma_start3A_192 = tpu.memref_slice %arg8[%run_scoped3A_157, %dma_start3A_190, %dma_start3A_191] : memref<4x50x128xf32, #tpu.memory_space<vmem>> -> memref<1x50x128xf32, #tpu.memory_space<vmem>>
          %dma_start3A_193 = tpu.memref_squeeze %dma_start3A_192 : memref<1x50x128xf32, #tpu.memory_space<vmem>> -> memref<50x128xf32, #tpu.memory_space<vmem>>
          %dma_start3A_194 = arith.constant 0 : i32
          %dma_start3A_195 = tpu.memref_slice %arg7[%add3A_142, %dma_start3A_194] : memref<40x50xi32, #tpu.memory_space<vmem>> -> memref<1x50xi32, #tpu.memory_space<vmem>>
          %dma_start3A_196 = tpu.memref_squeeze %dma_start3A_195 : memref<1x50xi32, #tpu.memory_space<vmem>> -> memref<50xi32, #tpu.memory_space<vmem>>
          %dma_start3A_197 = arith.constant 0 : i32
          %dma_start3A_198 = arith.constant 0 : i32
          %dma_start3A_199 = tpu.memref_slice %arg12[%dma_start3A_197, %dma_start3A_198] : memref<10240x128xf32, #tpu.memory_space<vmem_shared>> -> memref<10240x128xf32, #tpu.memory_space<vmem_shared>>
          tpu.enqueue_indirect_dma source(%dma_start3A_193 : memref<50x128xf32, #tpu.memory_space<vmem>>) target(%dma_start3A_199 : memref<10240x128xf32, #tpu.memory_space<vmem_shared>>) offsets(%dma_start3A_196 : memref<50xi32, #tpu.memory_space<vmem>>) semaphore(%run_scoped3A_189 : memref<!tpu.dma_semaphore, #tpu.memory_space<semaphore_mem>>) {add = true}
          %dma_wait3A_200 = arith.constant 0 : i32
          %dma_wait3A_201 = arith.constant 0 : i32
          %dma_wait3A_202 = tpu.memref_slice %arg8[%run_scoped3A_157, %dma_wait3A_200, %dma_wait3A_201] : memref<4x50x128xf32, #tpu.memory_space<vmem>> -> memref<1x50x128xf32, #tpu.memory_space<vmem>>
          %dma_wait3A_203 = tpu.memref_squeeze %dma_wait3A_202 : memref<1x50x128xf32, #tpu.memory_space<vmem>> -> memref<50x128xf32, #tpu.memory_space<vmem>>
          %dma_wait3A_204 = arith.constant 0 : i32
          %dma_wait3A_205 = tpu.memref_slice %arg7[%add3A_142, %dma_wait3A_204] : memref<40x50xi32, #tpu.memory_space<vmem>> -> memref<1x50xi32, #tpu.memory_space<vmem>>
          %dma_wait3A_206 = tpu.memref_squeeze %dma_wait3A_205 : memref<1x50xi32, #tpu.memory_space<vmem>> -> memref<50xi32, #tpu.memory_space<vmem>>
          %dma_wait3A_207 = arith.constant 0 : i32
          %dma_wait3A_208 = arith.constant 0 : i32
          %dma_wait3A_209 = tpu.memref_slice %arg12[%dma_wait3A_207, %dma_wait3A_208] : memref<10240x128xf32, #tpu.memory_space<vmem_shared>> -> memref<10240x128xf32, #tpu.memory_space<vmem_shared>>
          tpu.wait_indirect_dma semaphore(%run_scoped3A_189 : memref<!tpu.dma_semaphore, #tpu.memory_space<semaphore_mem>>) src(%dma_wait3A_203 : memref<50x128xf32, #tpu.memory_space<vmem>>) dst(%dma_wait3A_209 : memref<10240x128xf32, #tpu.memory_space<vmem_shared>>)
          tpu.yield
        }) : () -> ()
        %add3A_158 = arith.constant 4 : i32
        %add3A_159 = arith.addi %add3A_142, %add3A_158 : i32
        %lt3A_160 = arith.constant 40 : i32
        %lt3A_161 = arith.cmpi slt, %add3A_159, %lt3A_160 : i32
        %convert_element_type3A_162 = arith.extui %lt3A_161 : i1 to i32
        %cond3A_163 = arith.constant 0 : i32
        %cond3A_164 = arith.cmpi ne, %convert_element_type3A_162, %cond3A_163 : i32
        scf.if %cond3A_164 {
          %add3A_189 = arith.constant 4 : i32
          %add3A_190 = arith.addi %add3A_142, %add3A_189 : i32
          %dma_start3A_191 = arith.constant 2 : i32
          %dma_start3A_192 = arith.constant 2 : i32
          %dma_start3A_193 = arith.constant 0 : i32
          %dma_start3A_194 = arith.constant 0 : i32
          %dma_start3A_195 = tpu.memref_slice %arg8[%dma_start3A_191, %dma_start3A_193, %dma_start3A_194] : memref<4x50x128xf32, #tpu.memory_space<vmem>> -> memref<1x50x128xf32, #tpu.memory_space<vmem>>
          %dma_start3A_196 = tpu.memref_squeeze %dma_start3A_195 : memref<1x50x128xf32, #tpu.memory_space<vmem>> -> memref<50x128xf32, #tpu.memory_space<vmem>>
          %dma_start3A_197 = arith.constant 0 : i32
          %dma_start3A_198 = tpu.memref_slice %arg6[%add3A_190, %dma_start3A_197] : memref<40x50xi32, #tpu.memory_space<vmem>> -> memref<1x50xi32, #tpu.memory_space<vmem>>
          %dma_start3A_199 = tpu.memref_squeeze %dma_start3A_198 : memref<1x50xi32, #tpu.memory_space<vmem>> -> memref<50xi32, #tpu.memory_space<vmem>>
          %dma_start3A_200 = arith.constant 0 : i32
          %dma_start3A_201 = arith.constant 0 : i32
          %dma_start3A_202 = tpu.memref_slice %arg2[%dma_start3A_200, %dma_start3A_201] : memref<10000x128xf32, #tpu.memory_space<hbm>> -> memref<10000x128xf32, #tpu.memory_space<hbm>>
          %dma_start3A_203 = tpu.memref_slice %arg10[%dma_start3A_192] : memref<4x!tpu.dma_semaphore, #tpu.memory_space<semaphore_mem>> -> memref<1x!tpu.dma_semaphore, #tpu.memory_space<semaphore_mem>>
          %dma_start3A_204 = tpu.memref_squeeze %dma_start3A_203 : memref<1x!tpu.dma_semaphore, #tpu.memory_space<semaphore_mem>> -> memref<!tpu.dma_semaphore, #tpu.memory_space<semaphore_mem>>
          tpu.enqueue_indirect_dma source(%dma_start3A_202 : memref<10000x128xf32, #tpu.memory_space<hbm>>) target(%dma_start3A_196 : memref<50x128xf32, #tpu.memory_space<vmem>>) offsets(%dma_start3A_199 : memref<50xi32, #tpu.memory_space<vmem>>) semaphore(%dma_start3A_204 : memref<!tpu.dma_semaphore, #tpu.memory_space<semaphore_mem>>)
        } else {
        }
        %add3A_165 = arith.constant 3 : i32
        %add3A_166 = arith.addi %add3A_97, %add3A_165 : i32
        %dma_wait3A_167 = arith.constant 3 : i32
        %dma_wait3A_168 = arith.constant 3 : i32
        %dma_wait3A_169 = arith.constant 0 : i32
        %dma_wait3A_170 = arith.constant 0 : i32
        %dma_wait3A_171 = tpu.memref_slice %arg8[%dma_wait3A_167, %dma_wait3A_169, %dma_wait3A_170] : memref<4x50x128xf32, #tpu.memory_space<vmem>> -> memref<1x50x128xf32, #tpu.memory_space<vmem>>
        %dma_wait3A_172 = tpu.memref_squeeze %dma_wait3A_171 : memref<1x50x128xf32, #tpu.memory_space<vmem>> -> memref<50x128xf32, #tpu.memory_space<vmem>>
        %dma_wait3A_173 = arith.constant 0 : i32
        %dma_wait3A_174 = tpu.memref_slice %arg6[%add3A_166, %dma_wait3A_173] : memref<40x50xi32, #tpu.memory_space<vmem>> -> memref<1x50xi32, #tpu.memory_space<vmem>>
        %dma_wait3A_175 = tpu.memref_squeeze %dma_wait3A_174 : memref<1x50xi32, #tpu.memory_space<vmem>> -> memref<50xi32, #tpu.memory_space<vmem>>
        %dma_wait3A_176 = arith.constant 0 : i32
        %dma_wait3A_177 = arith.constant 0 : i32
        %dma_wait3A_178 = tpu.memref_slice %arg2[%dma_wait3A_176, %dma_wait3A_177] : memref<10000x128xf32, #tpu.memory_space<hbm>> -> memref<10000x128xf32, #tpu.memory_space<hbm>>
        %dma_wait3A_179 = tpu.memref_slice %arg10[%dma_wait3A_168] : memref<4x!tpu.dma_semaphore, #tpu.memory_space<semaphore_mem>> -> memref<1x!tpu.dma_semaphore, #tpu.memory_space<semaphore_mem>>
        %dma_wait3A_180 = tpu.memref_squeeze %dma_wait3A_179 : memref<1x!tpu.dma_semaphore, #tpu.memory_space<semaphore_mem>> -> memref<!tpu.dma_semaphore, #tpu.memory_space<semaphore_mem>>
        tpu.wait_indirect_dma semaphore(%dma_wait3A_180 : memref<!tpu.dma_semaphore, #tpu.memory_space<semaphore_mem>>) src(%dma_wait3A_178 : memref<10000x128xf32, #tpu.memory_space<hbm>>) dst(%dma_wait3A_172 : memref<50x128xf32, #tpu.memory_space<vmem>>)
        %run_scoped3A_181 = arith.constant 3 : i32
        "tpu.region"() ({
          %run_scoped3A_189 = tpu.sem_alloc : memref<!tpu.dma_semaphore, #tpu.memory_space<semaphore_mem>>
          %dma_start3A_190 = arith.constant 0 : i32
          %dma_start3A_191 = arith.constant 0 : i32
          %dma_start3A_192 = tpu.memref_slice %arg8[%run_scoped3A_181, %dma_start3A_190, %dma_start3A_191] : memref<4x50x128xf32, #tpu.memory_space<vmem>> -> memref<1x50x128xf32, #tpu.memory_space<vmem>>
          %dma_start3A_193 = tpu.memref_squeeze %dma_start3A_192 : memref<1x50x128xf32, #tpu.memory_space<vmem>> -> memref<50x128xf32, #tpu.memory_space<vmem>>
          %dma_start3A_194 = arith.constant 0 : i32
          %dma_start3A_195 = tpu.memref_slice %arg7[%add3A_166, %dma_start3A_194] : memref<40x50xi32, #tpu.memory_space<vmem>> -> memref<1x50xi32, #tpu.memory_space<vmem>>
          %dma_start3A_196 = tpu.memref_squeeze %dma_start3A_195 : memref<1x50xi32, #tpu.memory_space<vmem>> -> memref<50xi32, #tpu.memory_space<vmem>>
          %dma_start3A_197 = arith.constant 0 : i32
          %dma_start3A_198 = arith.constant 0 : i32
          %dma_start3A_199 = tpu.memref_slice %arg12[%dma_start3A_197, %dma_start3A_198] : memref<10240x128xf32, #tpu.memory_space<vmem_shared>> -> memref<10240x128xf32, #tpu.memory_space<vmem_shared>>
          tpu.enqueue_indirect_dma source(%dma_start3A_193 : memref<50x128xf32, #tpu.memory_space<vmem>>) target(%dma_start3A_199 : memref<10240x128xf32, #tpu.memory_space<vmem_shared>>) offsets(%dma_start3A_196 : memref<50xi32, #tpu.memory_space<vmem>>) semaphore(%run_scoped3A_189 : memref<!tpu.dma_semaphore, #tpu.memory_space<semaphore_mem>>) {add = true}
          %dma_wait3A_200 = arith.constant 0 : i32
          %dma_wait3A_201 = arith.constant 0 : i32
          %dma_wait3A_202 = tpu.memref_slice %arg8[%run_scoped3A_181, %dma_wait3A_200, %dma_wait3A_201] : memref<4x50x128xf32, #tpu.memory_space<vmem>> -> memref<1x50x128xf32, #tpu.memory_space<vmem>>
          %dma_wait3A_203 = tpu.memref_squeeze %dma_wait3A_202 : memref<1x50x128xf32, #tpu.memory_space<vmem>> -> memref<50x128xf32, #tpu.memory_space<vmem>>
          %dma_wait3A_204 = arith.constant 0 : i32
          %dma_wait3A_205 = tpu.memref_slice %arg7[%add3A_166, %dma_wait3A_204] : memref<40x50xi32, #tpu.memory_space<vmem>> -> memref<1x50xi32, #tpu.memory_space<vmem>>
          %dma_wait3A_206 = tpu.memref_squeeze %dma_wait3A_205 : memref<1x50xi32, #tpu.memory_space<vmem>> -> memref<50xi32, #tpu.memory_space<vmem>>
          %dma_wait3A_207 = arith.constant 0 : i32
          %dma_wait3A_208 = arith.constant 0 : i32
          %dma_wait3A_209 = tpu.memref_slice %arg12[%dma_wait3A_207, %dma_wait3A_208] : memref<10240x128xf32, #tpu.memory_space<vmem_shared>> -> memref<10240x128xf32, #tpu.memory_space<vmem_shared>>
          tpu.wait_indirect_dma semaphore(%run_scoped3A_189 : memref<!tpu.dma_semaphore, #tpu.memory_space<semaphore_mem>>) src(%dma_wait3A_203 : memref<50x128xf32, #tpu.memory_space<vmem>>) dst(%dma_wait3A_209 : memref<10240x128xf32, #tpu.memory_space<vmem_shared>>)
          tpu.yield
        }) : () -> ()
        %add3A_182 = arith.constant 4 : i32
        %add3A_183 = arith.addi %add3A_166, %add3A_182 : i32
        %lt3A_184 = arith.constant 40 : i32
        %lt3A_185 = arith.cmpi slt, %add3A_183, %lt3A_184 : i32
        %convert_element_type3A_186 = arith.extui %lt3A_185 : i1 to i32
        %cond3A_187 = arith.constant 0 : i32
        %cond3A_188 = arith.cmpi ne, %convert_element_type3A_186, %cond3A_187 : i32
        scf.if %cond3A_188 {
          %add3A_189 = arith.constant 4 : i32
          %add3A_190 = arith.addi %add3A_166, %add3A_189 : i32
          %dma_start3A_191 = arith.constant 3 : i32
          %dma_start3A_192 = arith.constant 3 : i32
          %dma_start3A_193 = arith.constant 0 : i32
          %dma_start3A_194 = arith.constant 0 : i32
          %dma_start3A_195 = tpu.memref_slice %arg8[%dma_start3A_191, %dma_start3A_193, %dma_start3A_194] : memref<4x50x128xf32, #tpu.memory_space<vmem>> -> memref<1x50x128xf32, #tpu.memory_space<vmem>>
          %dma_start3A_196 = tpu.memref_squeeze %dma_start3A_195 : memref<1x50x128xf32, #tpu.memory_space<vmem>> -> memref<50x128xf32, #tpu.memory_space<vmem>>
          %dma_start3A_197 = arith.constant 0 : i32
          %dma_start3A_198 = tpu.memref_slice %arg6[%add3A_190, %dma_start3A_197] : memref<40x50xi32, #tpu.memory_space<vmem>> -> memref<1x50xi32, #tpu.memory_space<vmem>>
          %dma_start3A_199 = tpu.memref_squeeze %dma_start3A_198 : memref<1x50xi32, #tpu.memory_space<vmem>> -> memref<50xi32, #tpu.memory_space<vmem>>
          %dma_start3A_200 = arith.constant 0 : i32
          %dma_start3A_201 = arith.constant 0 : i32
          %dma_start3A_202 = tpu.memref_slice %arg2[%dma_start3A_200, %dma_start3A_201] : memref<10000x128xf32, #tpu.memory_space<hbm>> -> memref<10000x128xf32, #tpu.memory_space<hbm>>
          %dma_start3A_203 = tpu.memref_slice %arg10[%dma_start3A_192] : memref<4x!tpu.dma_semaphore, #tpu.memory_space<semaphore_mem>> -> memref<1x!tpu.dma_semaphore, #tpu.memory_space<semaphore_mem>>
          %dma_start3A_204 = tpu.memref_squeeze %dma_start3A_203 : memref<1x!tpu.dma_semaphore, #tpu.memory_space<semaphore_mem>> -> memref<!tpu.dma_semaphore, #tpu.memory_space<semaphore_mem>>
          tpu.enqueue_indirect_dma source(%dma_start3A_202 : memref<10000x128xf32, #tpu.memory_space<hbm>>) target(%dma_start3A_196 : memref<50x128xf32, #tpu.memory_space<vmem>>) offsets(%dma_start3A_199 : memref<50xi32, #tpu.memory_space<vmem>>) semaphore(%dma_start3A_204 : memref<!tpu.dma_semaphore, #tpu.memory_space<semaphore_mem>>)
        } else {
        }
      }
      %scan3A_92 = arith.constant 10 : i32
    }
    %scan3A_17 = arith.constant 5 : i32
    %barrier3A_18 = arith.constant 0 : index
    tpu.barrier barrier_id(%barrier3A_18)
    %scan3A_19 = arith.constant 0 : i32
    %scan3A_20 = arith.constant 5 : i32
    %scan3A_21 = arith.addi %scan3A_19, %scan3A_20 : i32
    %scan3A_22 = arith.constant 1 : i32
    scf.for %scan3A_24 = %scan3A_19 to %scan3A_21 step %scan3A_22  : i32 {
      %mul3A_25 = arith.constant 1 : i32
      %mul3A_26 = arith.muli %scan3A_24, %mul3A_25 : i32
      %add3A_27 = arith.constant 0 : i32
      %add3A_28 = arith.addi %add3A_27, %mul3A_26 : i32
      %mul3A_29 = arith.constant 128 : i32
      %mul3A_30 = arith.muli %add3A_28, %mul3A_29 : i32
      %add3A_31 = arith.addi %mul3A_7, %mul3A_30 : i32
      "tpu.region"() ({
        %run_scoped3A = tpu.sem_alloc : memref<!tpu.dma_semaphore, #tpu.memory_space<semaphore_mem>>
        %dma_start3A = arith.constant 0 : i32
        %dma_start3A_32 = tpu.memref_slice %arg5[%arg0, %add3A_31, %dma_start3A] : memref<2x10240x128xf32, #tpu.memory_space<hbm>> -> memref<1x128x128xf32, #tpu.memory_space<hbm>>
        %dma_start3A_33 = tpu.memref_squeeze %dma_start3A_32 : memref<1x128x128xf32, #tpu.memory_space<hbm>> -> memref<128x128xf32, #tpu.memory_space<hbm>>
        %dma_start3A_34 = arith.constant 0 : i32
        %dma_start3A_35 = tpu.memref_slice %arg12[%add3A_31, %dma_start3A_34] : memref<10240x128xf32, #tpu.memory_space<vmem_shared>> -> memref<128x128xf32, #tpu.memory_space<vmem_shared>>
        tpu.enqueue_dma source(%dma_start3A_35 : memref<128x128xf32, #tpu.memory_space<vmem_shared>>) target(%dma_start3A_33 : memref<128x128xf32, #tpu.memory_space<hbm>>) target_semaphore(%run_scoped3A : memref<!tpu.dma_semaphore, #tpu.memory_space<semaphore_mem>>)
        %dma_wait3A = arith.constant 0 : i32
        %dma_wait3A_36 = tpu.memref_slice %arg5[%arg0, %add3A_31, %dma_wait3A] : memref<2x10240x128xf32, #tpu.memory_space<hbm>> -> memref<1x128x128xf32, #tpu.memory_space<hbm>>
        %dma_wait3A_37 = tpu.memref_squeeze %dma_wait3A_36 : memref<1x128x128xf32, #tpu.memory_space<hbm>> -> memref<128x128xf32, #tpu.memory_space<hbm>>
        %dma_wait3A_38 = arith.constant 0 : i32
        %dma_wait3A_39 = tpu.memref_slice %arg12[%add3A_31, %dma_wait3A_38] : memref<10240x128xf32, #tpu.memory_space<vmem_shared>> -> memref<128x128xf32, #tpu.memory_space<vmem_shared>>
        tpu.wait_dma2 semaphore(%run_scoped3A : memref<!tpu.dma_semaphore, #tpu.memory_space<semaphore_mem>>) src(%dma_wait3A_39 : memref<128x128xf32, #tpu.memory_space<vmem_shared>>) dst(%dma_wait3A_37 : memref<128x128xf32, #tpu.memory_space<hbm>>)
        tpu.yield
      }) : () -> ()
    }
    %scan3A_23 = arith.constant 5 : i32
    return
  }
}

#map = affine_map<(d0, d1) -> (0, 0)>
#map1 = affine_map<(d0, d1) -> (0, 0, 0, 0)>
#map2 = affine_map<(d0, d1) -> (0, 0, 0)>
module attributes {stable_mosaic.version = 14 : i64} {
  func.func @agg_k(%arg0: i32, %arg1: i32, %arg2: memref<10000x128xf32, #tpu.memory_space<hbm>>, %arg3: memref<32x5x40x50xi32, #tpu.memory_space<hbm>>, %arg4: memref<32x5x40x50xi32, #tpu.memory_space<hbm>>, %arg5: memref<2x10240x128xf32, #tpu.memory_space<hbm>>, %arg6: memref<40x50xi32, #tpu.memory_space<vmem>>, %arg7: memref<40x50xi32, #tpu.memory_space<vmem>>, %arg8: memref<4x50x128xf32, #tpu.memory_space<vmem>>, %arg9: memref<32x128xf32, #tpu.memory_space<vmem>>, %arg10: memref<4x!tpu.dma_semaphore, #tpu.memory_space<semaphore_mem>>, %arg11: memref<4x!tpu.dma_semaphore, #tpu.memory_space<semaphore_mem>>, %arg12: memref<10240x128xf32, #tpu.memory_space<vmem_shared>>) attributes {dimension_semantics = [#tpu.dimension_semantics<core_parallel>, #tpu.dimension_semantics<subcore_parallel>], iteration_bounds = array<i64: 2, 16>, scalar_prefetch = 0 : i64, scratch_operands = 7 : i64, tpu.core_type = #tpu.core_type<sc_vector_subcore>, window_params = [{transform_indices = #map}, {transform_indices = #map1}, {transform_indices = #map1}, {transform_indices = #map2}]} {
    %mul3A = arith.constant 2 : i32
    %mul3A_0 = arith.muli %arg1, %mul3A : i32
    %add3A = arith.addi %mul3A_0, %arg0 : i32
    %broadcast_in_dim3A = arith.constant 0.000000e+00 : f32
    %broadcast_in_dim3A_1 = vector.broadcast %broadcast_in_dim3A : f32 to vector<16xf32>
    %scan3A = arith.constant 0 : i32
    %scan3A_2 = arith.constant 32 : i32
    %scan3A_3 = arith.addi %scan3A, %scan3A_2 : i32
    %scan3A_4 = arith.constant 1 : i32
    scf.for %scan3A_24 = %scan3A to %scan3A_3 step %scan3A_4  : i32 {
      %mul3A_25 = arith.constant 1 : i32
      %mul3A_26 = arith.muli %scan3A_24, %mul3A_25 : i32
      %add3A_27 = arith.constant 0 : i32
      %add3A_28 = arith.addi %add3A_27, %mul3A_26 : i32
      %scan3A_29 = arith.constant 0 : i32
      %scan3A_30 = arith.constant 8 : i32
      %scan3A_31 = arith.addi %scan3A_29, %scan3A_30 : i32
      %scan3A_32 = arith.constant 1 : i32
      scf.for %scan3A_34 = %scan3A_29 to %scan3A_31 step %scan3A_32  : i32 {
        %mul3A_35 = arith.constant 1 : i32
        %mul3A_36 = arith.muli %scan3A_34, %mul3A_35 : i32
        %add3A_37 = arith.constant 0 : i32
        %add3A_38 = arith.addi %add3A_37, %mul3A_36 : i32
        %mul3A_39 = arith.constant 16 : i32
        %mul3A_40 = arith.muli %add3A_38, %mul3A_39 : i32
        %swap3A = arith.index_cast %add3A_28 : i32 to index
        %swap3A_41 = arith.index_cast %mul3A_40 : i32 to index
        %swap3A_42 = tpu.vector_load %arg9[%swap3A, %swap3A_41] {strides = array<i32>} : memref<32x128xf32, #tpu.memory_space<vmem>>, vector<1x16xf32>,
        %swap3A_43 = vector.shape_cast %swap3A_42 : vector<1x16xf32> to vector<16xf32>
        %swap3A_44 = vector.shape_cast %broadcast_in_dim3A_1 : vector<16xf32> to vector<1x16xf32>
        tpu.vector_store %arg9[%swap3A, %swap3A_41], %swap3A_44 {strides = array<i32>} : memref<32x128xf32, #tpu.memory_space<vmem>>, vector<1x16xf32>,
      }
      %scan3A_33 = arith.constant 8 : i32
    }
    %scan3A_5 = arith.constant 32 : i32
    %mul3A_6 = arith.constant 640 : i32
    %mul3A_7 = arith.muli %arg1, %mul3A_6 : i32
    %scan3A_8 = arith.constant 0 : i32
    %scan3A_9 = arith.constant 20 : i32
    %scan3A_10 = arith.addi %scan3A_8, %scan3A_9 : i32
    %scan3A_11 = arith.constant 1 : i32
    scf.for %scan3A_24 = %scan3A_8 to %scan3A_10 step %scan3A_11  : i32 {
      %mul3A_25 = arith.constant 1 : i32
      %mul3A_26 = arith.muli %scan3A_24, %mul3A_25 : i32
      %add3A_27 = arith.constant 0 : i32
      %add3A_28 = arith.addi %add3A_27, %mul3A_26 : i32
      %mul3A_29 = arith.constant 32 : i32
      %mul3A_30 = arith.muli %add3A_28, %mul3A_29 : i32
      %add3A_31 = arith.addi %mul3A_7, %mul3A_30 : i32
      "tpu.region"() ({
        %run_scoped3A = tpu.sem_alloc : memref<!tpu.dma_semaphore, #tpu.memory_space<semaphore_mem>>
        %dma_start3A = arith.constant 0 : i32
        %dma_start3A_32 = tpu.memref_slice %arg12[%add3A_31, %dma_start3A] : memref<10240x128xf32, #tpu.memory_space<vmem_shared>> -> memref<32x128xf32, #tpu.memory_space<vmem_shared>>
        %dma_start3A_33 = arith.constant 0 : i32
        %dma_start3A_34 = tpu.memref_slice %arg12[%add3A_31, %dma_start3A_33] : memref<10240x128xf32, #tpu.memory_space<vmem_shared>> -> memref<32x128xf32, #tpu.memory_space<vmem_shared>>
        tpu.enqueue_dma source(%arg9 : memref<32x128xf32, #tpu.memory_space<vmem>>) target(%dma_start3A_34 : memref<32x128xf32, #tpu.memory_space<vmem_shared>>) target_semaphore(%run_scoped3A : memref<!tpu.dma_semaphore, #tpu.memory_space<semaphore_mem>>)
        %dma_wait3A = arith.constant 0 : i32
        %dma_wait3A_35 = tpu.memref_slice %arg12[%add3A_31, %dma_wait3A] : memref<10240x128xf32, #tpu.memory_space<vmem_shared>> -> memref<32x128xf32, #tpu.memory_space<vmem_shared>>
        %dma_wait3A_36 = arith.constant 0 : i32
        %dma_wait3A_37 = tpu.memref_slice %arg12[%add3A_31, %dma_wait3A_36] : memref<10240x128xf32, #tpu.memory_space<vmem_shared>> -> memref<32x128xf32, #tpu.memory_space<vmem_shared>>
        tpu.wait_dma2 semaphore(%run_scoped3A : memref<!tpu.dma_semaphore, #tpu.memory_space<semaphore_mem>>) src(%arg9 : memref<32x128xf32, #tpu.memory_space<vmem>>) dst(%dma_wait3A_37 : memref<32x128xf32, #tpu.memory_space<vmem_shared>>)
        tpu.yield
      }) : () -> ()
    }
    %scan3A_12 = arith.constant 20 : i32
    %barrier3A = arith.constant 0 : index
    tpu.barrier barrier_id(%barrier3A)
    %scan3A_13 = arith.constant 0 : i32
    %scan3A_14 = arith.constant 5 : i32
    %scan3A_15 = arith.addi %scan3A_13, %scan3A_14 : i32
    %scan3A_16 = arith.constant 1 : i32
    scf.for %scan3A_24 = %scan3A_13 to %scan3A_15 step %scan3A_16  : i32 {
      %mul3A_25 = arith.constant 1 : i32
      %mul3A_26 = arith.muli %scan3A_24, %mul3A_25 : i32
      %add3A_27 = arith.constant 0 : i32
      %add3A_28 = arith.addi %add3A_27, %mul3A_26 : i32
      "tpu.region"() ({
        %run_scoped3A = tpu.sem_alloc : memref<!tpu.dma_semaphore, #tpu.memory_space<semaphore_mem>>
        %dma_start3A_93 = arith.constant 0 : i32
        %dma_start3A_94 = arith.constant 0 : i32
        %dma_start3A_95 = tpu.memref_slice %arg3[%add3A, %add3A_28, %dma_start3A_93, %dma_start3A_94] : memref<32x5x40x50xi32, #tpu.memory_space<hbm>> -> memref<1x1x40x50xi32, #tpu.memory_space<hbm>>
        %dma_start3A_96 = tpu.memref_squeeze %dma_start3A_95 : memref<1x1x40x50xi32, #tpu.memory_space<hbm>> -> memref<40x50xi32, #tpu.memory_space<hbm>>
        %dma_start3A_97 = arith.constant 0 : i32
        %dma_start3A_98 = arith.constant 0 : i32
        %dma_start3A_99 = tpu.memref_slice %arg3[%add3A, %add3A_28, %dma_start3A_97, %dma_start3A_98] : memref<32x5x40x50xi32, #tpu.memory_space<hbm>> -> memref<1x1x40x50xi32, #tpu.memory_space<hbm>>
        %dma_start3A_100 = tpu.memref_squeeze %dma_start3A_99 : memref<1x1x40x50xi32, #tpu.memory_space<hbm>> -> memref<40x50xi32, #tpu.memory_space<hbm>>
        tpu.enqueue_dma source(%dma_start3A_100 : memref<40x50xi32, #tpu.memory_space<hbm>>) target(%arg6 : memref<40x50xi32, #tpu.memory_space<vmem>>) target_semaphore(%run_scoped3A : memref<!tpu.dma_semaphore, #tpu.memory_space<semaphore_mem>>)
        %dma_wait3A = arith.constant 0 : i32
        %dma_wait3A_101 = arith.constant 0 : i32
        %dma_wait3A_102 = tpu.memref_slice %arg3[%add3A, %add3A_28, %dma_wait3A, %dma_wait3A_101] : memref<32x5x40x50xi32, #tpu.memory_space<hbm>> -> memref<1x1x40x50xi32, #tpu.memory_space<hbm>>
        %dma_wait3A_103 = tpu.memref_squeeze %dma_wait3A_102 : memref<1x1x40x50xi32, #tpu.memory_space<hbm>> -> memref<40x50xi32, #tpu.memory_space<hbm>>
        %dma_wait3A_104 = arith.constant 0 : i32
        %dma_wait3A_105 = arith.constant 0 : i32
        %dma_wait3A_106 = tpu.memref_slice %arg3[%add3A, %add3A_28, %dma_wait3A_104, %dma_wait3A_105] : memref<32x5x40x50xi32, #tpu.memory_space<hbm>> -> memref<1x1x40x50xi32, #tpu.memory_space<hbm>>
        %dma_wait3A_107 = tpu.memref_squeeze %dma_wait3A_106 : memref<1x1x40x50xi32, #tpu.memory_space<hbm>> -> memref<40x50xi32, #tpu.memory_space<hbm>>
        tpu.wait_dma2 semaphore(%run_scoped3A : memref<!tpu.dma_semaphore, #tpu.memory_space<semaphore_mem>>) src(%dma_wait3A_107 : memref<40x50xi32, #tpu.memory_space<hbm>>) dst(%arg6 : memref<40x50xi32, #tpu.memory_space<vmem>>)
        tpu.yield
      }) : () -> ()
      "tpu.region"() ({
        %run_scoped3A = tpu.sem_alloc : memref<!tpu.dma_semaphore, #tpu.memory_space<semaphore_mem>>
        %dma_start3A_93 = arith.constant 0 : i32
        %dma_start3A_94 = arith.constant 0 : i32
        %dma_start3A_95 = tpu.memref_slice %arg4[%add3A, %add3A_28, %dma_start3A_93, %dma_start3A_94] : memref<32x5x40x50xi32, #tpu.memory_space<hbm>> -> memref<1x1x40x50xi32, #tpu.memory_space<hbm>>
        %dma_start3A_96 = tpu.memref_squeeze %dma_start3A_95 : memref<1x1x40x50xi32, #tpu.memory_space<hbm>> -> memref<40x50xi32, #tpu.memory_space<hbm>>
        %dma_start3A_97 = arith.constant 0 : i32
        %dma_start3A_98 = arith.constant 0 : i32
        %dma_start3A_99 = tpu.memref_slice %arg4[%add3A, %add3A_28, %dma_start3A_97, %dma_start3A_98] : memref<32x5x40x50xi32, #tpu.memory_space<hbm>> -> memref<1x1x40x50xi32, #tpu.memory_space<hbm>>
        %dma_start3A_100 = tpu.memref_squeeze %dma_start3A_99 : memref<1x1x40x50xi32, #tpu.memory_space<hbm>> -> memref<40x50xi32, #tpu.memory_space<hbm>>
        tpu.enqueue_dma source(%dma_start3A_100 : memref<40x50xi32, #tpu.memory_space<hbm>>) target(%arg7 : memref<40x50xi32, #tpu.memory_space<vmem>>) target_semaphore(%run_scoped3A : memref<!tpu.dma_semaphore, #tpu.memory_space<semaphore_mem>>)
        %dma_wait3A = arith.constant 0 : i32
        %dma_wait3A_101 = arith.constant 0 : i32
        %dma_wait3A_102 = tpu.memref_slice %arg4[%add3A, %add3A_28, %dma_wait3A, %dma_wait3A_101] : memref<32x5x40x50xi32, #tpu.memory_space<hbm>> -> memref<1x1x40x50xi32, #tpu.memory_space<hbm>>
        %dma_wait3A_103 = tpu.memref_squeeze %dma_wait3A_102 : memref<1x1x40x50xi32, #tpu.memory_space<hbm>> -> memref<40x50xi32, #tpu.memory_space<hbm>>
        %dma_wait3A_104 = arith.constant 0 : i32
        %dma_wait3A_105 = arith.constant 0 : i32
        %dma_wait3A_106 = tpu.memref_slice %arg4[%add3A, %add3A_28, %dma_wait3A_104, %dma_wait3A_105] : memref<32x5x40x50xi32, #tpu.memory_space<hbm>> -> memref<1x1x40x50xi32, #tpu.memory_space<hbm>>
        %dma_wait3A_107 = tpu.memref_squeeze %dma_wait3A_106 : memref<1x1x40x50xi32, #tpu.memory_space<hbm>> -> memref<40x50xi32, #tpu.memory_space<hbm>>
        tpu.wait_dma2 semaphore(%run_scoped3A : memref<!tpu.dma_semaphore, #tpu.memory_space<semaphore_mem>>) src(%dma_wait3A_107 : memref<40x50xi32, #tpu.memory_space<hbm>>) dst(%arg7 : memref<40x50xi32, #tpu.memory_space<vmem>>)
        tpu.yield
      }) : () -> ()
      %dma_start3A = arith.constant 0 : i32
      %dma_start3A_29 = arith.constant 0 : i32
      %dma_start3A_30 = arith.constant 0 : i32
      %dma_start3A_31 = arith.constant 0 : i32
      %dma_start3A_32 = arith.constant 0 : i32
      %dma_start3A_33 = tpu.memref_slice %arg8[%dma_start3A_29, %dma_start3A_31, %dma_start3A_32] : memref<4x50x128xf32, #tpu.memory_space<vmem>> -> memref<1x50x128xf32, #tpu.memory_space<vmem>>
      %dma_start3A_34 = tpu.memref_squeeze %dma_start3A_33 : memref<1x50x128xf32, #tpu.memory_space<vmem>> -> memref<50x128xf32, #tpu.memory_space<vmem>>
      %dma_start3A_35 = arith.constant 0 : i32
      %dma_start3A_36 = tpu.memref_slice %arg6[%dma_start3A, %dma_start3A_35] : memref<40x50xi32, #tpu.memory_space<vmem>> -> memref<1x50xi32, #tpu.memory_space<vmem>>
      %dma_start3A_37 = tpu.memref_squeeze %dma_start3A_36 : memref<1x50xi32, #tpu.memory_space<vmem>> -> memref<50xi32, #tpu.memory_space<vmem>>
      %dma_start3A_38 = arith.constant 0 : i32
      %dma_start3A_39 = arith.constant 0 : i32
      %dma_start3A_40 = tpu.memref_slice %arg2[%dma_start3A_38, %dma_start3A_39] : memref<10000x128xf32, #tpu.memory_space<hbm>> -> memref<10000x128xf32, #tpu.memory_space<hbm>>
      %dma_start3A_41 = tpu.memref_slice %arg10[%dma_start3A_30] : memref<4x!tpu.dma_semaphore, #tpu.memory_space<semaphore_mem>> -> memref<1x!tpu.dma_semaphore, #tpu.memory_space<semaphore_mem>>
      %dma_start3A_42 = tpu.memref_squeeze %dma_start3A_41 : memref<1x!tpu.dma_semaphore, #tpu.memory_space<semaphore_mem>> -> memref<!tpu.dma_semaphore, #tpu.memory_space<semaphore_mem>>
      tpu.enqueue_indirect_dma source(%dma_start3A_40 : memref<10000x128xf32, #tpu.memory_space<hbm>>) target(%dma_start3A_34 : memref<50x128xf32, #tpu.memory_space<vmem>>) offsets(%dma_start3A_37 : memref<50xi32, #tpu.memory_space<vmem>>) semaphore(%dma_start3A_42 : memref<!tpu.dma_semaphore, #tpu.memory_space<semaphore_mem>>)
      %dma_start3A_43 = arith.constant 1 : i32
      %dma_start3A_44 = arith.constant 1 : i32
      %dma_start3A_45 = arith.constant 1 : i32
      %dma_start3A_46 = arith.constant 0 : i32
      %dma_start3A_47 = arith.constant 0 : i32
      %dma_start3A_48 = tpu.memref_slice %arg8[%dma_start3A_44, %dma_start3A_46, %dma_start3A_47] : memref<4x50x128xf32, #tpu.memory_space<vmem>> -> memref<1x50x128xf32, #tpu.memory_space<vmem>>
      %dma_start3A_49 = tpu.memref_squeeze %dma_start3A_48 : memref<1x50x128xf32, #tpu.memory_space<vmem>> -> memref<50x128xf32, #tpu.memory_space<vmem>>
      %dma_start3A_50 = arith.constant 0 : i32
      %dma_start3A_51 = tpu.memref_slice %arg6[%dma_start3A_43, %dma_start3A_50] : memref<40x50xi32, #tpu.memory_space<vmem>> -> memref<1x50xi32, #tpu.memory_space<vmem>>
      %dma_start3A_52 = tpu.memref_squeeze %dma_start3A_51 : memref<1x50xi32, #tpu.memory_space<vmem>> -> memref<50xi32, #tpu.memory_space<vmem>>
      %dma_start3A_53 = arith.constant 0 : i32
      %dma_start3A_54 = arith.constant 0 : i32
      %dma_start3A_55 = tpu.memref_slice %arg2[%dma_start3A_53, %dma_start3A_54] : memref<10000x128xf32, #tpu.memory_space<hbm>> -> memref<10000x128xf32, #tpu.memory_space<hbm>>
      %dma_start3A_56 = tpu.memref_slice %arg10[%dma_start3A_45] : memref<4x!tpu.dma_semaphore, #tpu.memory_space<semaphore_mem>> -> memref<1x!tpu.dma_semaphore, #tpu.memory_space<semaphore_mem>>
      %dma_start3A_57 = tpu.memref_squeeze %dma_start3A_56 : memref<1x!tpu.dma_semaphore, #tpu.memory_space<semaphore_mem>> -> memref<!tpu.dma_semaphore, #tpu.memory_space<semaphore_mem>>
      tpu.enqueue_indirect_dma source(%dma_start3A_55 : memref<10000x128xf32, #tpu.memory_space<hbm>>) target(%dma_start3A_49 : memref<50x128xf32, #tpu.memory_space<vmem>>) offsets(%dma_start3A_52 : memref<50xi32, #tpu.memory_space<vmem>>) semaphore(%dma_start3A_57 : memref<!tpu.dma_semaphore, #tpu.memory_space<semaphore_mem>>)
      %dma_start3A_58 = arith.constant 2 : i32
      %dma_start3A_59 = arith.constant 2 : i32
      %dma_start3A_60 = arith.constant 2 : i32
      %dma_start3A_61 = arith.constant 0 : i32
      %dma_start3A_62 = arith.constant 0 : i32
      %dma_start3A_63 = tpu.memref_slice %arg8[%dma_start3A_59, %dma_start3A_61, %dma_start3A_62] : memref<4x50x128xf32, #tpu.memory_space<vmem>> -> memref<1x50x128xf32, #tpu.memory_space<vmem>>
      %dma_start3A_64 = tpu.memref_squeeze %dma_start3A_63 : memref<1x50x128xf32, #tpu.memory_space<vmem>> -> memref<50x128xf32, #tpu.memory_space<vmem>>
      %dma_start3A_65 = arith.constant 0 : i32
      %dma_start3A_66 = tpu.memref_slice %arg6[%dma_start3A_58, %dma_start3A_65] : memref<40x50xi32, #tpu.memory_space<vmem>> -> memref<1x50xi32, #tpu.memory_space<vmem>>
      %dma_start3A_67 = tpu.memref_squeeze %dma_start3A_66 : memref<1x50xi32, #tpu.memory_space<vmem>> -> memref<50xi32, #tpu.memory_space<vmem>>
      %dma_start3A_68 = arith.constant 0 : i32
      %dma_start3A_69 = arith.constant 0 : i32
      %dma_start3A_70 = tpu.memref_slice %arg2[%dma_start3A_68, %dma_start3A_69] : memref<10000x128xf32, #tpu.memory_space<hbm>> -> memref<10000x128xf32, #tpu.memory_space<hbm>>
      %dma_start3A_71 = tpu.memref_slice %arg10[%dma_start3A_60] : memref<4x!tpu.dma_semaphore, #tpu.memory_space<semaphore_mem>> -> memref<1x!tpu.dma_semaphore, #tpu.memory_space<semaphore_mem>>
      %dma_start3A_72 = tpu.memref_squeeze %dma_start3A_71 : memref<1x!tpu.dma_semaphore, #tpu.memory_space<semaphore_mem>> -> memref<!tpu.dma_semaphore, #tpu.memory_space<semaphore_mem>>
      tpu.enqueue_indirect_dma source(%dma_start3A_70 : memref<10000x128xf32, #tpu.memory_space<hbm>>) target(%dma_start3A_64 : memref<50x128xf32, #tpu.memory_space<vmem>>) offsets(%dma_start3A_67 : memref<50xi32, #tpu.memory_space<vmem>>) semaphore(%dma_start3A_72 : memref<!tpu.dma_semaphore, #tpu.memory_space<semaphore_mem>>)
      %dma_start3A_73 = arith.constant 3 : i32
      %dma_start3A_74 = arith.constant 3 : i32
      %dma_start3A_75 = arith.constant 3 : i32
      %dma_start3A_76 = arith.constant 0 : i32
      %dma_start3A_77 = arith.constant 0 : i32
      %dma_start3A_78 = tpu.memref_slice %arg8[%dma_start3A_74, %dma_start3A_76, %dma_start3A_77] : memref<4x50x128xf32, #tpu.memory_space<vmem>> -> memref<1x50x128xf32, #tpu.memory_space<vmem>>
      %dma_start3A_79 = tpu.memref_squeeze %dma_start3A_78 : memref<1x50x128xf32, #tpu.memory_space<vmem>> -> memref<50x128xf32, #tpu.memory_space<vmem>>
      %dma_start3A_80 = arith.constant 0 : i32
      %dma_start3A_81 = tpu.memref_slice %arg6[%dma_start3A_73, %dma_start3A_80] : memref<40x50xi32, #tpu.memory_space<vmem>> -> memref<1x50xi32, #tpu.memory_space<vmem>>
      %dma_start3A_82 = tpu.memref_squeeze %dma_start3A_81 : memref<1x50xi32, #tpu.memory_space<vmem>> -> memref<50xi32, #tpu.memory_space<vmem>>
      %dma_start3A_83 = arith.constant 0 : i32
      %dma_start3A_84 = arith.constant 0 : i32
      %dma_start3A_85 = tpu.memref_slice %arg2[%dma_start3A_83, %dma_start3A_84] : memref<10000x128xf32, #tpu.memory_space<hbm>> -> memref<10000x128xf32, #tpu.memory_space<hbm>>
      %dma_start3A_86 = tpu.memref_slice %arg10[%dma_start3A_75] : memref<4x!tpu.dma_semaphore, #tpu.memory_space<semaphore_mem>> -> memref<1x!tpu.dma_semaphore, #tpu.memory_space<semaphore_mem>>
      %dma_start3A_87 = tpu.memref_squeeze %dma_start3A_86 : memref<1x!tpu.dma_semaphore, #tpu.memory_space<semaphore_mem>> -> memref<!tpu.dma_semaphore, #tpu.memory_space<semaphore_mem>>
      tpu.enqueue_indirect_dma source(%dma_start3A_85 : memref<10000x128xf32, #tpu.memory_space<hbm>>) target(%dma_start3A_79 : memref<50x128xf32, #tpu.memory_space<vmem>>) offsets(%dma_start3A_82 : memref<50xi32, #tpu.memory_space<vmem>>) semaphore(%dma_start3A_87 : memref<!tpu.dma_semaphore, #tpu.memory_space<semaphore_mem>>)
      %scan3A_88 = arith.constant 0 : i32
      %scan3A_89 = arith.constant 10 : i32
      %scan3A_90 = arith.addi %scan3A_88, %scan3A_89 : i32
      %scan3A_91 = arith.constant 1 : i32
      scf.for %scan3A_93 = %scan3A_88 to %scan3A_90 step %scan3A_91  : i32 {
        %mul3A_94 = arith.constant 4 : i32
        %mul3A_95 = arith.muli %scan3A_93, %mul3A_94 : i32
        %add3A_96 = arith.constant 0 : i32
        %add3A_97 = arith.addi %add3A_96, %mul3A_95 : i32
        %add3A_98 = arith.constant 0 : i32
        %add3A_99 = arith.addi %add3A_97, %add3A_98 : i32
        %dma_wait3A = arith.constant 0 : i32
        %dma_wait3A_100 = arith.constant 0 : i32
        %dma_wait3A_101 = arith.constant 0 : i32
        %dma_wait3A_102 = arith.constant 0 : i32
        %dma_wait3A_103 = tpu.memref_slice %arg8[%dma_wait3A, %dma_wait3A_101, %dma_wait3A_102] : memref<4x50x128xf32, #tpu.memory_space<vmem>> -> memref<1x50x128xf32, #tpu.memory_space<vmem>>
        %dma_wait3A_104 = tpu.memref_squeeze %dma_wait3A_103 : memref<1x50x128xf32, #tpu.memory_space<vmem>> -> memref<50x128xf32, #tpu.memory_space<vmem>>
        %dma_wait3A_105 = arith.constant 0 : i32
        %dma_wait3A_106 = tpu.memref_slice %arg6[%add3A_99, %dma_wait3A_105] : memref<40x50xi32, #tpu.memory_space<vmem>> -> memref<1x50xi32, #tpu.memory_space<vmem>>
        %dma_wait3A_107 = tpu.memref_squeeze %dma_wait3A_106 : memref<1x50xi32, #tpu.memory_space<vmem>> -> memref<50xi32, #tpu.memory_space<vmem>>
        %dma_wait3A_108 = arith.constant 0 : i32
        %dma_wait3A_109 = arith.constant 0 : i32
        %dma_wait3A_110 = tpu.memref_slice %arg2[%dma_wait3A_108, %dma_wait3A_109] : memref<10000x128xf32, #tpu.memory_space<hbm>> -> memref<10000x128xf32, #tpu.memory_space<hbm>>
        %dma_wait3A_111 = tpu.memref_slice %arg10[%dma_wait3A_100] : memref<4x!tpu.dma_semaphore, #tpu.memory_space<semaphore_mem>> -> memref<1x!tpu.dma_semaphore, #tpu.memory_space<semaphore_mem>>
        %dma_wait3A_112 = tpu.memref_squeeze %dma_wait3A_111 : memref<1x!tpu.dma_semaphore, #tpu.memory_space<semaphore_mem>> -> memref<!tpu.dma_semaphore, #tpu.memory_space<semaphore_mem>>
        tpu.wait_indirect_dma semaphore(%dma_wait3A_112 : memref<!tpu.dma_semaphore, #tpu.memory_space<semaphore_mem>>) src(%dma_wait3A_110 : memref<10000x128xf32, #tpu.memory_space<hbm>>) dst(%dma_wait3A_104 : memref<50x128xf32, #tpu.memory_space<vmem>>)
        %run_scoped3A = arith.constant 0 : i32
        "tpu.region"() ({
          %run_scoped3A_189 = tpu.sem_alloc : memref<!tpu.dma_semaphore, #tpu.memory_space<semaphore_mem>>
          %dma_start3A_190 = arith.constant 0 : i32
          %dma_start3A_191 = arith.constant 0 : i32
          %dma_start3A_192 = tpu.memref_slice %arg8[%run_scoped3A, %dma_start3A_190, %dma_start3A_191] : memref<4x50x128xf32, #tpu.memory_space<vmem>> -> memref<1x50x128xf32, #tpu.memory_space<vmem>>
          %dma_start3A_193 = tpu.memref_squeeze %dma_start3A_192 : memref<1x50x128xf32, #tpu.memory_space<vmem>> -> memref<50x128xf32, #tpu.memory_space<vmem>>
          %dma_start3A_194 = arith.constant 0 : i32
          %dma_start3A_195 = tpu.memref_slice %arg7[%add3A_99, %dma_start3A_194] : memref<40x50xi32, #tpu.memory_space<vmem>> -> memref<1x50xi32, #tpu.memory_space<vmem>>
          %dma_start3A_196 = tpu.memref_squeeze %dma_start3A_195 : memref<1x50xi32, #tpu.memory_space<vmem>> -> memref<50xi32, #tpu.memory_space<vmem>>
          %dma_start3A_197 = arith.constant 0 : i32
          %dma_start3A_198 = arith.constant 0 : i32
          %dma_start3A_199 = tpu.memref_slice %arg12[%dma_start3A_197, %dma_start3A_198] : memref<10240x128xf32, #tpu.memory_space<vmem_shared>> -> memref<10240x128xf32, #tpu.memory_space<vmem_shared>>
          tpu.enqueue_indirect_dma source(%dma_start3A_193 : memref<50x128xf32, #tpu.memory_space<vmem>>) target(%dma_start3A_199 : memref<10240x128xf32, #tpu.memory_space<vmem_shared>>) offsets(%dma_start3A_196 : memref<50xi32, #tpu.memory_space<vmem>>) semaphore(%run_scoped3A_189 : memref<!tpu.dma_semaphore, #tpu.memory_space<semaphore_mem>>) {add = true}
          %dma_wait3A_200 = arith.constant 0 : i32
          %dma_wait3A_201 = arith.constant 0 : i32
          %dma_wait3A_202 = tpu.memref_slice %arg8[%run_scoped3A, %dma_wait3A_200, %dma_wait3A_201] : memref<4x50x128xf32, #tpu.memory_space<vmem>> -> memref<1x50x128xf32, #tpu.memory_space<vmem>>
          %dma_wait3A_203 = tpu.memref_squeeze %dma_wait3A_202 : memref<1x50x128xf32, #tpu.memory_space<vmem>> -> memref<50x128xf32, #tpu.memory_space<vmem>>
          %dma_wait3A_204 = arith.constant 0 : i32
          %dma_wait3A_205 = tpu.memref_slice %arg7[%add3A_99, %dma_wait3A_204] : memref<40x50xi32, #tpu.memory_space<vmem>> -> memref<1x50xi32, #tpu.memory_space<vmem>>
          %dma_wait3A_206 = tpu.memref_squeeze %dma_wait3A_205 : memref<1x50xi32, #tpu.memory_space<vmem>> -> memref<50xi32, #tpu.memory_space<vmem>>
          %dma_wait3A_207 = arith.constant 0 : i32
          %dma_wait3A_208 = arith.constant 0 : i32
          %dma_wait3A_209 = tpu.memref_slice %arg12[%dma_wait3A_207, %dma_wait3A_208] : memref<10240x128xf32, #tpu.memory_space<vmem_shared>> -> memref<10240x128xf32, #tpu.memory_space<vmem_shared>>
          tpu.wait_indirect_dma semaphore(%run_scoped3A_189 : memref<!tpu.dma_semaphore, #tpu.memory_space<semaphore_mem>>) src(%dma_wait3A_203 : memref<50x128xf32, #tpu.memory_space<vmem>>) dst(%dma_wait3A_209 : memref<10240x128xf32, #tpu.memory_space<vmem_shared>>)
          tpu.yield
        }) : () -> ()
        %add3A_113 = arith.constant 4 : i32
        %add3A_114 = arith.addi %add3A_99, %add3A_113 : i32
        %lt3A = arith.constant 40 : i32
        %lt3A_115 = arith.cmpi slt, %add3A_114, %lt3A : i32
        %convert_element_type3A = arith.extui %lt3A_115 : i1 to i32
        %cond3A = arith.constant 0 : i32
        %cond3A_116 = arith.cmpi ne, %convert_element_type3A, %cond3A : i32
        scf.if %cond3A_116 {
          %add3A_189 = arith.constant 4 : i32
          %add3A_190 = arith.addi %add3A_99, %add3A_189 : i32
          %dma_start3A_191 = arith.constant 0 : i32
          %dma_start3A_192 = arith.constant 0 : i32
          %dma_start3A_193 = arith.constant 0 : i32
          %dma_start3A_194 = arith.constant 0 : i32
          %dma_start3A_195 = tpu.memref_slice %arg8[%dma_start3A_191, %dma_start3A_193, %dma_start3A_194] : memref<4x50x128xf32, #tpu.memory_space<vmem>> -> memref<1x50x128xf32, #tpu.memory_space<vmem>>
          %dma_start3A_196 = tpu.memref_squeeze %dma_start3A_195 : memref<1x50x128xf32, #tpu.memory_space<vmem>> -> memref<50x128xf32, #tpu.memory_space<vmem>>
          %dma_start3A_197 = arith.constant 0 : i32
          %dma_start3A_198 = tpu.memref_slice %arg6[%add3A_190, %dma_start3A_197] : memref<40x50xi32, #tpu.memory_space<vmem>> -> memref<1x50xi32, #tpu.memory_space<vmem>>
          %dma_start3A_199 = tpu.memref_squeeze %dma_start3A_198 : memref<1x50xi32, #tpu.memory_space<vmem>> -> memref<50xi32, #tpu.memory_space<vmem>>
          %dma_start3A_200 = arith.constant 0 : i32
          %dma_start3A_201 = arith.constant 0 : i32
          %dma_start3A_202 = tpu.memref_slice %arg2[%dma_start3A_200, %dma_start3A_201] : memref<10000x128xf32, #tpu.memory_space<hbm>> -> memref<10000x128xf32, #tpu.memory_space<hbm>>
          %dma_start3A_203 = tpu.memref_slice %arg10[%dma_start3A_192] : memref<4x!tpu.dma_semaphore, #tpu.memory_space<semaphore_mem>> -> memref<1x!tpu.dma_semaphore, #tpu.memory_space<semaphore_mem>>
          %dma_start3A_204 = tpu.memref_squeeze %dma_start3A_203 : memref<1x!tpu.dma_semaphore, #tpu.memory_space<semaphore_mem>> -> memref<!tpu.dma_semaphore, #tpu.memory_space<semaphore_mem>>
          tpu.enqueue_indirect_dma source(%dma_start3A_202 : memref<10000x128xf32, #tpu.memory_space<hbm>>) target(%dma_start3A_196 : memref<50x128xf32, #tpu.memory_space<vmem>>) offsets(%dma_start3A_199 : memref<50xi32, #tpu.memory_space<vmem>>) semaphore(%dma_start3A_204 : memref<!tpu.dma_semaphore, #tpu.memory_space<semaphore_mem>>)
        } else {
        }
        %add3A_117 = arith.constant 1 : i32
        %add3A_118 = arith.addi %add3A_97, %add3A_117 : i32
        %dma_wait3A_119 = arith.constant 1 : i32
        %dma_wait3A_120 = arith.constant 1 : i32
        %dma_wait3A_121 = arith.constant 0 : i32
        %dma_wait3A_122 = arith.constant 0 : i32
        %dma_wait3A_123 = tpu.memref_slice %arg8[%dma_wait3A_119, %dma_wait3A_121, %dma_wait3A_122] : memref<4x50x128xf32, #tpu.memory_space<vmem>> -> memref<1x50x128xf32, #tpu.memory_space<vmem>>
        %dma_wait3A_124 = tpu.memref_squeeze %dma_wait3A_123 : memref<1x50x128xf32, #tpu.memory_space<vmem>> -> memref<50x128xf32, #tpu.memory_space<vmem>>
        %dma_wait3A_125 = arith.constant 0 : i32
        %dma_wait3A_126 = tpu.memref_slice %arg6[%add3A_118, %dma_wait3A_125] : memref<40x50xi32, #tpu.memory_space<vmem>> -> memref<1x50xi32, #tpu.memory_space<vmem>>
        %dma_wait3A_127 = tpu.memref_squeeze %dma_wait3A_126 : memref<1x50xi32, #tpu.memory_space<vmem>> -> memref<50xi32, #tpu.memory_space<vmem>>
        %dma_wait3A_128 = arith.constant 0 : i32
        %dma_wait3A_129 = arith.constant 0 : i32
        %dma_wait3A_130 = tpu.memref_slice %arg2[%dma_wait3A_128, %dma_wait3A_129] : memref<10000x128xf32, #tpu.memory_space<hbm>> -> memref<10000x128xf32, #tpu.memory_space<hbm>>
        %dma_wait3A_131 = tpu.memref_slice %arg10[%dma_wait3A_120] : memref<4x!tpu.dma_semaphore, #tpu.memory_space<semaphore_mem>> -> memref<1x!tpu.dma_semaphore, #tpu.memory_space<semaphore_mem>>
        %dma_wait3A_132 = tpu.memref_squeeze %dma_wait3A_131 : memref<1x!tpu.dma_semaphore, #tpu.memory_space<semaphore_mem>> -> memref<!tpu.dma_semaphore, #tpu.memory_space<semaphore_mem>>
        tpu.wait_indirect_dma semaphore(%dma_wait3A_132 : memref<!tpu.dma_semaphore, #tpu.memory_space<semaphore_mem>>) src(%dma_wait3A_130 : memref<10000x128xf32, #tpu.memory_space<hbm>>) dst(%dma_wait3A_124 : memref<50x128xf32, #tpu.memory_space<vmem>>)
        %run_scoped3A_133 = arith.constant 1 : i32
        "tpu.region"() ({
          %run_scoped3A_189 = tpu.sem_alloc : memref<!tpu.dma_semaphore, #tpu.memory_space<semaphore_mem>>
          %dma_start3A_190 = arith.constant 0 : i32
          %dma_start3A_191 = arith.constant 0 : i32
          %dma_start3A_192 = tpu.memref_slice %arg8[%run_scoped3A_133, %dma_start3A_190, %dma_start3A_191] : memref<4x50x128xf32, #tpu.memory_space<vmem>> -> memref<1x50x128xf32, #tpu.memory_space<vmem>>
          %dma_start3A_193 = tpu.memref_squeeze %dma_start3A_192 : memref<1x50x128xf32, #tpu.memory_space<vmem>> -> memref<50x128xf32, #tpu.memory_space<vmem>>
          %dma_start3A_194 = arith.constant 0 : i32
          %dma_start3A_195 = tpu.memref_slice %arg7[%add3A_118, %dma_start3A_194] : memref<40x50xi32, #tpu.memory_space<vmem>> -> memref<1x50xi32, #tpu.memory_space<vmem>>
          %dma_start3A_196 = tpu.memref_squeeze %dma_start3A_195 : memref<1x50xi32, #tpu.memory_space<vmem>> -> memref<50xi32, #tpu.memory_space<vmem>>
          %dma_start3A_197 = arith.constant 0 : i32
          %dma_start3A_198 = arith.constant 0 : i32
          %dma_start3A_199 = tpu.memref_slice %arg12[%dma_start3A_197, %dma_start3A_198] : memref<10240x128xf32, #tpu.memory_space<vmem_shared>> -> memref<10240x128xf32, #tpu.memory_space<vmem_shared>>
          tpu.enqueue_indirect_dma source(%dma_start3A_193 : memref<50x128xf32, #tpu.memory_space<vmem>>) target(%dma_start3A_199 : memref<10240x128xf32, #tpu.memory_space<vmem_shared>>) offsets(%dma_start3A_196 : memref<50xi32, #tpu.memory_space<vmem>>) semaphore(%run_scoped3A_189 : memref<!tpu.dma_semaphore, #tpu.memory_space<semaphore_mem>>) {add = true}
          %dma_wait3A_200 = arith.constant 0 : i32
          %dma_wait3A_201 = arith.constant 0 : i32
          %dma_wait3A_202 = tpu.memref_slice %arg8[%run_scoped3A_133, %dma_wait3A_200, %dma_wait3A_201] : memref<4x50x128xf32, #tpu.memory_space<vmem>> -> memref<1x50x128xf32, #tpu.memory_space<vmem>>
          %dma_wait3A_203 = tpu.memref_squeeze %dma_wait3A_202 : memref<1x50x128xf32, #tpu.memory_space<vmem>> -> memref<50x128xf32, #tpu.memory_space<vmem>>
          %dma_wait3A_204 = arith.constant 0 : i32
          %dma_wait3A_205 = tpu.memref_slice %arg7[%add3A_118, %dma_wait3A_204] : memref<40x50xi32, #tpu.memory_space<vmem>> -> memref<1x50xi32, #tpu.memory_space<vmem>>
          %dma_wait3A_206 = tpu.memref_squeeze %dma_wait3A_205 : memref<1x50xi32, #tpu.memory_space<vmem>> -> memref<50xi32, #tpu.memory_space<vmem>>
          %dma_wait3A_207 = arith.constant 0 : i32
          %dma_wait3A_208 = arith.constant 0 : i32
          %dma_wait3A_209 = tpu.memref_slice %arg12[%dma_wait3A_207, %dma_wait3A_208] : memref<10240x128xf32, #tpu.memory_space<vmem_shared>> -> memref<10240x128xf32, #tpu.memory_space<vmem_shared>>
          tpu.wait_indirect_dma semaphore(%run_scoped3A_189 : memref<!tpu.dma_semaphore, #tpu.memory_space<semaphore_mem>>) src(%dma_wait3A_203 : memref<50x128xf32, #tpu.memory_space<vmem>>) dst(%dma_wait3A_209 : memref<10240x128xf32, #tpu.memory_space<vmem_shared>>)
          tpu.yield
        }) : () -> ()
        %add3A_134 = arith.constant 4 : i32
        %add3A_135 = arith.addi %add3A_118, %add3A_134 : i32
        %lt3A_136 = arith.constant 40 : i32
        %lt3A_137 = arith.cmpi slt, %add3A_135, %lt3A_136 : i32
        %convert_element_type3A_138 = arith.extui %lt3A_137 : i1 to i32
        %cond3A_139 = arith.constant 0 : i32
        %cond3A_140 = arith.cmpi ne, %convert_element_type3A_138, %cond3A_139 : i32
        scf.if %cond3A_140 {
          %add3A_189 = arith.constant 4 : i32
          %add3A_190 = arith.addi %add3A_118, %add3A_189 : i32
          %dma_start3A_191 = arith.constant 1 : i32
          %dma_start3A_192 = arith.constant 1 : i32
          %dma_start3A_193 = arith.constant 0 : i32
          %dma_start3A_194 = arith.constant 0 : i32
          %dma_start3A_195 = tpu.memref_slice %arg8[%dma_start3A_191, %dma_start3A_193, %dma_start3A_194] : memref<4x50x128xf32, #tpu.memory_space<vmem>> -> memref<1x50x128xf32, #tpu.memory_space<vmem>>
          %dma_start3A_196 = tpu.memref_squeeze %dma_start3A_195 : memref<1x50x128xf32, #tpu.memory_space<vmem>> -> memref<50x128xf32, #tpu.memory_space<vmem>>
          %dma_start3A_197 = arith.constant 0 : i32
          %dma_start3A_198 = tpu.memref_slice %arg6[%add3A_190, %dma_start3A_197] : memref<40x50xi32, #tpu.memory_space<vmem>> -> memref<1x50xi32, #tpu.memory_space<vmem>>
          %dma_start3A_199 = tpu.memref_squeeze %dma_start3A_198 : memref<1x50xi32, #tpu.memory_space<vmem>> -> memref<50xi32, #tpu.memory_space<vmem>>
          %dma_start3A_200 = arith.constant 0 : i32
          %dma_start3A_201 = arith.constant 0 : i32
          %dma_start3A_202 = tpu.memref_slice %arg2[%dma_start3A_200, %dma_start3A_201] : memref<10000x128xf32, #tpu.memory_space<hbm>> -> memref<10000x128xf32, #tpu.memory_space<hbm>>
          %dma_start3A_203 = tpu.memref_slice %arg10[%dma_start3A_192] : memref<4x!tpu.dma_semaphore, #tpu.memory_space<semaphore_mem>> -> memref<1x!tpu.dma_semaphore, #tpu.memory_space<semaphore_mem>>
          %dma_start3A_204 = tpu.memref_squeeze %dma_start3A_203 : memref<1x!tpu.dma_semaphore, #tpu.memory_space<semaphore_mem>> -> memref<!tpu.dma_semaphore, #tpu.memory_space<semaphore_mem>>
          tpu.enqueue_indirect_dma source(%dma_start3A_202 : memref<10000x128xf32, #tpu.memory_space<hbm>>) target(%dma_start3A_196 : memref<50x128xf32, #tpu.memory_space<vmem>>) offsets(%dma_start3A_199 : memref<50xi32, #tpu.memory_space<vmem>>) semaphore(%dma_start3A_204 : memref<!tpu.dma_semaphore, #tpu.memory_space<semaphore_mem>>)
        } else {
        }
        %add3A_141 = arith.constant 2 : i32
        %add3A_142 = arith.addi %add3A_97, %add3A_141 : i32
        %dma_wait3A_143 = arith.constant 2 : i32
        %dma_wait3A_144 = arith.constant 2 : i32
        %dma_wait3A_145 = arith.constant 0 : i32
        %dma_wait3A_146 = arith.constant 0 : i32
        %dma_wait3A_147 = tpu.memref_slice %arg8[%dma_wait3A_143, %dma_wait3A_145, %dma_wait3A_146] : memref<4x50x128xf32, #tpu.memory_space<vmem>> -> memref<1x50x128xf32, #tpu.memory_space<vmem>>
        %dma_wait3A_148 = tpu.memref_squeeze %dma_wait3A_147 : memref<1x50x128xf32, #tpu.memory_space<vmem>> -> memref<50x128xf32, #tpu.memory_space<vmem>>
        %dma_wait3A_149 = arith.constant 0 : i32
        %dma_wait3A_150 = tpu.memref_slice %arg6[%add3A_142, %dma_wait3A_149] : memref<40x50xi32, #tpu.memory_space<vmem>> -> memref<1x50xi32, #tpu.memory_space<vmem>>
        %dma_wait3A_151 = tpu.memref_squeeze %dma_wait3A_150 : memref<1x50xi32, #tpu.memory_space<vmem>> -> memref<50xi32, #tpu.memory_space<vmem>>
        %dma_wait3A_152 = arith.constant 0 : i32
        %dma_wait3A_153 = arith.constant 0 : i32
        %dma_wait3A_154 = tpu.memref_slice %arg2[%dma_wait3A_152, %dma_wait3A_153] : memref<10000x128xf32, #tpu.memory_space<hbm>> -> memref<10000x128xf32, #tpu.memory_space<hbm>>
        %dma_wait3A_155 = tpu.memref_slice %arg10[%dma_wait3A_144] : memref<4x!tpu.dma_semaphore, #tpu.memory_space<semaphore_mem>> -> memref<1x!tpu.dma_semaphore, #tpu.memory_space<semaphore_mem>>
        %dma_wait3A_156 = tpu.memref_squeeze %dma_wait3A_155 : memref<1x!tpu.dma_semaphore, #tpu.memory_space<semaphore_mem>> -> memref<!tpu.dma_semaphore, #tpu.memory_space<semaphore_mem>>
        tpu.wait_indirect_dma semaphore(%dma_wait3A_156 : memref<!tpu.dma_semaphore, #tpu.memory_space<semaphore_mem>>) src(%dma_wait3A_154 : memref<10000x128xf32, #tpu.memory_space<hbm>>) dst(%dma_wait3A_148 : memref<50x128xf32, #tpu.memory_space<vmem>>)
        %run_scoped3A_157 = arith.constant 2 : i32
        "tpu.region"() ({
          %run_scoped3A_189 = tpu.sem_alloc : memref<!tpu.dma_semaphore, #tpu.memory_space<semaphore_mem>>
          %dma_start3A_190 = arith.constant 0 : i32
          %dma_start3A_191 = arith.constant 0 : i32
          %dma_start3A_192 = tpu.memref_slice %arg8[%run_scoped3A_157, %dma_start3A_190, %dma_start3A_191] : memref<4x50x128xf32, #tpu.memory_space<vmem>> -> memref<1x50x128xf32, #tpu.memory_space<vmem>>
          %dma_start3A_193 = tpu.memref_squeeze %dma_start3A_192 : memref<1x50x128xf32, #tpu.memory_space<vmem>> -> memref<50x128xf32, #tpu.memory_space<vmem>>
          %dma_start3A_194 = arith.constant 0 : i32
          %dma_start3A_195 = tpu.memref_slice %arg7[%add3A_142, %dma_start3A_194] : memref<40x50xi32, #tpu.memory_space<vmem>> -> memref<1x50xi32, #tpu.memory_space<vmem>>
          %dma_start3A_196 = tpu.memref_squeeze %dma_start3A_195 : memref<1x50xi32, #tpu.memory_space<vmem>> -> memref<50xi32, #tpu.memory_space<vmem>>
          %dma_start3A_197 = arith.constant 0 : i32
          %dma_start3A_198 = arith.constant 0 : i32
          %dma_start3A_199 = tpu.memref_slice %arg12[%dma_start3A_197, %dma_start3A_198] : memref<10240x128xf32, #tpu.memory_space<vmem_shared>> -> memref<10240x128xf32, #tpu.memory_space<vmem_shared>>
          tpu.enqueue_indirect_dma source(%dma_start3A_193 : memref<50x128xf32, #tpu.memory_space<vmem>>) target(%dma_start3A_199 : memref<10240x128xf32, #tpu.memory_space<vmem_shared>>) offsets(%dma_start3A_196 : memref<50xi32, #tpu.memory_space<vmem>>) semaphore(%run_scoped3A_189 : memref<!tpu.dma_semaphore, #tpu.memory_space<semaphore_mem>>) {add = true}
          %dma_wait3A_200 = arith.constant 0 : i32
          %dma_wait3A_201 = arith.constant 0 : i32
          %dma_wait3A_202 = tpu.memref_slice %arg8[%run_scoped3A_157, %dma_wait3A_200, %dma_wait3A_201] : memref<4x50x128xf32, #tpu.memory_space<vmem>> -> memref<1x50x128xf32, #tpu.memory_space<vmem>>
          %dma_wait3A_203 = tpu.memref_squeeze %dma_wait3A_202 : memref<1x50x128xf32, #tpu.memory_space<vmem>> -> memref<50x128xf32, #tpu.memory_space<vmem>>
          %dma_wait3A_204 = arith.constant 0 : i32
          %dma_wait3A_205 = tpu.memref_slice %arg7[%add3A_142, %dma_wait3A_204] : memref<40x50xi32, #tpu.memory_space<vmem>> -> memref<1x50xi32, #tpu.memory_space<vmem>>
          %dma_wait3A_206 = tpu.memref_squeeze %dma_wait3A_205 : memref<1x50xi32, #tpu.memory_space<vmem>> -> memref<50xi32, #tpu.memory_space<vmem>>
          %dma_wait3A_207 = arith.constant 0 : i32
          %dma_wait3A_208 = arith.constant 0 : i32
          %dma_wait3A_209 = tpu.memref_slice %arg12[%dma_wait3A_207, %dma_wait3A_208] : memref<10240x128xf32, #tpu.memory_space<vmem_shared>> -> memref<10240x128xf32, #tpu.memory_space<vmem_shared>>
          tpu.wait_indirect_dma semaphore(%run_scoped3A_189 : memref<!tpu.dma_semaphore, #tpu.memory_space<semaphore_mem>>) src(%dma_wait3A_203 : memref<50x128xf32, #tpu.memory_space<vmem>>) dst(%dma_wait3A_209 : memref<10240x128xf32, #tpu.memory_space<vmem_shared>>)
          tpu.yield
        }) : () -> ()
        %add3A_158 = arith.constant 4 : i32
        %add3A_159 = arith.addi %add3A_142, %add3A_158 : i32
        %lt3A_160 = arith.constant 40 : i32
        %lt3A_161 = arith.cmpi slt, %add3A_159, %lt3A_160 : i32
        %convert_element_type3A_162 = arith.extui %lt3A_161 : i1 to i32
        %cond3A_163 = arith.constant 0 : i32
        %cond3A_164 = arith.cmpi ne, %convert_element_type3A_162, %cond3A_163 : i32
        scf.if %cond3A_164 {
          %add3A_189 = arith.constant 4 : i32
          %add3A_190 = arith.addi %add3A_142, %add3A_189 : i32
          %dma_start3A_191 = arith.constant 2 : i32
          %dma_start3A_192 = arith.constant 2 : i32
          %dma_start3A_193 = arith.constant 0 : i32
          %dma_start3A_194 = arith.constant 0 : i32
          %dma_start3A_195 = tpu.memref_slice %arg8[%dma_start3A_191, %dma_start3A_193, %dma_start3A_194] : memref<4x50x128xf32, #tpu.memory_space<vmem>> -> memref<1x50x128xf32, #tpu.memory_space<vmem>>
          %dma_start3A_196 = tpu.memref_squeeze %dma_start3A_195 : memref<1x50x128xf32, #tpu.memory_space<vmem>> -> memref<50x128xf32, #tpu.memory_space<vmem>>
          %dma_start3A_197 = arith.constant 0 : i32
          %dma_start3A_198 = tpu.memref_slice %arg6[%add3A_190, %dma_start3A_197] : memref<40x50xi32, #tpu.memory_space<vmem>> -> memref<1x50xi32, #tpu.memory_space<vmem>>
          %dma_start3A_199 = tpu.memref_squeeze %dma_start3A_198 : memref<1x50xi32, #tpu.memory_space<vmem>> -> memref<50xi32, #tpu.memory_space<vmem>>
          %dma_start3A_200 = arith.constant 0 : i32
          %dma_start3A_201 = arith.constant 0 : i32
          %dma_start3A_202 = tpu.memref_slice %arg2[%dma_start3A_200, %dma_start3A_201] : memref<10000x128xf32, #tpu.memory_space<hbm>> -> memref<10000x128xf32, #tpu.memory_space<hbm>>
          %dma_start3A_203 = tpu.memref_slice %arg10[%dma_start3A_192] : memref<4x!tpu.dma_semaphore, #tpu.memory_space<semaphore_mem>> -> memref<1x!tpu.dma_semaphore, #tpu.memory_space<semaphore_mem>>
          %dma_start3A_204 = tpu.memref_squeeze %dma_start3A_203 : memref<1x!tpu.dma_semaphore, #tpu.memory_space<semaphore_mem>> -> memref<!tpu.dma_semaphore, #tpu.memory_space<semaphore_mem>>
          tpu.enqueue_indirect_dma source(%dma_start3A_202 : memref<10000x128xf32, #tpu.memory_space<hbm>>) target(%dma_start3A_196 : memref<50x128xf32, #tpu.memory_space<vmem>>) offsets(%dma_start3A_199 : memref<50xi32, #tpu.memory_space<vmem>>) semaphore(%dma_start3A_204 : memref<!tpu.dma_semaphore, #tpu.memory_space<semaphore_mem>>)
        } else {
        }
        %add3A_165 = arith.constant 3 : i32
        %add3A_166 = arith.addi %add3A_97, %add3A_165 : i32
        %dma_wait3A_167 = arith.constant 3 : i32
        %dma_wait3A_168 = arith.constant 3 : i32
        %dma_wait3A_169 = arith.constant 0 : i32
        %dma_wait3A_170 = arith.constant 0 : i32
        %dma_wait3A_171 = tpu.memref_slice %arg8[%dma_wait3A_167, %dma_wait3A_169, %dma_wait3A_170] : memref<4x50x128xf32, #tpu.memory_space<vmem>> -> memref<1x50x128xf32, #tpu.memory_space<vmem>>
        %dma_wait3A_172 = tpu.memref_squeeze %dma_wait3A_171 : memref<1x50x128xf32, #tpu.memory_space<vmem>> -> memref<50x128xf32, #tpu.memory_space<vmem>>
        %dma_wait3A_173 = arith.constant 0 : i32
        %dma_wait3A_174 = tpu.memref_slice %arg6[%add3A_166, %dma_wait3A_173] : memref<40x50xi32, #tpu.memory_space<vmem>> -> memref<1x50xi32, #tpu.memory_space<vmem>>
        %dma_wait3A_175 = tpu.memref_squeeze %dma_wait3A_174 : memref<1x50xi32, #tpu.memory_space<vmem>> -> memref<50xi32, #tpu.memory_space<vmem>>
        %dma_wait3A_176 = arith.constant 0 : i32
        %dma_wait3A_177 = arith.constant 0 : i32
        %dma_wait3A_178 = tpu.memref_slice %arg2[%dma_wait3A_176, %dma_wait3A_177] : memref<10000x128xf32, #tpu.memory_space<hbm>> -> memref<10000x128xf32, #tpu.memory_space<hbm>>
        %dma_wait3A_179 = tpu.memref_slice %arg10[%dma_wait3A_168] : memref<4x!tpu.dma_semaphore, #tpu.memory_space<semaphore_mem>> -> memref<1x!tpu.dma_semaphore, #tpu.memory_space<semaphore_mem>>
        %dma_wait3A_180 = tpu.memref_squeeze %dma_wait3A_179 : memref<1x!tpu.dma_semaphore, #tpu.memory_space<semaphore_mem>> -> memref<!tpu.dma_semaphore, #tpu.memory_space<semaphore_mem>>
        tpu.wait_indirect_dma semaphore(%dma_wait3A_180 : memref<!tpu.dma_semaphore, #tpu.memory_space<semaphore_mem>>) src(%dma_wait3A_178 : memref<10000x128xf32, #tpu.memory_space<hbm>>) dst(%dma_wait3A_172 : memref<50x128xf32, #tpu.memory_space<vmem>>)
        %run_scoped3A_181 = arith.constant 3 : i32
        "tpu.region"() ({
          %run_scoped3A_189 = tpu.sem_alloc : memref<!tpu.dma_semaphore, #tpu.memory_space<semaphore_mem>>
          %dma_start3A_190 = arith.constant 0 : i32
          %dma_start3A_191 = arith.constant 0 : i32
          %dma_start3A_192 = tpu.memref_slice %arg8[%run_scoped3A_181, %dma_start3A_190, %dma_start3A_191] : memref<4x50x128xf32, #tpu.memory_space<vmem>> -> memref<1x50x128xf32, #tpu.memory_space<vmem>>
          %dma_start3A_193 = tpu.memref_squeeze %dma_start3A_192 : memref<1x50x128xf32, #tpu.memory_space<vmem>> -> memref<50x128xf32, #tpu.memory_space<vmem>>
          %dma_start3A_194 = arith.constant 0 : i32
          %dma_start3A_195 = tpu.memref_slice %arg7[%add3A_166, %dma_start3A_194] : memref<40x50xi32, #tpu.memory_space<vmem>> -> memref<1x50xi32, #tpu.memory_space<vmem>>
          %dma_start3A_196 = tpu.memref_squeeze %dma_start3A_195 : memref<1x50xi32, #tpu.memory_space<vmem>> -> memref<50xi32, #tpu.memory_space<vmem>>
          %dma_start3A_197 = arith.constant 0 : i32
          %dma_start3A_198 = arith.constant 0 : i32
          %dma_start3A_199 = tpu.memref_slice %arg12[%dma_start3A_197, %dma_start3A_198] : memref<10240x128xf32, #tpu.memory_space<vmem_shared>> -> memref<10240x128xf32, #tpu.memory_space<vmem_shared>>
          tpu.enqueue_indirect_dma source(%dma_start3A_193 : memref<50x128xf32, #tpu.memory_space<vmem>>) target(%dma_start3A_199 : memref<10240x128xf32, #tpu.memory_space<vmem_shared>>) offsets(%dma_start3A_196 : memref<50xi32, #tpu.memory_space<vmem>>) semaphore(%run_scoped3A_189 : memref<!tpu.dma_semaphore, #tpu.memory_space<semaphore_mem>>) {add = true}
          %dma_wait3A_200 = arith.constant 0 : i32
          %dma_wait3A_201 = arith.constant 0 : i32
          %dma_wait3A_202 = tpu.memref_slice %arg8[%run_scoped3A_181, %dma_wait3A_200, %dma_wait3A_201] : memref<4x50x128xf32, #tpu.memory_space<vmem>> -> memref<1x50x128xf32, #tpu.memory_space<vmem>>
          %dma_wait3A_203 = tpu.memref_squeeze %dma_wait3A_202 : memref<1x50x128xf32, #tpu.memory_space<vmem>> -> memref<50x128xf32, #tpu.memory_space<vmem>>
          %dma_wait3A_204 = arith.constant 0 : i32
          %dma_wait3A_205 = tpu.memref_slice %arg7[%add3A_166, %dma_wait3A_204] : memref<40x50xi32, #tpu.memory_space<vmem>> -> memref<1x50xi32, #tpu.memory_space<vmem>>
          %dma_wait3A_206 = tpu.memref_squeeze %dma_wait3A_205 : memref<1x50xi32, #tpu.memory_space<vmem>> -> memref<50xi32, #tpu.memory_space<vmem>>
          %dma_wait3A_207 = arith.constant 0 : i32
          %dma_wait3A_208 = arith.constant 0 : i32
          %dma_wait3A_209 = tpu.memref_slice %arg12[%dma_wait3A_207, %dma_wait3A_208] : memref<10240x128xf32, #tpu.memory_space<vmem_shared>> -> memref<10240x128xf32, #tpu.memory_space<vmem_shared>>
          tpu.wait_indirect_dma semaphore(%run_scoped3A_189 : memref<!tpu.dma_semaphore, #tpu.memory_space<semaphore_mem>>) src(%dma_wait3A_203 : memref<50x128xf32, #tpu.memory_space<vmem>>) dst(%dma_wait3A_209 : memref<10240x128xf32, #tpu.memory_space<vmem_shared>>)
          tpu.yield
        }) : () -> ()
        %add3A_182 = arith.constant 4 : i32
        %add3A_183 = arith.addi %add3A_166, %add3A_182 : i32
        %lt3A_184 = arith.constant 40 : i32
        %lt3A_185 = arith.cmpi slt, %add3A_183, %lt3A_184 : i32
        %convert_element_type3A_186 = arith.extui %lt3A_185 : i1 to i32
        %cond3A_187 = arith.constant 0 : i32
        %cond3A_188 = arith.cmpi ne, %convert_element_type3A_186, %cond3A_187 : i32
        scf.if %cond3A_188 {
          %add3A_189 = arith.constant 4 : i32
          %add3A_190 = arith.addi %add3A_166, %add3A_189 : i32
          %dma_start3A_191 = arith.constant 3 : i32
          %dma_start3A_192 = arith.constant 3 : i32
          %dma_start3A_193 = arith.constant 0 : i32
          %dma_start3A_194 = arith.constant 0 : i32
          %dma_start3A_195 = tpu.memref_slice %arg8[%dma_start3A_191, %dma_start3A_193, %dma_start3A_194] : memref<4x50x128xf32, #tpu.memory_space<vmem>> -> memref<1x50x128xf32, #tpu.memory_space<vmem>>
          %dma_start3A_196 = tpu.memref_squeeze %dma_start3A_195 : memref<1x50x128xf32, #tpu.memory_space<vmem>> -> memref<50x128xf32, #tpu.memory_space<vmem>>
          %dma_start3A_197 = arith.constant 0 : i32
          %dma_start3A_198 = tpu.memref_slice %arg6[%add3A_190, %dma_start3A_197] : memref<40x50xi32, #tpu.memory_space<vmem>> -> memref<1x50xi32, #tpu.memory_space<vmem>>
          %dma_start3A_199 = tpu.memref_squeeze %dma_start3A_198 : memref<1x50xi32, #tpu.memory_space<vmem>> -> memref<50xi32, #tpu.memory_space<vmem>>
          %dma_start3A_200 = arith.constant 0 : i32
          %dma_start3A_201 = arith.constant 0 : i32
          %dma_start3A_202 = tpu.memref_slice %arg2[%dma_start3A_200, %dma_start3A_201] : memref<10000x128xf32, #tpu.memory_space<hbm>> -> memref<10000x128xf32, #tpu.memory_space<hbm>>
          %dma_start3A_203 = tpu.memref_slice %arg10[%dma_start3A_192] : memref<4x!tpu.dma_semaphore, #tpu.memory_space<semaphore_mem>> -> memref<1x!tpu.dma_semaphore, #tpu.memory_space<semaphore_mem>>
          %dma_start3A_204 = tpu.memref_squeeze %dma_start3A_203 : memref<1x!tpu.dma_semaphore, #tpu.memory_space<semaphore_mem>> -> memref<!tpu.dma_semaphore, #tpu.memory_space<semaphore_mem>>
          tpu.enqueue_indirect_dma source(%dma_start3A_202 : memref<10000x128xf32, #tpu.memory_space<hbm>>) target(%dma_start3A_196 : memref<50x128xf32, #tpu.memory_space<vmem>>) offsets(%dma_start3A_199 : memref<50xi32, #tpu.memory_space<vmem>>) semaphore(%dma_start3A_204 : memref<!tpu.dma_semaphore, #tpu.memory_space<semaphore_mem>>)
        } else {
        }
      }
      %scan3A_92 = arith.constant 10 : i32
    }
    %scan3A_17 = arith.constant 5 : i32
    %barrier3A_18 = arith.constant 0 : index
    tpu.barrier barrier_id(%barrier3A_18)
    %scan3A_19 = arith.constant 0 : i32
    %scan3A_20 = arith.constant 5 : i32
    %scan3A_21 = arith.addi %scan3A_19, %scan3A_20 : i32
    %scan3A_22 = arith.constant 1 : i32
    scf.for %scan3A_24 = %scan3A_19 to %scan3A_21 step %scan3A_22  : i32 {
      %mul3A_25 = arith.constant 1 : i32
      %mul3A_26 = arith.muli %scan3A_24, %mul3A_25 : i32
      %add3A_27 = arith.constant 0 : i32
      %add3A_28 = arith.addi %add3A_27, %mul3A_26 : i32
      %mul3A_29 = arith.constant 128 : i32
      %mul3A_30 = arith.muli %add3A_28, %mul3A_29 : i32
      %add3A_31 = arith.addi %mul3A_7, %mul3A_30 : i32
      "tpu.region"() ({
        %run_scoped3A = tpu.sem_alloc : memref<!tpu.dma_semaphore, #tpu.memory_space<semaphore_mem>>
        %dma_start3A = arith.constant 0 : i32
        %dma_start3A_32 = tpu.memref_slice %arg5[%arg0, %add3A_31, %dma_start3A] : memref<2x10240x128xf32, #tpu.memory_space<hbm>> -> memref<1x128x128xf32, #tpu.memory_space<hbm>>
        %dma_start3A_33 = tpu.memref_squeeze %dma_start3A_32 : memref<1x128x128xf32, #tpu.memory_space<hbm>> -> memref<128x128xf32, #tpu.memory_space<hbm>>
        %dma_start3A_34 = arith.constant 0 : i32
        %dma_start3A_35 = tpu.memref_slice %arg12[%add3A_31, %dma_start3A_34] : memref<10240x128xf32, #tpu.memory_space<vmem_shared>> -> memref<128x128xf32, #tpu.memory_space<vmem_shared>>
        tpu.enqueue_dma source(%dma_start3A_35 : memref<128x128xf32, #tpu.memory_space<vmem_shared>>) target(%dma_start3A_33 : memref<128x128xf32, #tpu.memory_space<hbm>>) target_semaphore(%run_scoped3A : memref<!tpu.dma_semaphore, #tpu.memory_space<semaphore_mem>>)
        %dma_wait3A = arith.constant 0 : i32
        %dma_wait3A_36 = tpu.memref_slice %arg5[%arg0, %add3A_31, %dma_wait3A] : memref<2x10240x128xf32, #tpu.memory_space<hbm>> -> memref<1x128x128xf32, #tpu.memory_space<hbm>>
        %dma_wait3A_37 = tpu.memref_squeeze %dma_wait3A_36 : memref<1x128x128xf32, #tpu.memory_space<hbm>> -> memref<128x128xf32, #tpu.memory_space<hbm>>
        %dma_wait3A_38 = arith.constant 0 : i32
        %dma_wait3A_39 = tpu.memref_slice %arg12[%add3A_31, %dma_wait3A_38] : memref<10240x128xf32, #tpu.memory_space<vmem_shared>> -> memref<128x128xf32, #tpu.memory_space<vmem_shared>>
        tpu.wait_dma2 semaphore(%run_scoped3A : memref<!tpu.dma_semaphore, #tpu.memory_space<semaphore_mem>>) src(%dma_wait3A_39 : memref<128x128xf32, #tpu.memory_space<vmem_shared>>) dst(%dma_wait3A_37 : memref<128x128xf32, #tpu.memory_space<hbm>>)
        tpu.yield
      }) : () -> ()
    }
    %scan3A_23 = arith.constant 5 : i32
    return
  }
}

#map = affine_map<(d0, d1) -> (0, 0, 0, 0)>
#map1 = affine_map<(d0, d1) -> (0, 0, 0)>
module attributes {stable_mosaic.version = 14 : i64} {
  func.func @deg_k(%arg0: i32, %arg1: i32, %arg2: memref<32x5x16x125xi32, #tpu.memory_space<hbm>>, %arg3: memref<2x10240x16xf32, #tpu.memory_space<hbm>>, %arg4: memref<16x125xi32, #tpu.memory_space<vmem>>, %arg5: memref<125x16xf32, #tpu.memory_space<vmem>>, %arg6: memref<128x16xf32, #tpu.memory_space<vmem>>, %arg7: memref<10240x16xf32, #tpu.memory_space<vmem_shared>>) attributes {dimension_semantics = [#tpu.dimension_semantics<core_parallel>, #tpu.dimension_semantics<subcore_parallel>], iteration_bounds = array<i64: 2, 16>, scalar_prefetch = 0 : i64, scratch_operands = 4 : i64, tpu.core_type = #tpu.core_type<sc_vector_subcore>, window_params = [{transform_indices = #map}, {transform_indices = #map1}]} {
    %mul3A = arith.constant 2 : i32
    %mul3A_0 = arith.muli %arg1, %mul3A : i32
    %add3A = arith.addi %mul3A_0, %arg0 : i32
    %broadcast_in_dim3A = arith.constant 0.000000e+00 : f32
    %broadcast_in_dim3A_1 = vector.broadcast %broadcast_in_dim3A : f32 to vector<16xf32>
    %broadcast_in_dim3A_2 = arith.constant 1.000000e+00 : f32
    %broadcast_in_dim3A_3 = vector.broadcast %broadcast_in_dim3A_2 : f32 to vector<16xf32>
    %scan3A = arith.constant 0 : i32
    %scan3A_4 = arith.constant 125 : i32
    %scan3A_5 = arith.addi %scan3A, %scan3A_4 : i32
    %scan3A_6 = arith.constant 1 : i32
    scf.for %scan3A_31 = %scan3A to %scan3A_5 step %scan3A_6  : i32 {
      %mul3A_32 = arith.constant 1 : i32
      %mul3A_33 = arith.muli %scan3A_31, %mul3A_32 : i32
      %add3A_34 = arith.constant 0 : i32
      %add3A_35 = arith.addi %add3A_34, %mul3A_33 : i32
      %swap3A = arith.index_cast %add3A_35 : i32 to index
      %swap3A_36 = arith.constant 0 : index
      %swap3A_37 = tpu.vector_load %arg5[%swap3A, %swap3A_36] {strides = array<i32>} : memref<125x16xf32, #tpu.memory_space<vmem>>, vector<1x16xf32>,
      %swap3A_38 = vector.shape_cast %swap3A_37 : vector<1x16xf32> to vector<16xf32>
      %swap3A_39 = vector.shape_cast %broadcast_in_dim3A_3 : vector<16xf32> to vector<1x16xf32>
      tpu.vector_store %arg5[%swap3A, %swap3A_36], %swap3A_39 {strides = array<i32>} : memref<125x16xf32, #tpu.memory_space<vmem>>, vector<1x16xf32>,
    }
    %scan3A_7 = arith.constant 125 : i32
    %scan3A_8 = arith.constant 0 : i32
    %scan3A_9 = arith.constant 128 : i32
    %scan3A_10 = arith.addi %scan3A_8, %scan3A_9 : i32
    %scan3A_11 = arith.constant 1 : i32
    scf.for %scan3A_31 = %scan3A_8 to %scan3A_10 step %scan3A_11  : i32 {
      %mul3A_32 = arith.constant 1 : i32
      %mul3A_33 = arith.muli %scan3A_31, %mul3A_32 : i32
      %add3A_34 = arith.constant 0 : i32
      %add3A_35 = arith.addi %add3A_34, %mul3A_33 : i32
      %swap3A = arith.index_cast %add3A_35 : i32 to index
      %swap3A_36 = arith.constant 0 : index
      %swap3A_37 = tpu.vector_load %arg6[%swap3A, %swap3A_36] {strides = array<i32>} : memref<128x16xf32, #tpu.memory_space<vmem>>, vector<1x16xf32>,
      %swap3A_38 = vector.shape_cast %swap3A_37 : vector<1x16xf32> to vector<16xf32>
      %swap3A_39 = vector.shape_cast %broadcast_in_dim3A_1 : vector<16xf32> to vector<1x16xf32>
      tpu.vector_store %arg6[%swap3A, %swap3A_36], %swap3A_39 {strides = array<i32>} : memref<128x16xf32, #tpu.memory_space<vmem>>, vector<1x16xf32>,
    }
    %scan3A_12 = arith.constant 128 : i32
    %mul3A_13 = arith.constant 640 : i32
    %mul3A_14 = arith.muli %arg1, %mul3A_13 : i32
    %scan3A_15 = arith.constant 0 : i32
    %scan3A_16 = arith.constant 5 : i32
    %scan3A_17 = arith.addi %scan3A_15, %scan3A_16 : i32
    %scan3A_18 = arith.constant 1 : i32
    scf.for %scan3A_31 = %scan3A_15 to %scan3A_17 step %scan3A_18  : i32 {
      %mul3A_32 = arith.constant 1 : i32
      %mul3A_33 = arith.muli %scan3A_31, %mul3A_32 : i32
      %add3A_34 = arith.constant 0 : i32
      %add3A_35 = arith.addi %add3A_34, %mul3A_33 : i32
      %mul3A_36 = arith.constant 128 : i32
      %mul3A_37 = arith.muli %add3A_35, %mul3A_36 : i32
      %add3A_38 = arith.addi %mul3A_14, %mul3A_37 : i32
      "tpu.region"() ({
        %run_scoped3A = tpu.sem_alloc : memref<!tpu.dma_semaphore, #tpu.memory_space<semaphore_mem>>
        %dma_start3A = arith.constant 0 : i32
        %dma_start3A_39 = tpu.memref_slice %arg7[%add3A_38, %dma_start3A] : memref<10240x16xf32, #tpu.memory_space<vmem_shared>> -> memref<128x16xf32, #tpu.memory_space<vmem_shared>>
        %dma_start3A_40 = arith.constant 0 : i32
        %dma_start3A_41 = tpu.memref_slice %arg7[%add3A_38, %dma_start3A_40] : memref<10240x16xf32, #tpu.memory_space<vmem_shared>> -> memref<128x16xf32, #tpu.memory_space<vmem_shared>>
        tpu.enqueue_dma source(%arg6 : memref<128x16xf32, #tpu.memory_space<vmem>>) target(%dma_start3A_41 : memref<128x16xf32, #tpu.memory_space<vmem_shared>>) target_semaphore(%run_scoped3A : memref<!tpu.dma_semaphore, #tpu.memory_space<semaphore_mem>>)
        %dma_wait3A = arith.constant 0 : i32
        %dma_wait3A_42 = tpu.memref_slice %arg7[%add3A_38, %dma_wait3A] : memref<10240x16xf32, #tpu.memory_space<vmem_shared>> -> memref<128x16xf32, #tpu.memory_space<vmem_shared>>
        %dma_wait3A_43 = arith.constant 0 : i32
        %dma_wait3A_44 = tpu.memref_slice %arg7[%add3A_38, %dma_wait3A_43] : memref<10240x16xf32, #tpu.memory_space<vmem_shared>> -> memref<128x16xf32, #tpu.memory_space<vmem_shared>>
        tpu.wait_dma2 semaphore(%run_scoped3A : memref<!tpu.dma_semaphore, #tpu.memory_space<semaphore_mem>>) src(%arg6 : memref<128x16xf32, #tpu.memory_space<vmem>>) dst(%dma_wait3A_44 : memref<128x16xf32, #tpu.memory_space<vmem_shared>>)
        tpu.yield
      }) : () -> ()
    }
    %scan3A_19 = arith.constant 5 : i32
    %barrier3A = arith.constant 0 : index
    tpu.barrier barrier_id(%barrier3A)
    %scan3A_20 = arith.constant 0 : i32
    %scan3A_21 = arith.constant 5 : i32
    %scan3A_22 = arith.addi %scan3A_20, %scan3A_21 : i32
    %scan3A_23 = arith.constant 1 : i32
    scf.for %scan3A_31 = %scan3A_20 to %scan3A_22 step %scan3A_23  : i32 {
      %mul3A_32 = arith.constant 1 : i32
      %mul3A_33 = arith.muli %scan3A_31, %mul3A_32 : i32
      %add3A_34 = arith.constant 0 : i32
      %add3A_35 = arith.addi %add3A_34, %mul3A_33 : i32
      "tpu.region"() ({
        %run_scoped3A = tpu.sem_alloc : memref<!tpu.dma_semaphore, #tpu.memory_space<semaphore_mem>>
        %dma_start3A = arith.constant 0 : i32
        %dma_start3A_41 = arith.constant 0 : i32
        %dma_start3A_42 = tpu.memref_slice %arg2[%add3A, %add3A_35, %dma_start3A, %dma_start3A_41] : memref<32x5x16x125xi32, #tpu.memory_space<hbm>> -> memref<1x1x16x125xi32, #tpu.memory_space<hbm>>
        %dma_start3A_43 = tpu.memref_squeeze %dma_start3A_42 : memref<1x1x16x125xi32, #tpu.memory_space<hbm>> -> memref<16x125xi32, #tpu.memory_space<hbm>>
        %dma_start3A_44 = arith.constant 0 : i32
        %dma_start3A_45 = arith.constant 0 : i32
        %dma_start3A_46 = tpu.memref_slice %arg2[%add3A, %add3A_35, %dma_start3A_44, %dma_start3A_45] : memref<32x5x16x125xi32, #tpu.memory_space<hbm>> -> memref<1x1x16x125xi32, #tpu.memory_space<hbm>>
        %dma_start3A_47 = tpu.memref_squeeze %dma_start3A_46 : memref<1x1x16x125xi32, #tpu.memory_space<hbm>> -> memref<16x125xi32, #tpu.memory_space<hbm>>
        tpu.enqueue_dma source(%dma_start3A_47 : memref<16x125xi32, #tpu.memory_space<hbm>>) target(%arg4 : memref<16x125xi32, #tpu.memory_space<vmem>>) target_semaphore(%run_scoped3A : memref<!tpu.dma_semaphore, #tpu.memory_space<semaphore_mem>>)
        %dma_wait3A = arith.constant 0 : i32
        %dma_wait3A_48 = arith.constant 0 : i32
        %dma_wait3A_49 = tpu.memref_slice %arg2[%add3A, %add3A_35, %dma_wait3A, %dma_wait3A_48] : memref<32x5x16x125xi32, #tpu.memory_space<hbm>> -> memref<1x1x16x125xi32, #tpu.memory_space<hbm>>
        %dma_wait3A_50 = tpu.memref_squeeze %dma_wait3A_49 : memref<1x1x16x125xi32, #tpu.memory_space<hbm>> -> memref<16x125xi32, #tpu.memory_space<hbm>>
        %dma_wait3A_51 = arith.constant 0 : i32
        %dma_wait3A_52 = arith.constant 0 : i32
        %dma_wait3A_53 = tpu.memref_slice %arg2[%add3A, %add3A_35, %dma_wait3A_51, %dma_wait3A_52] : memref<32x5x16x125xi32, #tpu.memory_space<hbm>> -> memref<1x1x16x125xi32, #tpu.memory_space<hbm>>
        %dma_wait3A_54 = tpu.memref_squeeze %dma_wait3A_53 : memref<1x1x16x125xi32, #tpu.memory_space<hbm>> -> memref<16x125xi32, #tpu.memory_space<hbm>>
        tpu.wait_dma2 semaphore(%run_scoped3A : memref<!tpu.dma_semaphore, #tpu.memory_space<semaphore_mem>>) src(%dma_wait3A_54 : memref<16x125xi32, #tpu.memory_space<hbm>>) dst(%arg4 : memref<16x125xi32, #tpu.memory_space<vmem>>)
        tpu.yield
      }) : () -> ()
      %scan3A_36 = arith.constant 0 : i32
      %scan3A_37 = arith.constant 16 : i32
      %scan3A_38 = arith.addi %scan3A_36, %scan3A_37 : i32
      %scan3A_39 = arith.constant 1 : i32
      scf.for %scan3A_41 = %scan3A_36 to %scan3A_38 step %scan3A_39  : i32 {
        %mul3A_42 = arith.constant 1 : i32
        %mul3A_43 = arith.muli %scan3A_41, %mul3A_42 : i32
        %add3A_44 = arith.constant 0 : i32
        %add3A_45 = arith.addi %add3A_44, %mul3A_43 : i32
        "tpu.region"() ({
          %run_scoped3A = tpu.sem_alloc : memref<!tpu.dma_semaphore, #tpu.memory_space<semaphore_mem>>
          %dma_start3A = arith.constant 0 : i32
          %dma_start3A_46 = tpu.memref_slice %arg4[%add3A_45, %dma_start3A] : memref<16x125xi32, #tpu.memory_space<vmem>> -> memref<1x125xi32, #tpu.memory_space<vmem>>
          %dma_start3A_47 = tpu.memref_squeeze %dma_start3A_46 : memref<1x125xi32, #tpu.memory_space<vmem>> -> memref<125xi32, #tpu.memory_space<vmem>>
          %dma_start3A_48 = arith.constant 0 : i32
          %dma_start3A_49 = arith.constant 0 : i32
          %dma_start3A_50 = tpu.memref_slice %arg7[%dma_start3A_48, %dma_start3A_49] : memref<10240x16xf32, #tpu.memory_space<vmem_shared>> -> memref<10240x16xf32, #tpu.memory_space<vmem_shared>>
          tpu.enqueue_indirect_dma source(%arg5 : memref<125x16xf32, #tpu.memory_space<vmem>>) target(%dma_start3A_50 : memref<10240x16xf32, #tpu.memory_space<vmem_shared>>) offsets(%dma_start3A_47 : memref<125xi32, #tpu.memory_space<vmem>>) semaphore(%run_scoped3A : memref<!tpu.dma_semaphore, #tpu.memory_space<semaphore_mem>>) {add = true}
          %dma_wait3A = arith.constant 0 : i32
          %dma_wait3A_51 = tpu.memref_slice %arg4[%add3A_45, %dma_wait3A] : memref<16x125xi32, #tpu.memory_space<vmem>> -> memref<1x125xi32, #tpu.memory_space<vmem>>
          %dma_wait3A_52 = tpu.memref_squeeze %dma_wait3A_51 : memref<1x125xi32, #tpu.memory_space<vmem>> -> memref<125xi32, #tpu.memory_space<vmem>>
          %dma_wait3A_53 = arith.constant 0 : i32
          %dma_wait3A_54 = arith.constant 0 : i32
          %dma_wait3A_55 = tpu.memref_slice %arg7[%dma_wait3A_53, %dma_wait3A_54] : memref<10240x16xf32, #tpu.memory_space<vmem_shared>> -> memref<10240x16xf32, #tpu.memory_space<vmem_shared>>
          tpu.wait_indirect_dma semaphore(%run_scoped3A : memref<!tpu.dma_semaphore, #tpu.memory_space<semaphore_mem>>) src(%arg5 : memref<125x16xf32, #tpu.memory_space<vmem>>) dst(%dma_wait3A_55 : memref<10240x16xf32, #tpu.memory_space<vmem_shared>>)
          tpu.yield
        }) : () -> ()
      }
      %scan3A_40 = arith.constant 16 : i32
    }
    %scan3A_24 = arith.constant 5 : i32
    %barrier3A_25 = arith.constant 0 : index
    tpu.barrier barrier_id(%barrier3A_25)
    %scan3A_26 = arith.constant 0 : i32
    %scan3A_27 = arith.constant 5 : i32
    %scan3A_28 = arith.addi %scan3A_26, %scan3A_27 : i32
    %scan3A_29 = arith.constant 1 : i32
    scf.for %scan3A_31 = %scan3A_26 to %scan3A_28 step %scan3A_29  : i32 {
      %mul3A_32 = arith.constant 1 : i32
      %mul3A_33 = arith.muli %scan3A_31, %mul3A_32 : i32
      %add3A_34 = arith.constant 0 : i32
      %add3A_35 = arith.addi %add3A_34, %mul3A_33 : i32
      %mul3A_36 = arith.constant 128 : i32
      %mul3A_37 = arith.muli %add3A_35, %mul3A_36 : i32
      %add3A_38 = arith.addi %mul3A_14, %mul3A_37 : i32
      "tpu.region"() ({
        %run_scoped3A = tpu.sem_alloc : memref<!tpu.dma_semaphore, #tpu.memory_space<semaphore_mem>>
        %dma_start3A = arith.constant 0 : i32
        %dma_start3A_39 = tpu.memref_slice %arg3[%arg0, %add3A_38, %dma_start3A] : memref<2x10240x16xf32, #tpu.memory_space<hbm>> -> memref<1x128x16xf32, #tpu.memory_space<hbm>>
        %dma_start3A_40 = tpu.memref_squeeze %dma_start3A_39 : memref<1x128x16xf32, #tpu.memory_space<hbm>> -> memref<128x16xf32, #tpu.memory_space<hbm>>
        %dma_start3A_41 = arith.constant 0 : i32
        %dma_start3A_42 = tpu.memref_slice %arg7[%add3A_38, %dma_start3A_41] : memref<10240x16xf32, #tpu.memory_space<vmem_shared>> -> memref<128x16xf32, #tpu.memory_space<vmem_shared>>
        tpu.enqueue_dma source(%dma_start3A_42 : memref<128x16xf32, #tpu.memory_space<vmem_shared>>) target(%dma_start3A_40 : memref<128x16xf32, #tpu.memory_space<hbm>>) target_semaphore(%run_scoped3A : memref<!tpu.dma_semaphore, #tpu.memory_space<semaphore_mem>>)
        %dma_wait3A = arith.constant 0 : i32
        %dma_wait3A_43 = tpu.memref_slice %arg3[%arg0, %add3A_38, %dma_wait3A] : memref<2x10240x16xf32, #tpu.memory_space<hbm>> -> memref<1x128x16xf32, #tpu.memory_space<hbm>>
        %dma_wait3A_44 = tpu.memref_squeeze %dma_wait3A_43 : memref<1x128x16xf32, #tpu.memory_space<hbm>> -> memref<128x16xf32, #tpu.memory_space<hbm>>
        %dma_wait3A_45 = arith.constant 0 : i32
        %dma_wait3A_46 = tpu.memref_slice %arg7[%add3A_38, %dma_wait3A_45] : memref<10240x16xf32, #tpu.memory_space<vmem_shared>> -> memref<128x16xf32, #tpu.memory_space<vmem_shared>>
        tpu.wait_dma2 semaphore(%run_scoped3A : memref<!tpu.dma_semaphore, #tpu.memory_space<semaphore_mem>>) src(%dma_wait3A_46 : memref<128x16xf32, #tpu.memory_space<vmem_shared>>) dst(%dma_wait3A_44 : memref<128x16xf32, #tpu.memory_space<hbm>>)
        tpu.yield
      }) : () -> ()
    }
    %scan3A_30 = arith.constant 5 : i32
    return
  }
}

module attributes {stable_mosaic.version = 14 : i64} {
  func.func @body(%arg0: memref<2x10240x16xf32, #tpu.memory_space<vmem>>, %arg1: memref<10000x128xf32, #tpu.memory_space<vmem>>, %arg2: memref<128x128xf32, #tpu.memory_space<vmem>>, %arg3: memref<10000x128xf32, #tpu.memory_space<vmem>>) attributes {dimension_semantics = [], scalar_prefetch = 0 : i64, scratch_operands = 0 : i64, tpu.core_type = #tpu.core_type<tc>} {
    %get3A = arith.constant 0 : index
    %get3A_0 = arith.constant 0 : index
    %get3A_1 = arith.constant 0 : index
    %get3A_2 = vector.load %arg0[%get3A, %get3A_0, %get3A_1] : memref<2x10240x16xf32, #tpu.memory_space<vmem>>, vector<1x10240x16xf32>
    %get3A_3 = vector.shape_cast %get3A_2 : vector<1x10240x16xf32> to vector<10240x16xf32>
    %slice3A = vector.extract_strided_slice %get3A_3 {offsets = [0, 0], sizes = [10000, 1], strides = [1, 1]} : vector<10240x16xf32> to vector<10000x1xf32>
    %get3A_4 = arith.constant 1 : index
    %get3A_5 = arith.constant 0 : index
    %get3A_6 = arith.constant 0 : index
    %get3A_7 = vector.load %arg0[%get3A_4, %get3A_5, %get3A_6] : memref<2x10240x16xf32, #tpu.memory_space<vmem>>, vector<1x10240x16xf32>
    %get3A_8 = vector.shape_cast %get3A_7 : vector<1x10240x16xf32> to vector<10240x16xf32>
    %slice3A_9 = vector.extract_strided_slice %get3A_8 {offsets = [0, 0], sizes = [10000, 1], strides = [1, 1]} : vector<10240x16xf32> to vector<10000x1xf32>
    %add3A = arith.addf %slice3A, %slice3A_9 : vector<10000x1xf32>
    %add3A_10 = arith.constant 1.000000e+00 : f32
    %add3A_11 = vector.broadcast %add3A_10 : f32 to vector<10000x1xf32>
    %add3A_12 = arith.addf %add3A, %add3A_11 : vector<10000x1xf32>
    %rsqrt3A = math.rsqrt %add3A_12 : vector<10000x1xf32>
    %get3A_13 = arith.constant 0 : index
    %get3A_14 = arith.constant 0 : index
    %get3A_15 = vector.load %arg1[%get3A_13, %get3A_14] : memref<10000x128xf32, #tpu.memory_space<vmem>>, vector<10000x128xf32>
    %get3A_16 = arith.constant 0 : index
    %get3A_17 = arith.constant 0 : index
    %get3A_18 = vector.load %arg2[%get3A_16, %get3A_17] : memref<128x128xf32, #tpu.memory_space<vmem>>, vector<128x128xf32>
    %dot_general3A = arith.constant dense<0.000000e+00> : vector<10000x128xf32>
    %dot_general3A_19 = tpu.matmul %get3A_15, %get3A_18, %dot_general3A {dimension_numbers = #tpu.dot_dimension_numbers<[1], [0], [0], [1], [0, 0, 1, 1], [], []>, transpose_lhs_hint = false} : vector<10000x128xf32>, vector<128x128xf32>, vector<10000x128xf32> -> vector<10000x128xf32>
    %mul3A = vector.broadcast %rsqrt3A : vector<10000x1xf32> to vector<10000x128xf32>
    %mul3A_20 = arith.mulf %dot_general3A_19, %mul3A : vector<10000x128xf32>
    %swap3A = arith.constant 0 : index
    %swap3A_21 = arith.constant 0 : index
    %swap3A_22 = vector.load %arg3[%swap3A, %swap3A_21] : memref<10000x128xf32, #tpu.memory_space<vmem>>, vector<10000x128xf32>
    tpu.vector_store %arg3[%swap3A, %swap3A_21], %mul3A_20 {strides = array<i32>} : memref<10000x128xf32, #tpu.memory_space<vmem>>, vector<10000x128xf32>,
    return
  }
}

module attributes {stable_mosaic.version = 14 : i64} {
  func.func @body(%arg0: memref<2x10240x128xf32, #tpu.memory_space<vmem>>, %arg1: memref<10000x128xf32, #tpu.memory_space<vmem>>, %arg2: memref<2x10240x16xf32, #tpu.memory_space<vmem>>, %arg3: memref<1x128xf32, #tpu.memory_space<vmem>>, %arg4: memref<128x64xf32, #tpu.memory_space<vmem>>, %arg5: memref<10000x128xf32, #tpu.memory_space<vmem>>) attributes {dimension_semantics = [], scalar_prefetch = 0 : i64, scratch_operands = 0 : i64, tpu.core_type = #tpu.core_type<tc>} {
    %get3A = arith.constant 0 : index
    %get3A_0 = arith.constant 0 : index
    %get3A_1 = arith.constant 0 : index
    %get3A_2 = vector.load %arg2[%get3A, %get3A_0, %get3A_1] : memref<2x10240x16xf32, #tpu.memory_space<vmem>>, vector<1x10240x16xf32>
    %get3A_3 = vector.shape_cast %get3A_2 : vector<1x10240x16xf32> to vector<10240x16xf32>
    %slice3A = vector.extract_strided_slice %get3A_3 {offsets = [0, 0], sizes = [10000, 1], strides = [1, 1]} : vector<10240x16xf32> to vector<10000x1xf32>
    %get3A_4 = arith.constant 1 : index
    %get3A_5 = arith.constant 0 : index
    %get3A_6 = arith.constant 0 : index
    %get3A_7 = vector.load %arg2[%get3A_4, %get3A_5, %get3A_6] : memref<2x10240x16xf32, #tpu.memory_space<vmem>>, vector<1x10240x16xf32>
    %get3A_8 = vector.shape_cast %get3A_7 : vector<1x10240x16xf32> to vector<10240x16xf32>
    %slice3A_9 = vector.extract_strided_slice %get3A_8 {offsets = [0, 0], sizes = [10000, 1], strides = [1, 1]} : vector<10240x16xf32> to vector<10000x1xf32>
    %add3A = arith.addf %slice3A, %slice3A_9 : vector<10000x1xf32>
    %add3A_10 = arith.constant 1.000000e+00 : f32
    %add3A_11 = vector.broadcast %add3A_10 : f32 to vector<10000x1xf32>
    %add3A_12 = arith.addf %add3A, %add3A_11 : vector<10000x1xf32>
    %rsqrt3A = math.rsqrt %add3A_12 : vector<10000x1xf32>
    %get3A_13 = arith.constant 0 : index
    %get3A_14 = arith.constant 0 : index
    %get3A_15 = arith.constant 0 : index
    %get3A_16 = vector.load %arg0[%get3A_13, %get3A_14, %get3A_15] : memref<2x10240x128xf32, #tpu.memory_space<vmem>>, vector<1x10240x128xf32>
    %get3A_17 = vector.shape_cast %get3A_16 : vector<1x10240x128xf32> to vector<10240x128xf32>
    %slice3A_18 = vector.extract_strided_slice %get3A_17 {offsets = [0, 0], sizes = [10000, 128], strides = [1, 1]} : vector<10240x128xf32> to vector<10000x128xf32>
    %get3A_19 = arith.constant 1 : index
    %get3A_20 = arith.constant 0 : index
    %get3A_21 = arith.constant 0 : index
    %get3A_22 = vector.load %arg0[%get3A_19, %get3A_20, %get3A_21] : memref<2x10240x128xf32, #tpu.memory_space<vmem>>, vector<1x10240x128xf32>
    %get3A_23 = vector.shape_cast %get3A_22 : vector<1x10240x128xf32> to vector<10240x128xf32>
    %slice3A_24 = vector.extract_strided_slice %get3A_23 {offsets = [0, 0], sizes = [10000, 128], strides = [1, 1]} : vector<10240x128xf32> to vector<10000x128xf32>
    %add3A_25 = arith.addf %slice3A_18, %slice3A_24 : vector<10000x128xf32>
    %get3A_26 = arith.constant 0 : index
    %get3A_27 = arith.constant 0 : index
    %get3A_28 = vector.load %arg1[%get3A_26, %get3A_27] : memref<10000x128xf32, #tpu.memory_space<vmem>>, vector<10000x128xf32>
    %add3A_29 = arith.addf %add3A_25, %get3A_28 : vector<10000x128xf32>
    %mul3A = vector.broadcast %rsqrt3A : vector<10000x1xf32> to vector<10000x128xf32>
    %mul3A_30 = arith.mulf %add3A_29, %mul3A : vector<10000x128xf32>
    %get3A_31 = arith.constant 0 : index
    %get3A_32 = arith.constant 0 : index
    %get3A_33 = vector.load %arg3[%get3A_31, %get3A_32] : memref<1x128xf32, #tpu.memory_space<vmem>>, vector<1x128xf32>
    %add3A_34 = vector.broadcast %get3A_33 : vector<1x128xf32> to vector<10000x128xf32>
    %add3A_35 = arith.addf %mul3A_30, %add3A_34 : vector<10000x128xf32>
    %max3A = arith.constant 0.000000e+00 : f32
    %max3A_36 = vector.broadcast %max3A : f32 to vector<10000x128xf32>
    %max3A_37 = arith.maximumf %add3A_35, %max3A_36 : vector<10000x128xf32>
    %get3A_38 = arith.constant 0 : index
    %get3A_39 = arith.constant 0 : index
    %get3A_40 = vector.load %arg4[%get3A_38, %get3A_39] : memref<128x64xf32, #tpu.memory_space<vmem>>, vector<128x64xf32>
    %dot_general3A = arith.constant dense<0.000000e+00> : vector<10000x64xf32>
    %dot_general3A_41 = tpu.matmul %max3A_37, %get3A_40, %dot_general3A {dimension_numbers = #tpu.dot_dimension_numbers<[1], [0], [0], [1], [0, 0, 1, 1], [], []>, transpose_lhs_hint = false} : vector<10000x128xf32>, vector<128x64xf32>, vector<10000x64xf32> -> vector<10000x64xf32>
    %mul3A_42 = vector.broadcast %rsqrt3A : vector<10000x1xf32> to vector<10000x64xf32>
    %mul3A_43 = arith.mulf %dot_general3A_41, %mul3A_42 : vector<10000x64xf32>
    %broadcast_in_dim3A = arith.constant 0.000000e+00 : f32
    %broadcast_in_dim3A_44 = vector.broadcast %broadcast_in_dim3A : f32 to vector<10000x64xf32>
    %concatenate3A = tpu.concatenate %mul3A_43, %broadcast_in_dim3A_44 in 1 : vector<10000x64xf32>, vector<10000x64xf32> -> vector<10000x128xf32>
    %swap3A = arith.constant 0 : index
    %swap3A_45 = arith.constant 0 : index
    %swap3A_46 = vector.load %arg5[%swap3A, %swap3A_45] : memref<10000x128xf32, #tpu.memory_space<vmem>>, vector<10000x128xf32>
    tpu.vector_store %arg5[%swap3A, %swap3A_45], %concatenate3A {strides = array<i32>} : memref<10000x128xf32, #tpu.memory_space<vmem>>, vector<10000x128xf32>,
    return
  }
}

module attributes {stable_mosaic.version = 14 : i64} {
  func.func @body(%arg0: memref<2x10240x128xf32, #tpu.memory_space<vmem>>, %arg1: memref<10000x128xf32, #tpu.memory_space<vmem>>, %arg2: memref<2x10240x16xf32, #tpu.memory_space<vmem>>, %arg3: memref<1x64xf32, #tpu.memory_space<vmem>>, %arg4: memref<10000x64xf32, #tpu.memory_space<vmem>>) attributes {dimension_semantics = [], scalar_prefetch = 0 : i64, scratch_operands = 0 : i64, tpu.core_type = #tpu.core_type<tc>} {
    %get3A = arith.constant 0 : index
    %get3A_0 = arith.constant 0 : index
    %get3A_1 = arith.constant 0 : index
    %get3A_2 = vector.load %arg2[%get3A, %get3A_0, %get3A_1] : memref<2x10240x16xf32, #tpu.memory_space<vmem>>, vector<1x10240x16xf32>
    %get3A_3 = vector.shape_cast %get3A_2 : vector<1x10240x16xf32> to vector<10240x16xf32>
    %slice3A = vector.extract_strided_slice %get3A_3 {offsets = [0, 0], sizes = [10000, 1], strides = [1, 1]} : vector<10240x16xf32> to vector<10000x1xf32>
    %get3A_4 = arith.constant 1 : index
    %get3A_5 = arith.constant 0 : index
    %get3A_6 = arith.constant 0 : index
    %get3A_7 = vector.load %arg2[%get3A_4, %get3A_5, %get3A_6] : memref<2x10240x16xf32, #tpu.memory_space<vmem>>, vector<1x10240x16xf32>
    %get3A_8 = vector.shape_cast %get3A_7 : vector<1x10240x16xf32> to vector<10240x16xf32>
    %slice3A_9 = vector.extract_strided_slice %get3A_8 {offsets = [0, 0], sizes = [10000, 1], strides = [1, 1]} : vector<10240x16xf32> to vector<10000x1xf32>
    %add3A = arith.addf %slice3A, %slice3A_9 : vector<10000x1xf32>
    %add3A_10 = arith.constant 1.000000e+00 : f32
    %add3A_11 = vector.broadcast %add3A_10 : f32 to vector<10000x1xf32>
    %add3A_12 = arith.addf %add3A, %add3A_11 : vector<10000x1xf32>
    %rsqrt3A = math.rsqrt %add3A_12 : vector<10000x1xf32>
    %get3A_13 = arith.constant 0 : index
    %get3A_14 = arith.constant 0 : index
    %get3A_15 = arith.constant 0 : index
    %get3A_16 = vector.load %arg0[%get3A_13, %get3A_14, %get3A_15] : memref<2x10240x128xf32, #tpu.memory_space<vmem>>, vector<1x10240x128xf32>
    %get3A_17 = vector.shape_cast %get3A_16 : vector<1x10240x128xf32> to vector<10240x128xf32>
    %slice3A_18 = vector.extract_strided_slice %get3A_17 {offsets = [0, 0], sizes = [10000, 128], strides = [1, 1]} : vector<10240x128xf32> to vector<10000x128xf32>
    %get3A_19 = arith.constant 1 : index
    %get3A_20 = arith.constant 0 : index
    %get3A_21 = arith.constant 0 : index
    %get3A_22 = vector.load %arg0[%get3A_19, %get3A_20, %get3A_21] : memref<2x10240x128xf32, #tpu.memory_space<vmem>>, vector<1x10240x128xf32>
    %get3A_23 = vector.shape_cast %get3A_22 : vector<1x10240x128xf32> to vector<10240x128xf32>
    %slice3A_24 = vector.extract_strided_slice %get3A_23 {offsets = [0, 0], sizes = [10000, 128], strides = [1, 1]} : vector<10240x128xf32> to vector<10000x128xf32>
    %add3A_25 = arith.addf %slice3A_18, %slice3A_24 : vector<10000x128xf32>
    %get3A_26 = arith.constant 0 : index
    %get3A_27 = arith.constant 0 : index
    %get3A_28 = vector.load %arg1[%get3A_26, %get3A_27] : memref<10000x128xf32, #tpu.memory_space<vmem>>, vector<10000x128xf32>
    %add3A_29 = arith.addf %add3A_25, %get3A_28 : vector<10000x128xf32>
    %slice3A_30 = vector.extract_strided_slice %add3A_29 {offsets = [0, 0], sizes = [10000, 64], strides = [1, 1]} : vector<10000x128xf32> to vector<10000x64xf32>
    %mul3A = vector.broadcast %rsqrt3A : vector<10000x1xf32> to vector<10000x64xf32>
    %mul3A_31 = arith.mulf %slice3A_30, %mul3A : vector<10000x64xf32>
    %get3A_32 = arith.constant 0 : index
    %get3A_33 = arith.constant 0 : index
    %get3A_34 = vector.load %arg3[%get3A_32, %get3A_33] : memref<1x64xf32, #tpu.memory_space<vmem>>, vector<1x64xf32>
    %add3A_35 = vector.broadcast %get3A_34 : vector<1x64xf32> to vector<10000x64xf32>
    %add3A_36 = arith.addf %mul3A_31, %add3A_35 : vector<10000x64xf32>
    %reduce_max3A = arith.constant dense<0xFF800000> : vector<10000xf32>
    %reduce_max3A_37 = vector.multi_reduction <maximumf>, %add3A_36, %reduce_max3A [1] : vector<10000x64xf32> to vector<10000xf32>
    %broadcast_in_dim3A = vector.shape_cast %reduce_max3A_37 : vector<10000xf32> to vector<10000x1xf32>
    %sub3A = vector.broadcast %broadcast_in_dim3A : vector<10000x1xf32> to vector<10000x64xf32>
    %sub3A_38 = arith.subf %add3A_36, %sub3A : vector<10000x64xf32>
    %exp3A = math.exp %sub3A_38 : vector<10000x64xf32>
    %reduce_sum3A = arith.constant dense<0.000000e+00> : vector<10000xf32>
    %reduce_sum3A_39 = vector.multi_reduction <add>, %exp3A, %reduce_sum3A [1] : vector<10000x64xf32> to vector<10000xf32>
    %broadcast_in_dim3A_40 = vector.shape_cast %reduce_sum3A_39 : vector<10000xf32> to vector<10000x1xf32>
    %log3A = math.log %broadcast_in_dim3A_40 : vector<10000x1xf32>
    %add3A_41 = arith.addf %log3A, %broadcast_in_dim3A : vector<10000x1xf32>
    %sub3A_42 = vector.broadcast %add3A_41 : vector<10000x1xf32> to vector<10000x64xf32>
    %sub3A_43 = arith.subf %add3A_36, %sub3A_42 : vector<10000x64xf32>
    %swap3A = arith.constant 0 : index
    %swap3A_44 = arith.constant 0 : index
    %swap3A_45 = vector.load %arg4[%swap3A, %swap3A_44] : memref<10000x64xf32, #tpu.memory_space<vmem>>, vector<10000x64xf32>
    tpu.vector_store %arg4[%swap3A, %swap3A_44], %sub3A_43 {strides = array<i32>} : memref<10000x64xf32, #tpu.memory_space<vmem>>, vector<10000x64xf32>,
    return
  }
}

</mosaic_0001>

<sc_bundles>
// kernel: kernel.11.cloned.1.call-start
scs
__scs_entry_jumppad:
0x0: {  	(pc) =	sbr.rel $0x88, $3  }
0x1: {  	(tag) =	ssettag $0x0;
	lr =	simm.s32 $0x1  }
0x2: {  	[smem:$0x3F9B] =	sst lr;
	_ =	strace $0xD0000000  }
0x3: {  	_ = 	snop  }
0x4: {  	_ = 	snop  }
0x5: {  	_ = 	snop  }
0x6: {  	_ = 	snop  }
0x7: {  	_ = 	snop  }
__scs_overlays_trampoline_lowered:
0x8: {  	[smem:$0x3FAA] =	sst s0  }
0x9: {  	[smem:$0x3FAB] =	sst s1  }
0xa: {  	[smem:$0x3FAC] =	sst s2  }
0xb: {  	[smem:$0x3FAD] =	sst s3  }
0xc: {  	[smem:$0x3FAE] =	sst s4  }
0xd: {  	[smem:$0x3FAF] =	sst s5  }
0xe: {  	[smem:$0x3FB0] =	sst s6  }
0xf: {  	[smem:$0x3FB1] =	sst s7  }
0x10: {  	[smem:$0x3FB2] =	sst s8  }
0x11: {  	[smem:$0x3FB3] =	sst s9;
	s0 =	simm.s32 @!p0 $0x0  }
0x12: {  	s1 =	sld [smem:$0x3F99];
	s0 =	simm.s32 @p0 $0x1  }
0x13: {  	[smem:$0x3FB4] =	sst s0;
	s0 =	simm.s32 @!p1 $0x0  }
0x14: {  	s2 =	sld [smem:$0x3F98];
	s0 =	simm.s32 @p1 $0x1  }
0x15: {  	[smem:$0x3FB5] =	sst s0;
	s0 =	simm.s32 @!p2 $0x0  }
0x16: {  	s3 =	sld [smem:$0x3FDB];
	s0 =	simm.s32 @p2 $0x1  }
0x17: {  	s4 =	simm.s32 $0x1BF5;
	[smem:$0x3FB7] =	sst s0  }
0x18: {  	s0 =	sld [smem:$0x3F9A];
	_ =	swait.ge [sflag:s4], $0x0  }
0x19: {  	s7 =	sld [smem:$0x3F9B]  }
0x1a: {  	s8 =	sadd.s32 $0xFFFFE003, lr  }
0x1b: {  	s9 =	sadd.s32 $0xFFFFFEF7, lr;
	s5 =	simm.s32 $0xFFFFFFFF;
	p2 =	slt.u32 s8, $0xFFFFF086  }
0x1c: {  	p1 =	slt.u32 s9, $0xF7A;
	s5 =	simm.s32 @!p2 $0x0  }
0x1d: {  	s5 =	simm.s32 @p1 $0x1;
	p0 =	seq.s32 s7, s2  }
0x1e: {  	s7 =	smul.u32 @!p0 $0xF7A, s2;
	p2 =	seq.s32 @!p0 s5, $0x0  }
0x1f: {  	s9 =	smul.u32 $0xF7A, s1;
	s8 =	simm.s32 @!p0 $0x1BF5;
	p2 =	por !p2, p0  }
0x20: {  	[sflag:s8] =	ssyncset.s32 @!p0 $0xFFFFF086;
	s6 =	sadd.s32 @!p0 s3, s7;
	s7 =	simm.s32 @!p0 $0x108  }
0x21: {  	s3 =	sadd.s32 s3, s9;
	s6 =	sadd.s32 @!p0 $0x88, s6;
	s7 =	simm.s32 @p2 $0x1082  }
0x22: {  	[simem:s7], [sflag:s8] =	dma.local @!p0 [hbm:s6], $0xF7A  }
0x23: {  	s9 =	sor.u32 $0xD0000000, s2;
	s6 =	simm.s32 $0x108;
	_ =	swait.ge @!p0 [sflag:s8], $0x0  }
0x24: {  	s3 =	sadd.s32 $0x88, s3;
	s6 =	simm.s32 @!p1 $0x1082;
	[sflag:s4] =	ssyncset.s32 $0xFFFFF086  }
0x25: {  	[simem:s6], [sflag:s4] =	dma.local [hbm:s3], $0xF7A  }
0x26: {  	[smem:$0x3F9B] =	sst s1;
	(tag) =	ssettag s2;
	_ =	strace s9  }
0x27: {  	s1 =	sld [smem:$0x3FAB]  }
0x28: {  	s2 =	sld [smem:$0x3FAC]  }
0x29: {  	s4 =	sld [smem:$0x3FAE]  }
0x2a: {  	p0 =	seq.s32 s5, $0x0;
	s5 =	sld [smem:$0x3FAF]  }
0x2b: {  	s6 =	sld [smem:$0x3FB0]  }
0x2c: {  	s7 =	sld [smem:$0x3FB1]  }
0x2d: {  	s3 =	simm.s32 $0x108;
	s8 =	sld [smem:$0x3FB2]  }
0x2e: {  	s3 =	simm.s32 @!p0 $0x1082;
	s9 =	sld [smem:$0x3FB3]  }
0x2f: {  	lr =	sadd.s32 s0, s3;
	s0 =	sld [smem:$0x3FAA]  }
0x30: {  	s3 =	sld [smem:$0x3FAD]  }
0x31: {  	[smem:$0x3FB6] =	sst s10  }
0x32: {  	s10 =	sld [smem:$0x3FB4];
	_ =	sdelay $0x3  }
0x33: {  	p0 =	seq.s32 s10, $0x1;
	s10 =	sld [smem:$0x3FB6];
	_ =	sdelay $0x3  }
0x34: {  	[smem:$0x3FB6] =	sst s10  }
0x35: {  	s10 =	sld [smem:$0x3FB5];
	_ =	sdelay $0x3  }
0x36: {  	p1 =	seq.s32 s10, $0x1;
	s10 =	sld [smem:$0x3FB6];
	_ =	sdelay $0x3  }
0x37: {  	[smem:$0x3FB6] =	sst s10  }
0x38: {  	s10 =	sld [smem:$0x3FB7]  }
0x39: {  	_ = 	snop;
	(pc) =	sbr.ind lr, $3  }
0x3a: {  	_ = 	snop  }
0x3b: {  	_ = 	snop  }
0x3c: {  	p2 =	seq.s32 s10, $0x1;
	s10 =	sld [smem:$0x3FB6]  }
0x3d: {  	_ =	shalt  }
0x3e: {  	_ =	shalt  }
0x3f: {  	_ =	shalt  }
0x40: {  	_ =	shalt  }
0x41: {  	_ =	shalt  }
0x42: {  	_ =	shalt  }
0x43: {  	_ =	shalt  }
0x44: {  	_ =	shalt  }
0x45: {  	_ =	shalt  }
0x46: {  	_ =	shalt  }
0x47: {  	_ =	shalt  }
0x48: {  	_ =	shalt  }
0x49: {  	_ =	shalt  }
0x4a: {  	_ =	shalt  }
0x4b: {  	_ =	shalt  }
0x4c: {  	_ =	shalt  }
0x4d: {  	_ =	shalt  }
0x4e: {  	_ =	shalt  }
0x4f: {  	_ =	shalt  }
0x50: {  	_ =	shalt  }
0x51: {  	_ =	shalt  }
0x52: {  	_ =	shalt  }
0x53: {  	_ =	shalt  }
0x54: {  	_ =	shalt  }
0x55: {  	_ =	shalt  }
0x56: {  	_ =	shalt  }
0x57: {  	_ =	shalt  }
0x58: {  	_ =	shalt  }
0x59: {  	_ =	shalt  }
0x5a: {  	_ =	shalt  }
0x5b: {  	_ =	shalt  }
0x5c: {  	_ =	shalt  }
0x5d: {  	_ =	shalt  }
0x5e: {  	_ =	shalt  }
0x5f: {  	_ =	shalt  }
0x60: {  	_ =	shalt  }
0x61: {  	_ =	shalt  }
0x62: {  	_ =	shalt  }
0x63: {  	_ =	shalt  }
0x64: {  	_ =	shalt  }
0x65: {  	_ =	shalt  }
0x66: {  	_ =	shalt  }
0x67: {  	_ =	shalt  }
0x68: {  	_ =	shalt  }
0x69: {  	_ =	shalt  }
0x6a: {  	_ =	shalt  }
0x6b: {  	_ =	shalt  }
0x6c: {  	_ =	shalt  }
0x6d: {  	_ =	shalt  }
0x6e: {  	_ =	shalt  }
0x6f: {  	_ =	shalt  }
0x70: {  	_ =	shalt  }
0x71: {  	_ =	shalt  }
0x72: {  	_ =	shalt  }
0x73: {  	_ =	shalt  }
0x74: {  	_ =	shalt  }
0x75: {  	_ =	shalt  }
0x76: {  	_ =	shalt  }
0x77: {  	_ =	shalt  }
0x78: {  	_ =	shalt  }
0x79: {  	_ =	shalt  }
0x7a: {  	_ =	shalt  }
0x7b: {  	_ =	shalt  }
0x7c: {  	_ =	shalt  }
0x7d: {  	_ =	shalt  }
0x7e: {  	_ =	shalt  }
0x7f: {  	_ =	shalt  }
0x80: {  	_ =	shalt  }
0x81: {  	_ =	shalt  }
0x82: {  	_ =	shalt  }
0x83: {  	_ =	shalt  }
0x84: {  	_ =	shalt  }
0x85: {  	_ =	shalt  }
0x86: {  	_ =	shalt  }
0x87: {  	_ =	shalt  }
.Lfunc_end0:
.L_simem_size_0:
called_computation.1_lowered:
.L_overlay_start_0:
0x88: {  	s2 =	sld [smem:$0x3FD9]  }
0x89: {  	s3 =	sld [smem:$0x3FFE];
	_ =	sdelay $0x1  }
0x8a: {  	s1 =	srdreg.scid  }
0x8b: {  	s0 =	sand.u32 $0x1, s1  }
0x8c: {  	s16 =	sshll.u32 s0, $0xA;
	s2 =	sadd.s32 s3, s2  }
0x8d: {  	s2 =	sadd.s32 s2, s16  }
0x8e: {  	[smem:$0x3FC2] =	sst s2  }
0x8f: {  	_ = 	snop  }
0x90: {  	(tm) =	ssettm $0x1  }
0x91: {  	s17 =	sld [smem:$0x3FFB];
	_ =	sdelay $0x3  }
0x92: {  	_ =	strace s17  }
0x93: {  	s2 =	sld [smem:$0x3FFC];
	_ =	sdelay $0x3  }
0x94: {  	_ =	strace s2  }
0x95: {  	s2 =	sld [smem:$0x3FFD];
	_ =	sdelay $0x3  }
0x96: {  	_ =	strace s2  }
0x97: {  	_ =	strace $0x8FFFFFFF  }
0x98: {  	s18 =	sld [smem:$0x3FDB];
	_ =	sdelay $0x1  }
0x99: {  	s19 =	simm.s32 $_scs_section_size  }
0x9a: {  	s4 =	simm.s32 $_size__tile_overlayer_lowered;
	s5 =	simm.s32 $_tile_overlayer_lowered  }
0x9b: {  	s22 =	simm.s32 $0x1BFF;
	s21 =	sshll.u32 s5, $0x1;
	s2 =	sadd.s32 s19, s18  }
0x9c: {  	s6 =	simm.s32 $0x0;
	s20 =	sshll.u32 s4, $0x1;
	s4 =	sadd.s32 s21, s2  }
0x9d: {  	[timem:s6], [sflag:s22] =	dma.local [hbm:s4], s20  }
0x9e: {  	_ =	swait.ge [sflag:s22], s20  }
0x9f: {  	s3 =	ssub.s32 $0x0, s20;
	[sflag:s22] =	ssyncset.done $0x0  }
0xa0: {  	[sflag:s22] =	ssyncadd.s32 s3;
	_ =	sdelay $0x1  }
0xa1: {  	s23 =	simm.s32 $0x1B8B  }
0xa2: {  	_ =	swait.ge [sflag:s23], $0x1  }
0xa3: {  	[sflag:s23] =	ssyncset.done $0x0  }
0xa4: {  	s25 =	simm.s32 $0x1B8E;
	s24 =	sld [smem:$0x3FFE];
	[sflag:s23] =	ssyncadd.s32 $0xFFFFFFFF  }
0xa5: {  	s26 =	simm.s32 $execute0_lowered;
	[smem:$0x3FD2] =	sst s25  }
0xa6: {  	s4 =	sshll.u32 s26, $0x1;
	_ =	strace $0x80000049;
	[dreg:$0x1] =	wrdreg $0xFFFFFFFF  }
0xa7: {  	s28 =	simm.s32 $_size_execute0_lowered;
	s2 =	sadd.s32 s2, s4;
	[dreg:$0x0] =	wrdreg $0x0  }
0xa8: {  	s4 =	sshll.u32 s28, $0x1;
	[dreg:$0x2] =	wrdreg s2  }
0xa9: {  	[dreg:$0x3] =	wrdreg s4  }
0xaa: {  	[dreg:$0x4] =	wrdreg $0xC0  }
0xab: {  	_ =	task [dreg:s6], $0x5FFFF  }
0xac: {  	[dreg:$0x1] =	wrdreg $0xFFFFFFFF  }
0xad: {  	[dreg:$0x0] =	wrdreg $0x60  }
0xae: {  	[dreg:$0x2] =	wrdreg s24  }
0xaf: {  	[dreg:$0x3] =	wrdreg $0xA8000  }
0xb0: {  	[dreg:$0x4] =	wrdreg $0x9  }
0xb1: {  	_ =	task.clear_ibuf [dreg:s6], $0x5FFFF;
	_ =	strace $0x90000049  }
0xb2: {  	s29 =	simm.s32 $0x9;
	_ =	strace $0x8000004B  }
0xb3: {  	_ =	swait.ge [sflag:s29], $0x1  }
0xb4: {  	[sflag:s29] =	ssyncadd.s32 $0xFFFFFFFF  }
0xb5: {  	_ =	strace $0x9000004B  }
0xb6: {  	_ =	sfence  }
0xb7: {  	s30 =	sld [smem:$0x0];
	_ =	sdelay $0x2  }
0xb8: {  	s31 =	sshll.u32 s1, $0xD;
	s1 =	sshrl.u32 s1, $0x2  }
0xb9: {  	s3 =	sand.u32 $0x4000, s31;
	s1 =	sadd.s32 s1, s30  }
0xba: {  	s0 =	sor.u32 s3, s0;
	s1 =	sshll.u32 s1, $0x11  }
0xbb: {  	s0 =	sor.u32 s1, s0  }
0xbc: {  	s0 =	sadd.s32 $0x8F2B, s0  }
0xbd: {  	[sflag:s0] =	ssyncadd.remote.s32 $0x1  }
0xbe: {  	_ =	sfence.sel $0xFFFF  }
0xbf: {  	[dreg:$0x0] =	wrdreg $0xFFFFFFFF;
	(pc) =	sbr.abs _section_cstart, $3  }
0xc0: {  	[dreg:$0x1] =	wrdreg $0xFFFFFFFF  }
0xc1: {  	_ =	task.clear_ibuf [dreg:s6], $0x2FFFF;
	_ =	strace $0x9FFFFFFF  }
0xc2: {  	(tm) =	ssettm $0x7FFFFFFF  }
0xc3: {  	_ =	shalt  }
tec
execute0_lowered:
.L_overlay_start_1:
0x0: {  	(tag) =	ssettag $0x1  }
0x1: {  	s0 =	rddreg [dreg:$0x0]  }
0x2: {  	s1 =	rddreg [dreg:$0x1];
	s2 =	simm.s32 $0x0;
	s3 =	srdreg.scid  }
0x3: {  	s13 =	stileid.u32;
	s28 =	simm.s32 $0x3;
	s29 =	simm.s32 $0x4  }
0x4: {  	s30 =	simm.s32 $0x2600;
	s31 =	simm.s32 $0x2680;
	[smem:$0x7FF] =	sst s2  }
0x5: {  	s4 =	sadd.s32 $0x84200, s0;
	s3 =	sand.u32 $0x1, s3;
	s5 =	sadd.s32 $0x6B200, s0  }
0x6: {  	s6 =	sadd.s32 $0x52200, s0;
	s10 =	smul.u32 $0x14000, s13;
	s0 =	sadd.s32 $0xAB400, s0  }
0x7: {  	s11 =	smul.u32 $0x50000, s13;
	s23 =	sshll.u32 s13, $0x1;
	_ =	strace $0x8000004A  }
0x8: {  	s9 =	smul.u32 $0x140000, s3;
	s7 =	ssub.s32 $0x2, s3;
	s3 =	sor.u32 s3, s23  }
0x9: {  	s8 =	sshrl.u32 s7, $0x1;
	s25 =	sshrl.u32 s11, $0x2;
	s15 =	sadd.s32 $0x4000, s10  }
0xa: {  	s22 =	sadd.s32 $0x8000, s10;
	s12 =	ssub.s32 s7, s8;
	s24 =	sadd.s32 s9, s10  }
0xb: {  	s7 =	sadd.s32 s25, s1;
	s8 =	smul.u32 $0x6400, s3;
	s13 =	smax.u32 s12, $0x1  }
0xc: {  	s18 =	sadd.s32 s9, s15;
	s14 =	sadd.s32 $0x1000, s7;
	[dreg:$0x4] =	wrdreg s13  }
0xd: {  	s23 =	sadd.s32 s9, s22;
	s16 =	sadd.s32 $0x2000, s7;
	[dreg:$0x5] =	wrdreg s14  }
0xe: {  	s3 =	sadd.s32 s15, s1;
	s17 =	sadd.s32 $0x3000, s7;
	[dreg:$0x6] =	wrdreg s16  }
0xf: {  	s26 =	sshrl.u32 s24, $0x3;
	s19 =	sadd.s32 $0x4000, s7;
	[dreg:$0x7] =	wrdreg s17  }
0x10: {  	s20 =	sadd.s32 $0x5000, s7;
	s21 =	sadd.s32 $0x6000, s7;
	[dreg:$0x8] =	wrdreg s19  }
0x11: {  	s24 =	sadd.s32 $0xC000, s10;
	s10 =	sadd.s32 $0x10000, s10;
	[dreg:$0x9] =	wrdreg s20  }
0x12: {  	s12 =	sshrl.u32 s23, $0x3;
	s15 =	sadd.s32 $0x8000, s7;
	[dreg:$0xa] =	wrdreg s21  }
0x13: {  	s23 =	sadd.s32 $0x10000, s7;
	s11 =	sadd.s32 s0, s26;
	[dreg:$0x14] =	wrdreg s15  }
0x14: {  	s14 =	sadd.s32 s9, s24;
	s9 =	sadd.s32 s9, s10;
	[dreg:$0x1c] =	wrdreg s23  }
0x15: {  	s12 =	sadd.s32 s0, s12;
	s26 =	sadd.s32 $0x7000, s7;
	[dreg:$0x3] =	wrdreg s11  }
0x16: {  	s10 =	sadd.s32 s10, s1;
	s16 =	sadd.s32 $0x9000, s7;
	[dreg:$0xc] =	wrdreg s12  }
0x17: {  	s17 =	sadd.s32 $0xA000, s7;
	s19 =	sadd.s32 $0xC000, s7;
	[dreg:$0xf] =	wrdreg s26  }
0x18: {  	s20 =	sadd.s32 $0xD000, s7;
	s21 =	sadd.s32 $0xE000, s7;
	[dreg:$0x15] =	wrdreg s16  }
0x19: {  	s15 =	simm.s32 $0x5;
	s23 =	simm.s32 $0x180;
	[dreg:$0x16] =	wrdreg s17  }
0x1a: {  	s11 =	sshrl.u32 s18, $0x3;
	s25 =	sshrl.u32 s14, $0x3;
	[dreg:$0x18] =	wrdreg s19  }
0x1b: {  	s9 =	sshrl.u32 s9, $0x3;
	s14 =	sshrl.u32 s10, $0x3;
	[dreg:$0x19] =	wrdreg s20  }
0x1c: {  	s18 =	sadd.s32 $0xB000, s7;
	[dreg:$0x1a] =	wrdreg s21;
	s26 =	sadd.s32 $0x13000, s7  }
0x1d: {  	s16 =	simm.s32 $0x1400;
	s17 =	simm.s32 $0x32;
	[dreg:$0x13] =	wrdreg s14  }
0x1e: {  	s19 =	simm.s32 $0x80;
	s20 =	simm.s32 $0x4400;
	[dreg:$0x17] =	wrdreg s18  }
0x1f: {  	s21 =	simm.s32 $0x100;
	s11 =	sadd.s32 s0, s11;
	[dreg:$0x1f] =	wrdreg s26  }
0x20: {  	s12 =	sadd.s32 s0, s25;
	s0 =	sadd.s32 s0, s9;
	[dreg:$0xb] =	wrdreg s11  }
0x21: {  	s9 =	sadd.s32 s22, s1;
	s22 =	sadd.s32 $0xF000, s7;
	[dreg:$0xd] =	wrdreg s12  }
0x22: {  	s25 =	sadd.s32 $0x12000, s7;
	s14 =	simm.s32 $0x9800;
	[dreg:$0xe] =	wrdreg s0  }
0x23: {  	s18 =	simm.s32 $0x2800;
	s26 =	simm.s32 $0x2;
	[dreg:$0x1b] =	wrdreg s22  }
0x24: {  	s11 =	sadd.s32 s24, s1;
	s0 =	sshrl.u32 s3, $0x3;
	[dreg:$0x1e] =	wrdreg s25  }
0x25: {  	s12 =	sshrl.u32 s9, $0x3;
	s24 =	sadd.s32 $0x11000, s7;
	[dreg:$0x10] =	wrdreg s0  }
0x26: {  	s22 =	simm.s32 $0x6000;
	s25 =	simm.s32 $0x1;
	[dreg:$0x11] =	wrdreg s12  }
0x27: {  	s3 =	simm.s32 $0x2780;
	s13 =	sshrl.u32 s11, $0x3;
	[dreg:$0x1d] =	wrdreg s24  }
0x28: {  	v0 =	vimm.f32 $0.0e+00;
	s24 =	simm.s32 $0x7C00;
	s0 =	simm.s32 $0x2700;
	[dreg:$0x12] =	wrdreg s13  }
.LBB2_1:
0x29: {  	s9 =	simm.s32 $0x0;
	s10 =	simm.s32 $0x200  }
.LBB2_2:
0x2a: {  	p0 =	sne.s32 s10, $0x3E00;
	[tilespmem:s9+$0x9870] =	vst v0  }
0x2b: {  	[tilespmem:s9+$0x9800] =	vst v0  }
0x2c: {  	[tilespmem:s9+$0x9810] =	vst v0  }
.Ltmp0:
0x2d: {  	[tilespmem:s9+$0x9820] =	vst v0;
	(pc) =	sbr.rel @p0 .LBB2_2-.Ltmp0, $4  }
0x2e: {  	[tilespmem:s9+$0x9830] =	vst v0  }
0x2f: {  	[tilespmem:s9+$0x9840] =	vst v0  }
0x30: {  	[tilespmem:s9+$0x9850] =	vst v0  }
0x31: {  	[tilespmem:s9+$0x9860] =	vst v0;
	s9 =	sshra.s32 s10, $0x2;
	s10 =	sadd.s32 $0x200, s10  }
0x32: {  	[tilespmem:s9+$0x9870] =	vst v0  }
0x33: {  	[tilespmem:s9+$0x9800] =	vst v0  }
0x34: {  	[tilespmem:s9+$0x9810] =	vst v0  }
0x35: {  	[tilespmem:s9+$0x9820] =	vst v0  }
0x36: {  	[tilespmem:s9+$0x9830] =	vst v0  }
0x37: {  	[tilespmem:s9+$0x9840] =	vst v0  }
0x38: {  	[tilespmem:s9+$0x9850] =	vst v0  }
0x39: {  	[tilespmem:s9+$0x9860] =	vst v0  }
0x3a: {  	[spmem:s7] =	stream.linear.scatter [tilespmem:s14], [sflag:$0x5], $0x1000, $0x38;
	[tilespmem:$0x1E800] =	vst v63  }
0x3b: {  	_ =	swait.ge [sflag:s15], $0x1000  }
0x3c: {  	[sflag:s15] =	ssyncset.done $0x0  }
0x3d: {  	s11 =	rddreg [dreg:$0x5];
	[sflag:s15] =	ssyncadd.s32 $0xFFFFF000  }
0x3e: {  	[spmem:s11] =	stream.linear.scatter [tilespmem:s14], [sflag:$0x5], $0x1000, $0x38;
	[tilespmem:$0x1E800] =	vst v63  }
0x3f: {  	_ =	swait.ge [sflag:s15], $0x1000  }
0x40: {  	[sflag:s15] =	ssyncset.done $0x0  }
0x41: {  	s12 =	rddreg [dreg:$0x6];
	[sflag:s15] =	ssyncadd.s32 $0xFFFFF000  }
0x42: {  	[spmem:s12] =	stream.linear.scatter [tilespmem:s14], [sflag:$0x5], $0x1000, $0x38;
	[tilespmem:$0x1E800] =	vst v63  }
0x43: {  	_ =	swait.ge [sflag:s15], $0x1000  }
0x44: {  	[sflag:s15] =	ssyncset.done $0x0  }
0x45: {  	s13 =	rddreg [dreg:$0x7];
	[sflag:s15] =	ssyncadd.s32 $0xFFFFF000  }
0x46: {  	[spmem:s13] =	stream.linear.scatter [tilespmem:s14], [sflag:$0x5], $0x1000, $0x38;
	[tilespmem:$0x1E800] =	vst v63  }
0x47: {  	_ =	swait.ge [sflag:s15], $0x1000  }
0x48: {  	[sflag:s15] =	ssyncset.done $0x0  }
0x49: {  	s10 =	rddreg [dreg:$0x8];
	[sflag:s15] =	ssyncadd.s32 $0xFFFFF000  }
0x4a: {  	[spmem:s10] =	stream.linear.scatter [tilespmem:s14], [sflag:$0x5], $0x1000, $0x38;
	[tilespmem:$0x1E800] =	vst v63  }
0x4b: {  	_ =	swait.ge [sflag:s15], $0x1000  }
0x4c: {  	[sflag:s15] =	ssyncset.done $0x0  }
0x4d: {  	s11 =	rddreg [dreg:$0x9];
	[sflag:s15] =	ssyncadd.s32 $0xFFFFF000  }
0x4e: {  	[spmem:s11] =	stream.linear.scatter [tilespmem:s14], [sflag:$0x5], $0x1000, $0x38;
	[tilespmem:$0x1E800] =	vst v63  }
0x4f: {  	_ =	swait.ge [sflag:s15], $0x1000  }
0x50: {  	[sflag:s15] =	ssyncset.done $0x0  }
0x51: {  	s12 =	rddreg [dreg:$0xa];
	[sflag:s15] =	ssyncadd.s32 $0xFFFFF000  }
0x52: {  	[spmem:s12] =	stream.linear.scatter [tilespmem:s14], [sflag:$0x5], $0x1000, $0x38;
	[tilespmem:$0x1E800] =	vst v63  }
0x53: {  	_ =	swait.ge [sflag:s15], $0x1000  }
0x54: {  	[sflag:s15] =	ssyncset.done $0x0  }
0x55: {  	s13 =	rddreg [dreg:$0xf];
	[sflag:s15] =	ssyncadd.s32 $0xFFFFF000  }
0x56: {  	[spmem:s13] =	stream.linear.scatter [tilespmem:s14], [sflag:$0x5], $0x1000, $0x38;
	[tilespmem:$0x1E800] =	vst v63  }
0x57: {  	_ =	swait.ge [sflag:s15], $0x1000  }
0x58: {  	[sflag:s15] =	ssyncset.done $0x0  }
0x59: {  	s10 =	rddreg [dreg:$0x14];
	[sflag:s15] =	ssyncadd.s32 $0xFFFFF000  }
0x5a: {  	[spmem:s10] =	stream.linear.scatter [tilespmem:s14], [sflag:$0x5], $0x1000, $0x38;
	[tilespmem:$0x1E800] =	vst v63  }
0x5b: {  	_ =	swait.ge [sflag:s15], $0x1000  }
0x5c: {  	[sflag:s15] =	ssyncset.done $0x0  }
0x5d: {  	s11 =	rddreg [dreg:$0x15];
	[sflag:s15] =	ssyncadd.s32 $0xFFFFF000  }
0x5e: {  	[spmem:s11] =	stream.linear.scatter [tilespmem:s14], [sflag:$0x5], $0x1000, $0x38;
	[tilespmem:$0x1E800] =	vst v63  }
0x5f: {  	_ =	swait.ge [sflag:s15], $0x1000  }
0x60: {  	[sflag:s15] =	ssyncset.done $0x0  }
0x61: {  	s12 =	rddreg [dreg:$0x16];
	[sflag:s15] =	ssyncadd.s32 $0xFFFFF000  }
0x62: {  	[spmem:s12] =	stream.linear.scatter [tilespmem:s14], [sflag:$0x5], $0x1000, $0x38;
	[tilespmem:$0x1E800] =	vst v63  }
0x63: {  	_ =	swait.ge [sflag:s15], $0x1000  }
0x64: {  	[sflag:s15] =	ssyncset.done $0x0  }
0x65: {  	s13 =	rddreg [dreg:$0x17];
	[sflag:s15] =	ssyncadd.s32 $0xFFFFF000  }
0x66: {  	[spmem:s13] =	stream.linear.scatter [tilespmem:s14], [sflag:$0x5], $0x1000, $0x38;
	[tilespmem:$0x1E800] =	vst v63  }
0x67: {  	_ =	swait.ge [sflag:s15], $0x1000  }
0x68: {  	[sflag:s15] =	ssyncset.done $0x0  }
0x69: {  	s10 =	rddreg [dreg:$0x18];
	[sflag:s15] =	ssyncadd.s32 $0xFFFFF000  }
0x6a: {  	[spmem:s10] =	stream.linear.scatter [tilespmem:s14], [sflag:$0x5], $0x1000, $0x38;
	[tilespmem:$0x1E800] =	vst v63  }
0x6b: {  	_ =	swait.ge [sflag:s15], $0x1000  }
0x6c: {  	[sflag:s15] =	ssyncset.done $0x0  }
0x6d: {  	s11 =	rddreg [dreg:$0x19];
	[sflag:s15] =	ssyncadd.s32 $0xFFFFF000  }
0x6e: {  	[spmem:s11] =	stream.linear.scatter [tilespmem:s14], [sflag:$0x5], $0x1000, $0x38;
	[tilespmem:$0x1E800] =	vst v63  }
0x6f: {  	_ =	swait.ge [sflag:s15], $0x1000  }
0x70: {  	[sflag:s15] =	ssyncset.done $0x0  }
0x71: {  	s12 =	rddreg [dreg:$0x1a];
	[sflag:s15] =	ssyncadd.s32 $0xFFFFF000  }
0x72: {  	[spmem:s12] =	stream.linear.scatter [tilespmem:s14], [sflag:$0x5], $0x1000, $0x38;
	[tilespmem:$0x1E800] =	vst v63  }
0x73: {  	_ =	swait.ge [sflag:s15], $0x1000  }
0x74: {  	[sflag:s15] =	ssyncset.done $0x0  }
0x75: {  	s13 =	rddreg [dreg:$0x1b];
	[sflag:s15] =	ssyncadd.s32 $0xFFFFF000  }
0x76: {  	[spmem:s13] =	stream.linear.scatter [tilespmem:s14], [sflag:$0x5], $0x1000, $0x38;
	[tilespmem:$0x1E800] =	vst v63  }
0x77: {  	_ =	swait.ge [sflag:s15], $0x1000  }
0x78: {  	[sflag:s15] =	ssyncset.done $0x0  }
0x79: {  	s10 =	rddreg [dreg:$0x1c];
	[sflag:s15] =	ssyncadd.s32 $0xFFFFF000  }
0x7a: {  	[spmem:s10] =	stream.linear.scatter [tilespmem:s14], [sflag:$0x5], $0x1000, $0x38;
	[tilespmem:$0x1E800] =	vst v63  }
0x7b: {  	_ =	swait.ge [sflag:s15], $0x1000  }
0x7c: {  	[sflag:s15] =	ssyncset.done $0x0  }
0x7d: {  	s11 =	rddreg [dreg:$0x1d];
	[sflag:s15] =	ssyncadd.s32 $0xFFFFF000  }
0x7e: {  	[spmem:s11] =	stream.linear.scatter [tilespmem:s14], [sflag:$0x5], $0x1000, $0x38;
	[tilespmem:$0x1E800] =	vst v63  }
0x7f: {  	_ =	swait.ge [sflag:s15], $0x1000  }
0x80: {  	[sflag:s15] =	ssyncset.done $0x0  }
0x81: {  	s12 =	rddreg [dreg:$0x1e];
	[sflag:s15] =	ssyncadd.s32 $0xFFFFF000  }
0x82: {  	[spmem:s12] =	stream.linear.scatter [tilespmem:s14], [sflag:$0x5], $0x1000, $0x38;
	[tilespmem:$0x1E800] =	vst v63  }
0x83: {  	_ =	swait.ge [sflag:s15], $0x1000  }
0x84: {  	[sflag:s15] =	ssyncset.done $0x0  }
0x85: {  	s13 =	rddreg [dreg:$0x1f];
	[sflag:s15] =	ssyncadd.s32 $0xFFFFF000  }
0x86: {  	[spmem:s13] =	stream.linear.scatter [tilespmem:s14], [sflag:$0x5], $0x1000, $0x38;
	[tilespmem:$0x1E800] =	vst v63  }
0x87: {  	_ =	swait.ge [sflag:s15], $0x1000  }
0x88: {  	[sflag:s15] =	ssyncset.done $0x0  }
0x89: {  	[sflag:s15] =	ssyncadd.s32 $0xFFFFF000  }
0x8a: {  	s9 =	simm.s32 $0x0;
	s10 =	simm.s32 $0x0;
	[bflag:$0x0] =	sbarrier.arrive $0xFFFF  }
.LBB2_4:
0x8b: {  	s11 =	smul.u32 $0x1400, s10;
	_ =	sdelay $0x1  }
0x8c: {  	s11 =	sadd.s32 s8, s11  }
0x8d: {  	s11 =	sshrl.u32 s11, $0x3  }
0x8e: {  	s12 =	sadd.s32 s5, s11  }
0x8f: {  	[tilespmem:s9], [sflag:$0x5] =	stream.linear.gather [hbm4b:s12+s9], $0x1400, $0x38;
	[tilespmem:$0x1E800] =	vst v63  }
0x90: {  	_ =	swait.ge [sflag:s15], $0x1400  }
0x91: {  	[sflag:s15] =	ssyncset.done $0x0  }
0x92: {  	s11 =	sadd.s32 s6, s11;
	[sflag:s15] =	ssyncadd.s32 $0xFFFFEC00  }
0x93: {  	[tilespmem:s16], [sflag:$0x5] =	stream.linear.gather [hbm4b:s11+s9], $0x1400, $0x38;
	[tilespmem:$0x1E800] =	vst v63  }
0x94: {  	_ =	swait.ge [sflag:s15], $0x1400  }
0x95: {  	[sflag:s15] =	ssyncset.done $0x0  }
0x96: {  	[sflag:s15] =	ssyncadd.s32 $0xFFFFEC00  }
0x97: {  	[tilespmem:s18], [sflag:$0x1] =	stream.indirect.gather [hbm4b:s4+s17], $0x80, s9, s17, $0xb8;
	[tilespmem:$0x1E800] =	vst v63  }
0x98: {  	_ = 	snop  }
0x99: {  	[tilespmem:s20], [sflag:$0x2] =	stream.indirect.gather [hbm4b:s4+s17], $0x80, s19, s17, $0xb8;
	[tilespmem:$0x1E800] =	vst v63  }
0x9a: {  	_ = 	snop  }
0x9b: {  	[tilespmem:s22], [sflag:$0x3] =	stream.indirect.gather [hbm4b:s4+s17], $0x80, s21, s17, $0xb8;
	[tilespmem:$0x1E800] =	vst v63  }
0x9c: {  	_ = 	snop  }
0x9d: {  	[tilespmem:s24], [sflag:$0x4] =	stream.indirect.gather [hbm4b:s4+s17], $0x80, s23, s17, $0xb8;
	[tilespmem:$0x1E800] =	vst v63  }
0x9e: {  	_ =	swait.ge [sflag:s25], $0x1900  }
0x9f: {  	[sflag:s25] =	ssyncset.done $0x0  }
0xa0: {  	s13 =	simm.s32 $0x1400;
	[sflag:s25] =	ssyncadd.s32 $0xFFFFE700  }
0xa1: {  	[spmem:s1] =	stream.indirect.scatter.add.f32 [tilespmem:s18], [sflag:$0x5], $0x80, s13, s17, $0xb8;
	[tilespmem:$0x1E800] =	vst v63  }
0xa2: {  	_ =	swait.ge [sflag:s15], $0x1900  }
0xa3: {  	[sflag:s15] =	ssyncset.done $0x0  }
0xa4: {  	s12 =	simm.s32 $0x200;
	[sflag:s15] =	ssyncadd.s32 $0xFFFFE700  }
0xa5: {  	[tilespmem:s18], [sflag:$0x1] =	stream.indirect.gather [hbm4b:s4+s17], $0x80, s12, s17, $0xb8;
	[tilespmem:$0x1E800] =	vst v63  }
0xa6: {  	_ =	swait.ge [sflag:s26], $0x1900  }
0xa7: {  	[sflag:s26] =	ssyncset.done $0x0  }
0xa8: {  	s13 =	simm.s32 $0x1480;
	[sflag:s26] =	ssyncadd.s32 $0xFFFFE700  }
0xa9: {  	[spmem:s1] =	stream.indirect.scatter.add.f32 [tilespmem:s20], [sflag:$0x5], $0x80, s13, s17, $0xb8;
	[tilespmem:$0x1E800] =	vst v63  }
0xaa: {  	_ =	swait.ge [sflag:s15], $0x1900  }
0xab: {  	[sflag:s15] =	ssyncset.done $0x0  }
0xac: {  	s12 =	simm.s32 $0x280;
	[sflag:s15] =	ssyncadd.s32 $0xFFFFE700  }
0xad: {  	[tilespmem:s20], [sflag:$0x2] =	stream.indirect.gather [hbm4b:s4+s17], $0x80, s12, s17, $0xb8;
	[tilespmem:$0x1E800] =	vst v63  }
0xae: {  	_ =	swait.ge [sflag:s28], $0x1900  }
0xaf: {  	[sflag:s28] =	ssyncset.done $0x0  }
0xb0: {  	s13 =	simm.s32 $0x1500;
	[sflag:s28] =	ssyncadd.s32 $0xFFFFE700  }
0xb1: {  	[spmem:s1] =	stream.indirect.scatter.add.f32 [tilespmem:s22], [sflag:$0x5], $0x80, s13, s17, $0xb8;
	[tilespmem:$0x1E800] =	vst v63  }
0xb2: {  	_ =	swait.ge [sflag:s15], $0x1900  }
0xb3: {  	[sflag:s15] =	ssyncset.done $0x0  }
0xb4: {  	s12 =	simm.s32 $0x300;
	[sflag:s15] =	ssyncadd.s32 $0xFFFFE700  }
0xb5: {  	[tilespmem:s22], [sflag:$0x3] =	stream.indirect.gather [hbm4b:s4+s17], $0x80, s12, s17, $0xb8;
	[tilespmem:$0x1E800] =	vst v63  }
0xb6: {  	_ =	swait.ge [sflag:s29], $0x1900  }
0xb7: {  	[sflag:s29] =	ssyncset.done $0x0  }
0xb8: {  	s13 =	simm.s32 $0x1580;
	[sflag:s29] =	ssyncadd.s32 $0xFFFFE700  }
0xb9: {  	[spmem:s1] =	stream.indirect.scatter.add.f32 [tilespmem:s24], [sflag:$0x5], $0x80, s13, s17, $0xb8;
	[tilespmem:$0x1E800] =	vst v63  }
0xba: {  	_ =	swait.ge [sflag:s15], $0x1900  }
0xbb: {  	[sflag:s15] =	ssyncset.done $0x0  }
0xbc: {  	s11 =	simm.s32 $0x800;
	s12 =	simm.s32 $0x380;
	[sflag:s15] =	ssyncadd.s32 $0xFFFFE700  }
.LBB2_5:
0xbd: {  	[tilespmem:s24], [sflag:$0x4] =	stream.indirect.gather [hbm4b:s4+s17], $0x80, s12, s17, $0xb8;
	[tilespmem:$0x1E800] =	vst v63  }
0xbe: {  	s12 =	smov.u32 s11  }
0xbf: {  	p0 =	sne.s32 s11, $0x4000;
	s11 =	sadd.s32 $0x800, s11;
	_ =	swait.ge [sflag:s25], $0x1900  }
0xc0: {  	s12 =	sshra.s32 s12, $0x2;
	[sflag:s25] =	ssyncset.done $0x0  }
0xc1: {  	s13 =	sadd.s32 $0x1400, s12;
	[sflag:s25] =	ssyncadd.s32 $0xFFFFE700  }
0xc2: {  	[spmem:s1] =	stream.indirect.scatter.add.f32 [tilespmem:s18], [sflag:$0x5], $0x80, s13, s17, $0xb8;
	[tilespmem:$0x1E800] =	vst v63  }
0xc3: {  	_ =	swait.ge [sflag:s15], $0x1900  }
0xc4: {  	[sflag:s15] =	ssyncset.done $0x0  }
0xc5: {  	s13 =	sadd.s32 $0x200, s12;
	[sflag:s15] =	ssyncadd.s32 $0xFFFFE700  }
0xc6: {  	[tilespmem:s18], [sflag:$0x1] =	stream.indirect.gather [hbm4b:s4+s17], $0x80, s13, s17, $0xb8;
	[tilespmem:$0x1E800] =	vst v63  }
0xc7: {  	_ =	swait.ge [sflag:s26], $0x1900  }
0xc8: {  	[sflag:s26] =	ssyncset.done $0x0  }
0xc9: {  	s13 =	sadd.s32 $0x1480, s12;
	[sflag:s26] =	ssyncadd.s32 $0xFFFFE700  }
0xca: {  	[spmem:s1] =	stream.indirect.scatter.add.f32 [tilespmem:s20], [sflag:$0x5], $0x80, s13, s17, $0xb8;
	[tilespmem:$0x1E800] =	vst v63  }
0xcb: {  	_ =	swait.ge [sflag:s15], $0x1900  }
0xcc: {  	[sflag:s15] =	ssyncset.done $0x0  }
0xcd: {  	s13 =	sadd.s32 $0x280, s12;
	[sflag:s15] =	ssyncadd.s32 $0xFFFFE700  }
0xce: {  	[tilespmem:s20], [sflag:$0x2] =	stream.indirect.gather [hbm4b:s4+s17], $0x80, s13, s17, $0xb8;
	[tilespmem:$0x1E800] =	vst v63  }
0xcf: {  	_ =	swait.ge [sflag:s28], $0x1900  }
0xd0: {  	[sflag:s28] =	ssyncset.done $0x0  }
0xd1: {  	s13 =	sadd.s32 $0x1500, s12;
	[sflag:s28] =	ssyncadd.s32 $0xFFFFE700  }
0xd2: {  	[spmem:s1] =	stream.indirect.scatter.add.f32 [tilespmem:s22], [sflag:$0x5], $0x80, s13, s17, $0xb8;
	[tilespmem:$0x1E800] =	vst v63  }
0xd3: {  	_ =	swait.ge [sflag:s15], $0x1900  }
0xd4: {  	[sflag:s15] =	ssyncset.done $0x0  }
0xd5: {  	s13 =	sadd.s32 $0x300, s12;
	[sflag:s15] =	ssyncadd.s32 $0xFFFFE700  }
0xd6: {  	[tilespmem:s22], [sflag:$0x3] =	stream.indirect.gather [hbm4b:s4+s17], $0x80, s13, s17, $0xb8;
	[tilespmem:$0x1E800] =	vst v63  }
0xd7: {  	_ =	swait.ge [sflag:s29], $0x1900  }
0xd8: {  	[sflag:s29] =	ssyncset.done $0x0  }
.Ltmp1:
0xd9: {  	s13 =	sadd.s32 $0x1580, s12;
	[sflag:s29] =	ssyncadd.s32 $0xFFFFE700;
	(pc) =	sbr.rel @p0 .LBB2_5-.Ltmp1, $4  }
0xda: {  	[spmem:s1] =	stream.indirect.scatter.add.f32 [tilespmem:s24], [sflag:$0x5], $0x80, s13, s17, $0xb8;
	[tilespmem:$0x1E800] =	vst v63  }
0xdb: {  	_ =	swait.ge [sflag:s15], $0x1900  }
0xdc: {  	[sflag:s15] =	ssyncset.done $0x0  }
0xdd: {  	s12 =	sadd.s32 $0x380, s12;
	[sflag:s15] =	ssyncadd.s32 $0xFFFFE700  }
0xde: {  	[tilespmem:s24], [sflag:$0x4] =	stream.indirect.gather [hbm4b:s4+s17], $0x80, s12, s17, $0xb8;
	[tilespmem:$0x1E800] =	vst v63  }
0xdf: {  	_ =	swait.ge [sflag:s25], $0x1900  }
0xe0: {  	[sflag:s25] =	ssyncset.done $0x0  }
0xe1: {  	[sflag:s25] =	ssyncadd.s32 $0xFFFFE700  }
0xe2: {  	[spmem:s1] =	stream.indirect.scatter.add.f32 [tilespmem:s18], [sflag:$0x5], $0x80, s30, s17, $0xb8;
	[tilespmem:$0x1E800] =	vst v63  }
0xe3: {  	_ =	swait.ge [sflag:s15], $0x1900  }
0xe4: {  	[sflag:s15] =	ssyncset.done $0x0  }
0xe5: {  	[sflag:s15] =	ssyncadd.s32 $0xFFFFE700  }
0xe6: {  	_ =	swait.ge [sflag:s26], $0x1900  }
0xe7: {  	[sflag:s26] =	ssyncset.done $0x0  }
0xe8: {  	[sflag:s26] =	ssyncadd.s32 $0xFFFFE700  }
0xe9: {  	[spmem:s1] =	stream.indirect.scatter.add.f32 [tilespmem:s20], [sflag:$0x5], $0x80, s31, s17, $0xb8;
	[tilespmem:$0x1E800] =	vst v63  }
0xea: {  	_ =	swait.ge [sflag:s15], $0x1900  }
0xeb: {  	[sflag:s15] =	ssyncset.done $0x0  }
0xec: {  	[sflag:s15] =	ssyncadd.s32 $0xFFFFE700  }
0xed: {  	_ =	swait.ge [sflag:s28], $0x1900  }
0xee: {  	[sflag:s28] =	ssyncset.done $0x0  }
0xef: {  	[sflag:s28] =	ssyncadd.s32 $0xFFFFE700  }
0xf0: {  	[spmem:s1] =	stream.indirect.scatter.add.f32 [tilespmem:s22], [sflag:$0x5], $0x80, s0, s17, $0xb8;
	[tilespmem:$0x1E800] =	vst v63  }
0xf1: {  	_ =	swait.ge [sflag:s15], $0x1900  }
0xf2: {  	[sflag:s15] =	ssyncset.done $0x0  }
0xf3: {  	[sflag:s15] =	ssyncadd.s32 $0xFFFFE700  }
0xf4: {  	s10 =	sadd.s32 $0x1, s10;
	_ =	swait.ge [sflag:s29], $0x1900  }
0xf5: {  	p0 =	sne.s32 s10, $0x5;
	[sflag:s29] =	ssyncset.done $0x0  }
.Ltmp2:
0xf6: {  	[sflag:s29] =	ssyncadd.s32 $0xFFFFE700;
	(pc) =	sbr.rel @p0 .LBB2_4-.Ltmp2, $4  }
0xf7: {  	[spmem:s1] =	stream.indirect.scatter.add.f32 [tilespmem:s24], [sflag:$0x5], $0x80, s3, s17, $0xb8;
	[tilespmem:$0x1E800] =	vst v63  }
0xf8: {  	_ =	swait.ge [sflag:s15], $0x1900  }
0xf9: {  	[sflag:s15] =	ssyncset.done $0x0  }
0xfa: {  	[sflag:s15] =	ssyncadd.s32 $0xFFFFE700  }
0xfb: {  	s9 =	stileid.u32  }
0xfc: {  	[bflag:$0x0] =	sbarrier.arrive $0xFFFF;
	s9 =	sshll.u32 s9, $0x6  }
0xfd: {  	s10 =	sshrl.u32 s7, $0x3;
	s11 =	rddreg [dreg:$0x3];
	s9 =	sor.u32 $0x1C05, s9  }
0xfe: {  	[hbm:s11], [sflag:s9] =	dma.local [spmem:s10], $0x800  }
0xff: {  	_ =	swait.ge [sflag:s15], $0x800  }
0x100: {  	[sflag:s15] =	ssyncset.done $0x0;
	s12 =	rddreg [dreg:$0xb]  }
0x101: {  	s13 =	rddreg [dreg:$0x10];
	[sflag:s15] =	ssyncadd.s32 $0xFFFFF800  }
0x102: {  	[hbm:s12], [sflag:s9] =	dma.local [spmem:s13], $0x800  }
0x103: {  	_ =	swait.ge [sflag:s15], $0x800  }
0x104: {  	[sflag:s15] =	ssyncset.done $0x0;
	s12 =	rddreg [dreg:$0xc]  }
0x105: {  	s13 =	rddreg [dreg:$0x11];
	[sflag:s15] =	ssyncadd.s32 $0xFFFFF800  }
0x106: {  	[hbm:s12], [sflag:s9] =	dma.local [spmem:s13], $0x800  }
0x107: {  	_ =	swait.ge [sflag:s15], $0x800  }
0x108: {  	[sflag:s15] =	ssyncset.done $0x0;
	s12 =	rddreg [dreg:$0xd]  }
0x109: {  	s13 =	rddreg [dreg:$0x12];
	[sflag:s15] =	ssyncadd.s32 $0xFFFFF800  }
0x10a: {  	[hbm:s12], [sflag:s9] =	dma.local [spmem:s13], $0x800  }
0x10b: {  	_ =	swait.ge [sflag:s15], $0x800  }
0x10c: {  	[sflag:s15] =	ssyncset.done $0x0;
	s11 =	rddreg [dreg:$0xe]  }
0x10d: {  	s12 =	rddreg [dreg:$0x13];
	[sflag:s15] =	ssyncadd.s32 $0xFFFFF800  }
0x10e: {  	[hbm:s11], [sflag:s9] =	dma.local [spmem:s12], $0x800  }
0x10f: {  	_ =	swait.ge [sflag:s15], $0x800  }
0x110: {  	s2 =	sadd.s32 $0x1, s2;
	s13 =	rddreg [dreg:$0x4]  }
0x111: {  	p0 =	sne.s32 s2, s13  }
.Ltmp3:
0x112: {  	_ = 	snop;
	(pc) =	sbr.rel @p0 .LBB2_1-.Ltmp3, $3  }
0x113: {  	_ =	sdelay $0x1  }
0x114: {  	[sflag:s15] =	ssyncset.done $0x0  }
0x115: {  	[sflag:s15] =	ssyncadd.s32 $0xFFFFF800  }
0x116: {  	_ =	sfence.sel $0x180000  }
0x117: {  	[bflag:$0x0] =	sbarrier.arrive $0xFFFF  }
0x118: {  	_ =	strace $0x9000004A  }
0x119: {  	s0 =	stileid.u32;
	[bflag:$0x2] =	sbarrier.arrive $0xFFFF  }
0x11a: {  	p0 =	sne.s32 s0, $0x0;
	s0 =	rddreg [dreg:$0x2]  }
0x11b: {  	s0 =	sadd.s32 @!p0 $0x100000, s0  }
0x11c: {  	[sflag:s0] =	ssyncadd.tile.s32 @!p0 $0x1;
	_ =	shalt  }
.Lfunc_end2:
_tile_overlayer_lowered:
.L_overlay_start_2:
0x11d: {  	(tag) =	ssettag $0x2  }
0x11e: {  	s0 =	rddreg [dreg:$0x0];
	s2 =	stileid.u32  }
0x11f: {  	s1 =	rddreg [dreg:$0x1];
	p0 =	sne.s32 s2, $0x0  }
0x120: {  	s3 =	rddreg [dreg:$0x2];
	[bflag:$0x3] =	sbarrier.arrive $0xFFFF;
	s2 =	simm.s32 @!p0 $0x1C05  }
0x121: {  	[timem:s3], [sflag:s2] =	dma.local @!p0 [hbm:s0], s1  }
0x122: {  	s0 =	simm.s32 @!p0 $0x5  }
0x123: {  	_ =	swait.ge @!p0 [sflag:s0], s1  }
0x124: {  	s1 =	ssub.s32 @!p0 $0x0, s1;
	[sflag:s0] =	ssyncset.done @!p0 $0x0  }
0x125: {  	[sflag:s0] =	ssyncadd.s32 @!p0 s1  }
0x126: {  	[bflag:$0x3] =	sbarrier.arrive $0xFFFF  }
0x127: {  	_ =	shalt  }

// kernel: kernel.14.cloned.1.call-start
scs
__scs_entry_jumppad:
0x0: {  	(pc) =	sbr.rel $0x88, $3  }
0x1: {  	(tag) =	ssettag $0x0;
	lr =	simm.s32 $0x1  }
0x2: {  	[smem:$0x3F9B] =	sst lr;
	_ =	strace $0xD0000000  }
0x3: {  	_ = 	snop  }
0x4: {  	_ = 	snop  }
0x5: {  	_ = 	snop  }
0x6: {  	_ = 	snop  }
0x7: {  	_ = 	snop  }
__scs_overlays_trampoline_lowered:
0x8: {  	[smem:$0x3FAA] =	sst s0  }
0x9: {  	[smem:$0x3FAB] =	sst s1  }
0xa: {  	[smem:$0x3FAC] =	sst s2  }
0xb: {  	[smem:$0x3FAD] =	sst s3  }
0xc: {  	[smem:$0x3FAE] =	sst s4  }
0xd: {  	[smem:$0x3FAF] =	sst s5  }
0xe: {  	[smem:$0x3FB0] =	sst s6  }
0xf: {  	[smem:$0x3FB1] =	sst s7  }
0x10: {  	[smem:$0x3FB2] =	sst s8  }
0x11: {  	[smem:$0x3FB3] =	sst s9;
	s0 =	simm.s32 @!p0 $0x0  }
0x12: {  	s1 =	sld [smem:$0x3F99];
	s0 =	simm.s32 @p0 $0x1  }
0x13: {  	[smem:$0x3FB4] =	sst s0;
	s0 =	simm.s32 @!p1 $0x0  }
0x14: {  	s2 =	sld [smem:$0x3F98];
	s0 =	simm.s32 @p1 $0x1  }
0x15: {  	[smem:$0x3FB5] =	sst s0;
	s0 =	simm.s32 @!p2 $0x0  }
0x16: {  	s3 =	sld [smem:$0x3FDB];
	s0 =	simm.s32 @p2 $0x1  }
0x17: {  	s4 =	simm.s32 $0x1BF5;
	[smem:$0x3FB7] =	sst s0  }
0x18: {  	s0 =	sld [smem:$0x3F9A];
	_ =	swait.ge [sflag:s4], $0x0  }
0x19: {  	s7 =	sld [smem:$0x3F9B]  }
0x1a: {  	s8 =	sadd.s32 $0xFFFFE003, lr  }
0x1b: {  	s9 =	sadd.s32 $0xFFFFFEF7, lr;
	s5 =	simm.s32 $0xFFFFFFFF;
	p2 =	slt.u32 s8, $0xFFFFF086  }
0x1c: {  	p1 =	slt.u32 s9, $0xF7A;
	s5 =	simm.s32 @!p2 $0x0  }
0x1d: {  	s5 =	simm.s32 @p1 $0x1;
	p0 =	seq.s32 s7, s2  }
0x1e: {  	s7 =	smul.u32 @!p0 $0xF7A, s2;
	p2 =	seq.s32 @!p0 s5, $0x0  }
0x1f: {  	s9 =	smul.u32 $0xF7A, s1;
	s8 =	simm.s32 @!p0 $0x1BF5;
	p2 =	por !p2, p0  }
0x20: {  	[sflag:s8] =	ssyncset.s32 @!p0 $0xFFFFF086;
	s6 =	sadd.s32 @!p0 s3, s7;
	s7 =	simm.s32 @!p0 $0x108  }
0x21: {  	s3 =	sadd.s32 s3, s9;
	s6 =	sadd.s32 @!p0 $0x88, s6;
	s7 =	simm.s32 @p2 $0x1082  }
0x22: {  	[simem:s7], [sflag:s8] =	dma.local @!p0 [hbm:s6], $0xF7A  }
0x23: {  	s9 =	sor.u32 $0xD0000000, s2;
	s6 =	simm.s32 $0x108;
	_ =	swait.ge @!p0 [sflag:s8], $0x0  }
0x24: {  	s3 =	sadd.s32 $0x88, s3;
	s6 =	simm.s32 @!p1 $0x1082;
	[sflag:s4] =	ssyncset.s32 $0xFFFFF086  }
0x25: {  	[simem:s6], [sflag:s4] =	dma.local [hbm:s3], $0xF7A  }
0x26: {  	[smem:$0x3F9B] =	sst s1;
	(tag) =	ssettag s2;
	_ =	strace s9  }
0x27: {  	s1 =	sld [smem:$0x3FAB]  }
0x28: {  	s2 =	sld [smem:$0x3FAC]  }
0x29: {  	s4 =	sld [smem:$0x3FAE]  }
0x2a: {  	p0 =	seq.s32 s5, $0x0;
	s5 =	sld [smem:$0x3FAF]  }
0x2b: {  	s6 =	sld [smem:$0x3FB0]  }
0x2c: {  	s7 =	sld [smem:$0x3FB1]  }
0x2d: {  	s3 =	simm.s32 $0x108;
	s8 =	sld [smem:$0x3FB2]  }
0x2e: {  	s3 =	simm.s32 @!p0 $0x1082;
	s9 =	sld [smem:$0x3FB3]  }
0x2f: {  	lr =	sadd.s32 s0, s3;
	s0 =	sld [smem:$0x3FAA]  }
0x30: {  	s3 =	sld [smem:$0x3FAD]  }
0x31: {  	[smem:$0x3FB6] =	sst s10  }
0x32: {  	s10 =	sld [smem:$0x3FB4];
	_ =	sdelay $0x3  }
0x33: {  	p0 =	seq.s32 s10, $0x1;
	s10 =	sld [smem:$0x3FB6];
	_ =	sdelay $0x3  }
0x34: {  	[smem:$0x3FB6] =	sst s10  }
0x35: {  	s10 =	sld [smem:$0x3FB5];
	_ =	sdelay $0x3  }
0x36: {  	p1 =	seq.s32 s10, $0x1;
	s10 =	sld [smem:$0x3FB6];
	_ =	sdelay $0x3  }
0x37: {  	[smem:$0x3FB6] =	sst s10  }
0x38: {  	s10 =	sld [smem:$0x3FB7]  }
0x39: {  	_ = 	snop;
	(pc) =	sbr.ind lr, $3  }
0x3a: {  	_ = 	snop  }
0x3b: {  	_ = 	snop  }
0x3c: {  	p2 =	seq.s32 s10, $0x1;
	s10 =	sld [smem:$0x3FB6]  }
0x3d: {  	_ =	shalt  }
0x3e: {  	_ =	shalt  }
0x3f: {  	_ =	shalt  }
0x40: {  	_ =	shalt  }
0x41: {  	_ =	shalt  }
0x42: {  	_ =	shalt  }
0x43: {  	_ =	shalt  }
0x44: {  	_ =	shalt  }
0x45: {  	_ =	shalt  }
0x46: {  	_ =	shalt  }
0x47: {  	_ =	shalt  }
0x48: {  	_ =	shalt  }
0x49: {  	_ =	shalt  }
0x4a: {  	_ =	shalt  }
0x4b: {  	_ =	shalt  }
0x4c: {  	_ =	shalt  }
0x4d: {  	_ =	shalt  }
0x4e: {  	_ =	shalt  }
0x4f: {  	_ =	shalt  }
0x50: {  	_ =	shalt  }
0x51: {  	_ =	shalt  }
0x52: {  	_ =	shalt  }
0x53: {  	_ =	shalt  }
0x54: {  	_ =	shalt  }
0x55: {  	_ =	shalt  }
0x56: {  	_ =	shalt  }
0x57: {  	_ =	shalt  }
0x58: {  	_ =	shalt  }
0x59: {  	_ =	shalt  }
0x5a: {  	_ =	shalt  }
0x5b: {  	_ =	shalt  }
0x5c: {  	_ =	shalt  }
0x5d: {  	_ =	shalt  }
0x5e: {  	_ =	shalt  }
0x5f: {  	_ =	shalt  }
0x60: {  	_ =	shalt  }
0x61: {  	_ =	shalt  }
0x62: {  	_ =	shalt  }
0x63: {  	_ =	shalt  }
0x64: {  	_ =	shalt  }
0x65: {  	_ =	shalt  }
0x66: {  	_ =	shalt  }
0x67: {  	_ =	shalt  }
0x68: {  	_ =	shalt  }
0x69: {  	_ =	shalt  }
0x6a: {  	_ =	shalt  }
0x6b: {  	_ =	shalt  }
0x6c: {  	_ =	shalt  }
0x6d: {  	_ =	shalt  }
0x6e: {  	_ =	shalt  }
0x6f: {  	_ =	shalt  }
0x70: {  	_ =	shalt  }
0x71: {  	_ =	shalt  }
0x72: {  	_ =	shalt  }
0x73: {  	_ =	shalt  }
0x74: {  	_ =	shalt  }
0x75: {  	_ =	shalt  }
0x76: {  	_ =	shalt  }
0x77: {  	_ =	shalt  }
0x78: {  	_ =	shalt  }
0x79: {  	_ =	shalt  }
0x7a: {  	_ =	shalt  }
0x7b: {  	_ =	shalt  }
0x7c: {  	_ =	shalt  }
0x7d: {  	_ =	shalt  }
0x7e: {  	_ =	shalt  }
0x7f: {  	_ =	shalt  }
0x80: {  	_ =	shalt  }
0x81: {  	_ =	shalt  }
0x82: {  	_ =	shalt  }
0x83: {  	_ =	shalt  }
0x84: {  	_ =	shalt  }
0x85: {  	_ =	shalt  }
0x86: {  	_ =	shalt  }
0x87: {  	_ =	shalt  }
.Lfunc_end0:
.L_simem_size_0:
called_computation.2_lowered:
.L_overlay_start_0:
0x88: {  	s2 =	sld [smem:$0x3FD9]  }
0x89: {  	s3 =	sld [smem:$0x3FFE];
	_ =	sdelay $0x1  }
0x8a: {  	s1 =	srdreg.scid  }
0x8b: {  	s0 =	sand.u32 $0x1, s1  }
0x8c: {  	s16 =	sshll.u32 s0, $0xA;
	s2 =	sadd.s32 s3, s2  }
0x8d: {  	s2 =	sadd.s32 s2, s16  }
0x8e: {  	[smem:$0x3FC2] =	sst s2  }
0x8f: {  	_ = 	snop  }
0x90: {  	(tm) =	ssettm $0x1  }
0x91: {  	s17 =	sld [smem:$0x3FFB];
	_ =	sdelay $0x3  }
0x92: {  	_ =	strace s17  }
0x93: {  	s2 =	sld [smem:$0x3FFC];
	_ =	sdelay $0x3  }
0x94: {  	_ =	strace s2  }
0x95: {  	s2 =	sld [smem:$0x3FFD];
	_ =	sdelay $0x3  }
0x96: {  	_ =	strace s2  }
0x97: {  	_ =	strace $0x8FFFFFFF  }
0x98: {  	s18 =	sld [smem:$0x3FDB];
	_ =	sdelay $0x1  }
0x99: {  	s19 =	simm.s32 $_scs_section_size  }
0x9a: {  	s4 =	simm.s32 $_size__tile_overlayer_lowered;
	s5 =	simm.s32 $_tile_overlayer_lowered  }
0x9b: {  	s22 =	simm.s32 $0x1BFF;
	s21 =	sshll.u32 s5, $0x1;
	s2 =	sadd.s32 s19, s18  }
0x9c: {  	s6 =	simm.s32 $0x0;
	s20 =	sshll.u32 s4, $0x1;
	s4 =	sadd.s32 s21, s2  }
0x9d: {  	[timem:s6], [sflag:s22] =	dma.local [hbm:s4], s20  }
0x9e: {  	_ =	swait.ge [sflag:s22], s20  }
0x9f: {  	s3 =	ssub.s32 $0x0, s20;
	[sflag:s22] =	ssyncset.done $0x0  }
0xa0: {  	[sflag:s22] =	ssyncadd.s32 s3;
	_ =	sdelay $0x1  }
0xa1: {  	s23 =	simm.s32 $0x1B8B  }
0xa2: {  	_ =	swait.ge [sflag:s23], $0x1  }
0xa3: {  	[sflag:s23] =	ssyncset.done $0x0  }
0xa4: {  	s25 =	simm.s32 $0x1B8E;
	s24 =	sld [smem:$0x3FFE];
	[sflag:s23] =	ssyncadd.s32 $0xFFFFFFFF  }
0xa5: {  	s26 =	simm.s32 $execute0_lowered;
	[smem:$0x3FD2] =	sst s25  }
0xa6: {  	s4 =	sshll.u32 s26, $0x1;
	_ =	strace $0x8000004C;
	[dreg:$0x1] =	wrdreg $0xFFFFFFFF  }
0xa7: {  	s28 =	simm.s32 $_size_execute0_lowered;
	s2 =	sadd.s32 s2, s4;
	[dreg:$0x0] =	wrdreg $0x0  }
0xa8: {  	s4 =	sshll.u32 s28, $0x1;
	[dreg:$0x2] =	wrdreg s2  }
0xa9: {  	[dreg:$0x3] =	wrdreg s4  }
0xaa: {  	[dreg:$0x4] =	wrdreg $0xC0  }
0xab: {  	_ =	task [dreg:s6], $0x5FFFF  }
0xac: {  	[dreg:$0x1] =	wrdreg $0xFFFFFFFF  }
0xad: {  	[dreg:$0x0] =	wrdreg $0x60  }
0xae: {  	[dreg:$0x2] =	wrdreg s24  }
0xaf: {  	[dreg:$0x3] =	wrdreg $0xA8000  }
0xb0: {  	[dreg:$0x4] =	wrdreg $0x9  }
0xb1: {  	_ =	task.clear_ibuf [dreg:s6], $0x5FFFF;
	_ =	strace $0x9000004C  }
0xb2: {  	s29 =	simm.s32 $0x9;
	_ =	strace $0x8000004E  }
0xb3: {  	_ =	swait.ge [sflag:s29], $0x1  }
0xb4: {  	[sflag:s29] =	ssyncadd.s32 $0xFFFFFFFF  }
0xb5: {  	_ =	strace $0x9000004E  }
0xb6: {  	_ =	sfence  }
0xb7: {  	s30 =	sld [smem:$0x0];
	_ =	sdelay $0x2  }
0xb8: {  	s31 =	sshll.u32 s1, $0xD;
	s1 =	sshrl.u32 s1, $0x2  }
0xb9: {  	s3 =	sand.u32 $0x4000, s31;
	s1 =	sadd.s32 s1, s30  }
0xba: {  	s0 =	sor.u32 s3, s0;
	s1 =	sshll.u32 s1, $0x11  }
0xbb: {  	s0 =	sor.u32 s1, s0  }
0xbc: {  	s0 =	sadd.s32 $0x8F2B, s0  }
0xbd: {  	[sflag:s0] =	ssyncadd.remote.s32 $0x1  }
0xbe: {  	_ =	sfence.sel $0xFFFF  }
0xbf: {  	[dreg:$0x0] =	wrdreg $0xFFFFFFFF;
	(pc) =	sbr.abs _section_cstart, $3  }
0xc0: {  	[dreg:$0x1] =	wrdreg $0xFFFFFFFF  }
0xc1: {  	_ =	task.clear_ibuf [dreg:s6], $0x2FFFF;
	_ =	strace $0x9FFFFFFF  }
0xc2: {  	(tm) =	ssettm $0x7FFFFFFF  }
0xc3: {  	_ =	shalt  }
tec
execute0_lowered:
.L_overlay_start_1:
0x0: {  	(tag) =	ssettag $0x1  }
0x1: {  	s0 =	rddreg [dreg:$0x0]  }
0x2: {  	s1 =	rddreg [dreg:$0x1];
	s2 =	simm.s32 $0x0;
	s3 =	srdreg.scid  }
0x3: {  	s13 =	stileid.u32;
	s28 =	simm.s32 $0x3;
	s29 =	simm.s32 $0x4  }
0x4: {  	s30 =	simm.s32 $0x2600;
	s31 =	simm.s32 $0x2680;
	[smem:$0x7FF] =	sst s2  }
0x5: {  	s4 =	sadd.s32 $0x84200, s0;
	s3 =	sand.u32 $0x1, s3;
	s5 =	sadd.s32 $0x6B200, s0  }
0x6: {  	s6 =	sadd.s32 $0x52200, s0;
	s10 =	smul.u32 $0x14000, s13;
	s0 =	sadd.s32 $0xAB400, s0  }
0x7: {  	s11 =	smul.u32 $0x50000, s13;
	s23 =	sshll.u32 s13, $0x1;
	_ =	strace $0x8000004D  }
0x8: {  	s9 =	smul.u32 $0x140000, s3;
	s7 =	ssub.s32 $0x2, s3;
	s3 =	sor.u32 s3, s23  }
0x9: {  	s8 =	sshrl.u32 s7, $0x1;
	s25 =	sshrl.u32 s11, $0x2;
	s15 =	sadd.s32 $0x4000, s10  }
0xa: {  	s22 =	sadd.s32 $0x8000, s10;
	s12 =	ssub.s32 s7, s8;
	s24 =	sadd.s32 s9, s10  }
0xb: {  	s7 =	sadd.s32 s25, s1;
	s8 =	smul.u32 $0x6400, s3;
	s13 =	smax.u32 s12, $0x1  }
0xc: {  	s18 =	sadd.s32 s9, s15;
	s14 =	sadd.s32 $0x1000, s7;
	[dreg:$0x4] =	wrdreg s13  }
0xd: {  	s23 =	sadd.s32 s9, s22;
	s16 =	sadd.s32 $0x2000, s7;
	[dreg:$0x5] =	wrdreg s14  }
0xe: {  	s3 =	sadd.s32 s15, s1;
	s17 =	sadd.s32 $0x3000, s7;
	[dreg:$0x6] =	wrdreg s16  }
0xf: {  	s26 =	sshrl.u32 s24, $0x3;
	s19 =	sadd.s32 $0x4000, s7;
	[dreg:$0x7] =	wrdreg s17  }
0x10: {  	s20 =	sadd.s32 $0x5000, s7;
	s21 =	sadd.s32 $0x6000, s7;
	[dreg:$0x8] =	wrdreg s19  }
0x11: {  	s24 =	sadd.s32 $0xC000, s10;
	s10 =	sadd.s32 $0x10000, s10;
	[dreg:$0x9] =	wrdreg s20  }
0x12: {  	s12 =	sshrl.u32 s23, $0x3;
	s15 =	sadd.s32 $0x8000, s7;
	[dreg:$0xa] =	wrdreg s21  }
0x13: {  	s23 =	sadd.s32 $0x10000, s7;
	s11 =	sadd.s32 s0, s26;
	[dreg:$0x14] =	wrdreg s15  }
0x14: {  	s14 =	sadd.s32 s9, s24;
	s9 =	sadd.s32 s9, s10;
	[dreg:$0x1c] =	wrdreg s23  }
0x15: {  	s12 =	sadd.s32 s0, s12;
	s26 =	sadd.s32 $0x7000, s7;
	[dreg:$0x3] =	wrdreg s11  }
0x16: {  	s10 =	sadd.s32 s10, s1;
	s16 =	sadd.s32 $0x9000, s7;
	[dreg:$0xc] =	wrdreg s12  }
0x17: {  	s17 =	sadd.s32 $0xA000, s7;
	s19 =	sadd.s32 $0xC000, s7;
	[dreg:$0xf] =	wrdreg s26  }
0x18: {  	s20 =	sadd.s32 $0xD000, s7;
	s21 =	sadd.s32 $0xE000, s7;
	[dreg:$0x15] =	wrdreg s16  }
0x19: {  	s15 =	simm.s32 $0x5;
	s23 =	simm.s32 $0x180;
	[dreg:$0x16] =	wrdreg s17  }
0x1a: {  	s11 =	sshrl.u32 s18, $0x3;
	s25 =	sshrl.u32 s14, $0x3;
	[dreg:$0x18] =	wrdreg s19  }
0x1b: {  	s9 =	sshrl.u32 s9, $0x3;
	s14 =	sshrl.u32 s10, $0x3;
	[dreg:$0x19] =	wrdreg s20  }
0x1c: {  	s18 =	sadd.s32 $0xB000, s7;
	[dreg:$0x1a] =	wrdreg s21;
	s26 =	sadd.s32 $0x13000, s7  }
0x1d: {  	s16 =	simm.s32 $0x1400;
	s17 =	simm.s32 $0x32;
	[dreg:$0x13] =	wrdreg s14  }
0x1e: {  	s19 =	simm.s32 $0x80;
	s20 =	simm.s32 $0x4400;
	[dreg:$0x17] =	wrdreg s18  }
0x1f: {  	s21 =	simm.s32 $0x100;
	s11 =	sadd.s32 s0, s11;
	[dreg:$0x1f] =	wrdreg s26  }
0x20: {  	s12 =	sadd.s32 s0, s25;
	s0 =	sadd.s32 s0, s9;
	[dreg:$0xb] =	wrdreg s11  }
0x21: {  	s9 =	sadd.s32 s22, s1;
	s22 =	sadd.s32 $0xF000, s7;
	[dreg:$0xd] =	wrdreg s12  }
0x22: {  	s25 =	sadd.s32 $0x12000, s7;
	s14 =	simm.s32 $0x9800;
	[dreg:$0xe] =	wrdreg s0  }
0x23: {  	s18 =	simm.s32 $0x2800;
	s26 =	simm.s32 $0x2;
	[dreg:$0x1b] =	wrdreg s22  }
0x24: {  	s11 =	sadd.s32 s24, s1;
	s0 =	sshrl.u32 s3, $0x3;
	[dreg:$0x1e] =	wrdreg s25  }
0x25: {  	s12 =	sshrl.u32 s9, $0x3;
	s24 =	sadd.s32 $0x11000, s7;
	[dreg:$0x10] =	wrdreg s0  }
0x26: {  	s22 =	simm.s32 $0x6000;
	s25 =	simm.s32 $0x1;
	[dreg:$0x11] =	wrdreg s12  }
0x27: {  	s3 =	simm.s32 $0x2780;
	s13 =	sshrl.u32 s11, $0x3;
	[dreg:$0x1d] =	wrdreg s24  }
0x28: {  	v0 =	vimm.f32 $0.0e+00;
	s24 =	simm.s32 $0x7C00;
	s0 =	simm.s32 $0x2700;
	[dreg:$0x12] =	wrdreg s13  }
.LBB2_1:
0x29: {  	s9 =	simm.s32 $0x0;
	s10 =	simm.s32 $0x200  }
.LBB2_2:
0x2a: {  	p0 =	sne.s32 s10, $0x3E00;
	[tilespmem:s9+$0x9870] =	vst v0  }
0x2b: {  	[tilespmem:s9+$0x9800] =	vst v0  }
0x2c: {  	[tilespmem:s9+$0x9810] =	vst v0  }
.Ltmp0:
0x2d: {  	[tilespmem:s9+$0x9820] =	vst v0;
	(pc) =	sbr.rel @p0 .LBB2_2-.Ltmp0, $4  }
0x2e: {  	[tilespmem:s9+$0x9830] =	vst v0  }
0x2f: {  	[tilespmem:s9+$0x9840] =	vst v0  }
0x30: {  	[tilespmem:s9+$0x9850] =	vst v0  }
0x31: {  	[tilespmem:s9+$0x9860] =	vst v0;
	s9 =	sshra.s32 s10, $0x2;
	s10 =	sadd.s32 $0x200, s10  }
0x32: {  	[tilespmem:s9+$0x9870] =	vst v0  }
0x33: {  	[tilespmem:s9+$0x9800] =	vst v0  }
0x34: {  	[tilespmem:s9+$0x9810] =	vst v0  }
0x35: {  	[tilespmem:s9+$0x9820] =	vst v0  }
0x36: {  	[tilespmem:s9+$0x9830] =	vst v0  }
0x37: {  	[tilespmem:s9+$0x9840] =	vst v0  }
0x38: {  	[tilespmem:s9+$0x9850] =	vst v0  }
0x39: {  	[tilespmem:s9+$0x9860] =	vst v0  }
0x3a: {  	[spmem:s7] =	stream.linear.scatter [tilespmem:s14], [sflag:$0x5], $0x1000, $0x38;
	[tilespmem:$0x1E800] =	vst v63  }
0x3b: {  	_ =	swait.ge [sflag:s15], $0x1000  }
0x3c: {  	[sflag:s15] =	ssyncset.done $0x0  }
0x3d: {  	s11 =	rddreg [dreg:$0x5];
	[sflag:s15] =	ssyncadd.s32 $0xFFFFF000  }
0x3e: {  	[spmem:s11] =	stream.linear.scatter [tilespmem:s14], [sflag:$0x5], $0x1000, $0x38;
	[tilespmem:$0x1E800] =	vst v63  }
0x3f: {  	_ =	swait.ge [sflag:s15], $0x1000  }
0x40: {  	[sflag:s15] =	ssyncset.done $0x0  }
0x41: {  	s12 =	rddreg [dreg:$0x6];
	[sflag:s15] =	ssyncadd.s32 $0xFFFFF000  }
0x42: {  	[spmem:s12] =	stream.linear.scatter [tilespmem:s14], [sflag:$0x5], $0x1000, $0x38;
	[tilespmem:$0x1E800] =	vst v63  }
0x43: {  	_ =	swait.ge [sflag:s15], $0x1000  }
0x44: {  	[sflag:s15] =	ssyncset.done $0x0  }
0x45: {  	s13 =	rddreg [dreg:$0x7];
	[sflag:s15] =	ssyncadd.s32 $0xFFFFF000  }
0x46: {  	[spmem:s13] =	stream.linear.scatter [tilespmem:s14], [sflag:$0x5], $0x1000, $0x38;
	[tilespmem:$0x1E800] =	vst v63  }
0x47: {  	_ =	swait.ge [sflag:s15], $0x1000  }
0x48: {  	[sflag:s15] =	ssyncset.done $0x0  }
0x49: {  	s10 =	rddreg [dreg:$0x8];
	[sflag:s15] =	ssyncadd.s32 $0xFFFFF000  }
0x4a: {  	[spmem:s10] =	stream.linear.scatter [tilespmem:s14], [sflag:$0x5], $0x1000, $0x38;
	[tilespmem:$0x1E800] =	vst v63  }
0x4b: {  	_ =	swait.ge [sflag:s15], $0x1000  }
0x4c: {  	[sflag:s15] =	ssyncset.done $0x0  }
0x4d: {  	s11 =	rddreg [dreg:$0x9];
	[sflag:s15] =	ssyncadd.s32 $0xFFFFF000  }
0x4e: {  	[spmem:s11] =	stream.linear.scatter [tilespmem:s14], [sflag:$0x5], $0x1000, $0x38;
	[tilespmem:$0x1E800] =	vst v63  }
0x4f: {  	_ =	swait.ge [sflag:s15], $0x1000  }
0x50: {  	[sflag:s15] =	ssyncset.done $0x0  }
0x51: {  	s12 =	rddreg [dreg:$0xa];
	[sflag:s15] =	ssyncadd.s32 $0xFFFFF000  }
0x52: {  	[spmem:s12] =	stream.linear.scatter [tilespmem:s14], [sflag:$0x5], $0x1000, $0x38;
	[tilespmem:$0x1E800] =	vst v63  }
0x53: {  	_ =	swait.ge [sflag:s15], $0x1000  }
0x54: {  	[sflag:s15] =	ssyncset.done $0x0  }
0x55: {  	s13 =	rddreg [dreg:$0xf];
	[sflag:s15] =	ssyncadd.s32 $0xFFFFF000  }
0x56: {  	[spmem:s13] =	stream.linear.scatter [tilespmem:s14], [sflag:$0x5], $0x1000, $0x38;
	[tilespmem:$0x1E800] =	vst v63  }
0x57: {  	_ =	swait.ge [sflag:s15], $0x1000  }
0x58: {  	[sflag:s15] =	ssyncset.done $0x0  }
0x59: {  	s10 =	rddreg [dreg:$0x14];
	[sflag:s15] =	ssyncadd.s32 $0xFFFFF000  }
0x5a: {  	[spmem:s10] =	stream.linear.scatter [tilespmem:s14], [sflag:$0x5], $0x1000, $0x38;
	[tilespmem:$0x1E800] =	vst v63  }
0x5b: {  	_ =	swait.ge [sflag:s15], $0x1000  }
0x5c: {  	[sflag:s15] =	ssyncset.done $0x0  }
0x5d: {  	s11 =	rddreg [dreg:$0x15];
	[sflag:s15] =	ssyncadd.s32 $0xFFFFF000  }
0x5e: {  	[spmem:s11] =	stream.linear.scatter [tilespmem:s14], [sflag:$0x5], $0x1000, $0x38;
	[tilespmem:$0x1E800] =	vst v63  }
0x5f: {  	_ =	swait.ge [sflag:s15], $0x1000  }
0x60: {  	[sflag:s15] =	ssyncset.done $0x0  }
0x61: {  	s12 =	rddreg [dreg:$0x16];
	[sflag:s15] =	ssyncadd.s32 $0xFFFFF000  }
0x62: {  	[spmem:s12] =	stream.linear.scatter [tilespmem:s14], [sflag:$0x5], $0x1000, $0x38;
	[tilespmem:$0x1E800] =	vst v63  }
0x63: {  	_ =	swait.ge [sflag:s15], $0x1000  }
0x64: {  	[sflag:s15] =	ssyncset.done $0x0  }
0x65: {  	s13 =	rddreg [dreg:$0x17];
	[sflag:s15] =	ssyncadd.s32 $0xFFFFF000  }
0x66: {  	[spmem:s13] =	stream.linear.scatter [tilespmem:s14], [sflag:$0x5], $0x1000, $0x38;
	[tilespmem:$0x1E800] =	vst v63  }
0x67: {  	_ =	swait.ge [sflag:s15], $0x1000  }
0x68: {  	[sflag:s15] =	ssyncset.done $0x0  }
0x69: {  	s10 =	rddreg [dreg:$0x18];
	[sflag:s15] =	ssyncadd.s32 $0xFFFFF000  }
0x6a: {  	[spmem:s10] =	stream.linear.scatter [tilespmem:s14], [sflag:$0x5], $0x1000, $0x38;
	[tilespmem:$0x1E800] =	vst v63  }
0x6b: {  	_ =	swait.ge [sflag:s15], $0x1000  }
0x6c: {  	[sflag:s15] =	ssyncset.done $0x0  }
0x6d: {  	s11 =	rddreg [dreg:$0x19];
	[sflag:s15] =	ssyncadd.s32 $0xFFFFF000  }
0x6e: {  	[spmem:s11] =	stream.linear.scatter [tilespmem:s14], [sflag:$0x5], $0x1000, $0x38;
	[tilespmem:$0x1E800] =	vst v63  }
0x6f: {  	_ =	swait.ge [sflag:s15], $0x1000  }
0x70: {  	[sflag:s15] =	ssyncset.done $0x0  }
0x71: {  	s12 =	rddreg [dreg:$0x1a];
	[sflag:s15] =	ssyncadd.s32 $0xFFFFF000  }
0x72: {  	[spmem:s12] =	stream.linear.scatter [tilespmem:s14], [sflag:$0x5], $0x1000, $0x38;
	[tilespmem:$0x1E800] =	vst v63  }
0x73: {  	_ =	swait.ge [sflag:s15], $0x1000  }
0x74: {  	[sflag:s15] =	ssyncset.done $0x0  }
0x75: {  	s13 =	rddreg [dreg:$0x1b];
	[sflag:s15] =	ssyncadd.s32 $0xFFFFF000  }
0x76: {  	[spmem:s13] =	stream.linear.scatter [tilespmem:s14], [sflag:$0x5], $0x1000, $0x38;
	[tilespmem:$0x1E800] =	vst v63  }
0x77: {  	_ =	swait.ge [sflag:s15], $0x1000  }
0x78: {  	[sflag:s15] =	ssyncset.done $0x0  }
0x79: {  	s10 =	rddreg [dreg:$0x1c];
	[sflag:s15] =	ssyncadd.s32 $0xFFFFF000  }
0x7a: {  	[spmem:s10] =	stream.linear.scatter [tilespmem:s14], [sflag:$0x5], $0x1000, $0x38;
	[tilespmem:$0x1E800] =	vst v63  }
0x7b: {  	_ =	swait.ge [sflag:s15], $0x1000  }
0x7c: {  	[sflag:s15] =	ssyncset.done $0x0  }
0x7d: {  	s11 =	rddreg [dreg:$0x1d];
	[sflag:s15] =	ssyncadd.s32 $0xFFFFF000  }
0x7e: {  	[spmem:s11] =	stream.linear.scatter [tilespmem:s14], [sflag:$0x5], $0x1000, $0x38;
	[tilespmem:$0x1E800] =	vst v63  }
0x7f: {  	_ =	swait.ge [sflag:s15], $0x1000  }
0x80: {  	[sflag:s15] =	ssyncset.done $0x0  }
0x81: {  	s12 =	rddreg [dreg:$0x1e];
	[sflag:s15] =	ssyncadd.s32 $0xFFFFF000  }
0x82: {  	[spmem:s12] =	stream.linear.scatter [tilespmem:s14], [sflag:$0x5], $0x1000, $0x38;
	[tilespmem:$0x1E800] =	vst v63  }
0x83: {  	_ =	swait.ge [sflag:s15], $0x1000  }
0x84: {  	[sflag:s15] =	ssyncset.done $0x0  }
0x85: {  	s13 =	rddreg [dreg:$0x1f];
	[sflag:s15] =	ssyncadd.s32 $0xFFFFF000  }
0x86: {  	[spmem:s13] =	stream.linear.scatter [tilespmem:s14], [sflag:$0x5], $0x1000, $0x38;
	[tilespmem:$0x1E800] =	vst v63  }
0x87: {  	_ =	swait.ge [sflag:s15], $0x1000  }
0x88: {  	[sflag:s15] =	ssyncset.done $0x0  }
0x89: {  	[sflag:s15] =	ssyncadd.s32 $0xFFFFF000  }
0x8a: {  	s9 =	simm.s32 $0x0;
	s10 =	simm.s32 $0x0;
	[bflag:$0x0] =	sbarrier.arrive $0xFFFF  }
.LBB2_4:
0x8b: {  	s11 =	smul.u32 $0x1400, s10;
	_ =	sdelay $0x1  }
0x8c: {  	s11 =	sadd.s32 s8, s11  }
0x8d: {  	s11 =	sshrl.u32 s11, $0x3  }
0x8e: {  	s12 =	sadd.s32 s5, s11  }
0x8f: {  	[tilespmem:s9], [sflag:$0x5] =	stream.linear.gather [hbm4b:s12+s9], $0x1400, $0x38;
	[tilespmem:$0x1E800] =	vst v63  }
0x90: {  	_ =	swait.ge [sflag:s15], $0x1400  }
0x91: {  	[sflag:s15] =	ssyncset.done $0x0  }
0x92: {  	s11 =	sadd.s32 s6, s11;
	[sflag:s15] =	ssyncadd.s32 $0xFFFFEC00  }
0x93: {  	[tilespmem:s16], [sflag:$0x5] =	stream.linear.gather [hbm4b:s11+s9], $0x1400, $0x38;
	[tilespmem:$0x1E800] =	vst v63  }
0x94: {  	_ =	swait.ge [sflag:s15], $0x1400  }
0x95: {  	[sflag:s15] =	ssyncset.done $0x0  }
0x96: {  	[sflag:s15] =	ssyncadd.s32 $0xFFFFEC00  }
0x97: {  	[tilespmem:s18], [sflag:$0x1] =	stream.indirect.gather [hbm4b:s4+s17], $0x80, s9, s17, $0xb8;
	[tilespmem:$0x1E800] =	vst v63  }
0x98: {  	_ = 	snop  }
0x99: {  	[tilespmem:s20], [sflag:$0x2] =	stream.indirect.gather [hbm4b:s4+s17], $0x80, s19, s17, $0xb8;
	[tilespmem:$0x1E800] =	vst v63  }
0x9a: {  	_ = 	snop  }
0x9b: {  	[tilespmem:s22], [sflag:$0x3] =	stream.indirect.gather [hbm4b:s4+s17], $0x80, s21, s17, $0xb8;
	[tilespmem:$0x1E800] =	vst v63  }
0x9c: {  	_ = 	snop  }
0x9d: {  	[tilespmem:s24], [sflag:$0x4] =	stream.indirect.gather [hbm4b:s4+s17], $0x80, s23, s17, $0xb8;
	[tilespmem:$0x1E800] =	vst v63  }
0x9e: {  	_ =	swait.ge [sflag:s25], $0x1900  }
0x9f: {  	[sflag:s25] =	ssyncset.done $0x0  }
0xa0: {  	s13 =	simm.s32 $0x1400;
	[sflag:s25] =	ssyncadd.s32 $0xFFFFE700  }
0xa1: {  	[spmem:s1] =	stream.indirect.scatter.add.f32 [tilespmem:s18], [sflag:$0x5], $0x80, s13, s17, $0xb8;
	[tilespmem:$0x1E800] =	vst v63  }
0xa2: {  	_ =	swait.ge [sflag:s15], $0x1900  }
0xa3: {  	[sflag:s15] =	ssyncset.done $0x0  }
0xa4: {  	s12 =	simm.s32 $0x200;
	[sflag:s15] =	ssyncadd.s32 $0xFFFFE700  }
0xa5: {  	[tilespmem:s18], [sflag:$0x1] =	stream.indirect.gather [hbm4b:s4+s17], $0x80, s12, s17, $0xb8;
	[tilespmem:$0x1E800] =	vst v63  }
0xa6: {  	_ =	swait.ge [sflag:s26], $0x1900  }
0xa7: {  	[sflag:s26] =	ssyncset.done $0x0  }
0xa8: {  	s13 =	simm.s32 $0x1480;
	[sflag:s26] =	ssyncadd.s32 $0xFFFFE700  }
0xa9: {  	[spmem:s1] =	stream.indirect.scatter.add.f32 [tilespmem:s20], [sflag:$0x5], $0x80, s13, s17, $0xb8;
	[tilespmem:$0x1E800] =	vst v63  }
0xaa: {  	_ =	swait.ge [sflag:s15], $0x1900  }
0xab: {  	[sflag:s15] =	ssyncset.done $0x0  }
0xac: {  	s12 =	simm.s32 $0x280;
	[sflag:s15] =	ssyncadd.s32 $0xFFFFE700  }
0xad: {  	[tilespmem:s20], [sflag:$0x2] =	stream.indirect.gather [hbm4b:s4+s17], $0x80, s12, s17, $0xb8;
	[tilespmem:$0x1E800] =	vst v63  }
0xae: {  	_ =	swait.ge [sflag:s28], $0x1900  }
0xaf: {  	[sflag:s28] =	ssyncset.done $0x0  }
0xb0: {  	s13 =	simm.s32 $0x1500;
	[sflag:s28] =	ssyncadd.s32 $0xFFFFE700  }
0xb1: {  	[spmem:s1] =	stream.indirect.scatter.add.f32 [tilespmem:s22], [sflag:$0x5], $0x80, s13, s17, $0xb8;
	[tilespmem:$0x1E800] =	vst v63  }
0xb2: {  	_ =	swait.ge [sflag:s15], $0x1900  }
0xb3: {  	[sflag:s15] =	ssyncset.done $0x0  }
0xb4: {  	s12 =	simm.s32 $0x300;
	[sflag:s15] =	ssyncadd.s32 $0xFFFFE700  }
0xb5: {  	[tilespmem:s22], [sflag:$0x3] =	stream.indirect.gather [hbm4b:s4+s17], $0x80, s12, s17, $0xb8;
	[tilespmem:$0x1E800] =	vst v63  }
0xb6: {  	_ =	swait.ge [sflag:s29], $0x1900  }
0xb7: {  	[sflag:s29] =	ssyncset.done $0x0  }
0xb8: {  	s13 =	simm.s32 $0x1580;
	[sflag:s29] =	ssyncadd.s32 $0xFFFFE700  }
0xb9: {  	[spmem:s1] =	stream.indirect.scatter.add.f32 [tilespmem:s24], [sflag:$0x5], $0x80, s13, s17, $0xb8;
	[tilespmem:$0x1E800] =	vst v63  }
0xba: {  	_ =	swait.ge [sflag:s15], $0x1900  }
0xbb: {  	[sflag:s15] =	ssyncset.done $0x0  }
0xbc: {  	s11 =	simm.s32 $0x800;
	s12 =	simm.s32 $0x380;
	[sflag:s15] =	ssyncadd.s32 $0xFFFFE700  }
.LBB2_5:
0xbd: {  	[tilespmem:s24], [sflag:$0x4] =	stream.indirect.gather [hbm4b:s4+s17], $0x80, s12, s17, $0xb8;
	[tilespmem:$0x1E800] =	vst v63  }
0xbe: {  	s12 =	smov.u32 s11  }
0xbf: {  	p0 =	sne.s32 s11, $0x4000;
	s11 =	sadd.s32 $0x800, s11;
	_ =	swait.ge [sflag:s25], $0x1900  }
0xc0: {  	s12 =	sshra.s32 s12, $0x2;
	[sflag:s25] =	ssyncset.done $0x0  }
0xc1: {  	s13 =	sadd.s32 $0x1400, s12;
	[sflag:s25] =	ssyncadd.s32 $0xFFFFE700  }
0xc2: {  	[spmem:s1] =	stream.indirect.scatter.add.f32 [tilespmem:s18], [sflag:$0x5], $0x80, s13, s17, $0xb8;
	[tilespmem:$0x1E800] =	vst v63  }
0xc3: {  	_ =	swait.ge [sflag:s15], $0x1900  }
0xc4: {  	[sflag:s15] =	ssyncset.done $0x0  }
0xc5: {  	s13 =	sadd.s32 $0x200, s12;
	[sflag:s15] =	ssyncadd.s32 $0xFFFFE700  }
0xc6: {  	[tilespmem:s18], [sflag:$0x1] =	stream.indirect.gather [hbm4b:s4+s17], $0x80, s13, s17, $0xb8;
	[tilespmem:$0x1E800] =	vst v63  }
0xc7: {  	_ =	swait.ge [sflag:s26], $0x1900  }
0xc8: {  	[sflag:s26] =	ssyncset.done $0x0  }
0xc9: {  	s13 =	sadd.s32 $0x1480, s12;
	[sflag:s26] =	ssyncadd.s32 $0xFFFFE700  }
0xca: {  	[spmem:s1] =	stream.indirect.scatter.add.f32 [tilespmem:s20], [sflag:$0x5], $0x80, s13, s17, $0xb8;
	[tilespmem:$0x1E800] =	vst v63  }
0xcb: {  	_ =	swait.ge [sflag:s15], $0x1900  }
0xcc: {  	[sflag:s15] =	ssyncset.done $0x0  }
0xcd: {  	s13 =	sadd.s32 $0x280, s12;
	[sflag:s15] =	ssyncadd.s32 $0xFFFFE700  }
0xce: {  	[tilespmem:s20], [sflag:$0x2] =	stream.indirect.gather [hbm4b:s4+s17], $0x80, s13, s17, $0xb8;
	[tilespmem:$0x1E800] =	vst v63  }
0xcf: {  	_ =	swait.ge [sflag:s28], $0x1900  }
0xd0: {  	[sflag:s28] =	ssyncset.done $0x0  }
0xd1: {  	s13 =	sadd.s32 $0x1500, s12;
	[sflag:s28] =	ssyncadd.s32 $0xFFFFE700  }
0xd2: {  	[spmem:s1] =	stream.indirect.scatter.add.f32 [tilespmem:s22], [sflag:$0x5], $0x80, s13, s17, $0xb8;
	[tilespmem:$0x1E800] =	vst v63  }
0xd3: {  	_ =	swait.ge [sflag:s15], $0x1900  }
0xd4: {  	[sflag:s15] =	ssyncset.done $0x0  }
0xd5: {  	s13 =	sadd.s32 $0x300, s12;
	[sflag:s15] =	ssyncadd.s32 $0xFFFFE700  }
0xd6: {  	[tilespmem:s22], [sflag:$0x3] =	stream.indirect.gather [hbm4b:s4+s17], $0x80, s13, s17, $0xb8;
	[tilespmem:$0x1E800] =	vst v63  }
0xd7: {  	_ =	swait.ge [sflag:s29], $0x1900  }
0xd8: {  	[sflag:s29] =	ssyncset.done $0x0  }
.Ltmp1:
0xd9: {  	s13 =	sadd.s32 $0x1580, s12;
	[sflag:s29] =	ssyncadd.s32 $0xFFFFE700;
	(pc) =	sbr.rel @p0 .LBB2_5-.Ltmp1, $4  }
0xda: {  	[spmem:s1] =	stream.indirect.scatter.add.f32 [tilespmem:s24], [sflag:$0x5], $0x80, s13, s17, $0xb8;
	[tilespmem:$0x1E800] =	vst v63  }
0xdb: {  	_ =	swait.ge [sflag:s15], $0x1900  }
0xdc: {  	[sflag:s15] =	ssyncset.done $0x0  }
0xdd: {  	s12 =	sadd.s32 $0x380, s12;
	[sflag:s15] =	ssyncadd.s32 $0xFFFFE700  }
0xde: {  	[tilespmem:s24], [sflag:$0x4] =	stream.indirect.gather [hbm4b:s4+s17], $0x80, s12, s17, $0xb8;
	[tilespmem:$0x1E800] =	vst v63  }
0xdf: {  	_ =	swait.ge [sflag:s25], $0x1900  }
0xe0: {  	[sflag:s25] =	ssyncset.done $0x0  }
0xe1: {  	[sflag:s25] =	ssyncadd.s32 $0xFFFFE700  }
0xe2: {  	[spmem:s1] =	stream.indirect.scatter.add.f32 [tilespmem:s18], [sflag:$0x5], $0x80, s30, s17, $0xb8;
	[tilespmem:$0x1E800] =	vst v63  }
0xe3: {  	_ =	swait.ge [sflag:s15], $0x1900  }
0xe4: {  	[sflag:s15] =	ssyncset.done $0x0  }
0xe5: {  	[sflag:s15] =	ssyncadd.s32 $0xFFFFE700  }
0xe6: {  	_ =	swait.ge [sflag:s26], $0x1900  }
0xe7: {  	[sflag:s26] =	ssyncset.done $0x0  }
0xe8: {  	[sflag:s26] =	ssyncadd.s32 $0xFFFFE700  }
0xe9: {  	[spmem:s1] =	stream.indirect.scatter.add.f32 [tilespmem:s20], [sflag:$0x5], $0x80, s31, s17, $0xb8;
	[tilespmem:$0x1E800] =	vst v63  }
0xea: {  	_ =	swait.ge [sflag:s15], $0x1900  }
0xeb: {  	[sflag:s15] =	ssyncset.done $0x0  }
0xec: {  	[sflag:s15] =	ssyncadd.s32 $0xFFFFE700  }
0xed: {  	_ =	swait.ge [sflag:s28], $0x1900  }
0xee: {  	[sflag:s28] =	ssyncset.done $0x0  }
0xef: {  	[sflag:s28] =	ssyncadd.s32 $0xFFFFE700  }
0xf0: {  	[spmem:s1] =	stream.indirect.scatter.add.f32 [tilespmem:s22], [sflag:$0x5], $0x80, s0, s17, $0xb8;
	[tilespmem:$0x1E800] =	vst v63  }
0xf1: {  	_ =	swait.ge [sflag:s15], $0x1900  }
0xf2: {  	[sflag:s15] =	ssyncset.done $0x0  }
0xf3: {  	[sflag:s15] =	ssyncadd.s32 $0xFFFFE700  }
0xf4: {  	s10 =	sadd.s32 $0x1, s10;
	_ =	swait.ge [sflag:s29], $0x1900  }
0xf5: {  	p0 =	sne.s32 s10, $0x5;
	[sflag:s29] =	ssyncset.done $0x0  }
.Ltmp2:
0xf6: {  	[sflag:s29] =	ssyncadd.s32 $0xFFFFE700;
	(pc) =	sbr.rel @p0 .LBB2_4-.Ltmp2, $4  }
0xf7: {  	[spmem:s1] =	stream.indirect.scatter.add.f32 [tilespmem:s24], [sflag:$0x5], $0x80, s3, s17, $0xb8;
	[tilespmem:$0x1E800] =	vst v63  }
0xf8: {  	_ =	swait.ge [sflag:s15], $0x1900  }
0xf9: {  	[sflag:s15] =	ssyncset.done $0x0  }
0xfa: {  	[sflag:s15] =	ssyncadd.s32 $0xFFFFE700  }
0xfb: {  	s9 =	stileid.u32  }
0xfc: {  	[bflag:$0x0] =	sbarrier.arrive $0xFFFF;
	s9 =	sshll.u32 s9, $0x6  }
0xfd: {  	s10 =	sshrl.u32 s7, $0x3;
	s11 =	rddreg [dreg:$0x3];
	s9 =	sor.u32 $0x1C05, s9  }
0xfe: {  	[hbm:s11], [sflag:s9] =	dma.local [spmem:s10], $0x800  }
0xff: {  	_ =	swait.ge [sflag:s15], $0x800  }
0x100: {  	[sflag:s15] =	ssyncset.done $0x0;
	s12 =	rddreg [dreg:$0xb]  }
0x101: {  	s13 =	rddreg [dreg:$0x10];
	[sflag:s15] =	ssyncadd.s32 $0xFFFFF800  }
0x102: {  	[hbm:s12], [sflag:s9] =	dma.local [spmem:s13], $0x800  }
0x103: {  	_ =	swait.ge [sflag:s15], $0x800  }
0x104: {  	[sflag:s15] =	ssyncset.done $0x0;
	s12 =	rddreg [dreg:$0xc]  }
0x105: {  	s13 =	rddreg [dreg:$0x11];
	[sflag:s15] =	ssyncadd.s32 $0xFFFFF800  }
0x106: {  	[hbm:s12], [sflag:s9] =	dma.local [spmem:s13], $0x800  }
0x107: {  	_ =	swait.ge [sflag:s15], $0x800  }
0x108: {  	[sflag:s15] =	ssyncset.done $0x0;
	s12 =	rddreg [dreg:$0xd]  }
0x109: {  	s13 =	rddreg [dreg:$0x12];
	[sflag:s15] =	ssyncadd.s32 $0xFFFFF800  }
0x10a: {  	[hbm:s12], [sflag:s9] =	dma.local [spmem:s13], $0x800  }
0x10b: {  	_ =	swait.ge [sflag:s15], $0x800  }
0x10c: {  	[sflag:s15] =	ssyncset.done $0x0;
	s11 =	rddreg [dreg:$0xe]  }
0x10d: {  	s12 =	rddreg [dreg:$0x13];
	[sflag:s15] =	ssyncadd.s32 $0xFFFFF800  }
0x10e: {  	[hbm:s11], [sflag:s9] =	dma.local [spmem:s12], $0x800  }
0x10f: {  	_ =	swait.ge [sflag:s15], $0x800  }
0x110: {  	s2 =	sadd.s32 $0x1, s2;
	s13 =	rddreg [dreg:$0x4]  }
0x111: {  	p0 =	sne.s32 s2, s13  }
.Ltmp3:
0x112: {  	_ = 	snop;
	(pc) =	sbr.rel @p0 .LBB2_1-.Ltmp3, $3  }
0x113: {  	_ =	sdelay $0x1  }
0x114: {  	[sflag:s15] =	ssyncset.done $0x0  }
0x115: {  	[sflag:s15] =	ssyncadd.s32 $0xFFFFF800  }
0x116: {  	_ =	sfence.sel $0x180000  }
0x117: {  	[bflag:$0x0] =	sbarrier.arrive $0xFFFF  }
0x118: {  	_ =	strace $0x9000004D  }
0x119: {  	s0 =	stileid.u32;
	[bflag:$0x2] =	sbarrier.arrive $0xFFFF  }
0x11a: {  	p0 =	sne.s32 s0, $0x0;
	s0 =	rddreg [dreg:$0x2]  }
0x11b: {  	s0 =	sadd.s32 @!p0 $0x100000, s0  }
0x11c: {  	[sflag:s0] =	ssyncadd.tile.s32 @!p0 $0x1;
	_ =	shalt  }
.Lfunc_end2:
_tile_overlayer_lowered:
.L_overlay_start_2:
0x11d: {  	(tag) =	ssettag $0x2  }
0x11e: {  	s0 =	rddreg [dreg:$0x0];
	s2 =	stileid.u32  }
0x11f: {  	s1 =	rddreg [dreg:$0x1];
	p0 =	sne.s32 s2, $0x0  }
0x120: {  	s3 =	rddreg [dreg:$0x2];
	[bflag:$0x3] =	sbarrier.arrive $0xFFFF;
	s2 =	simm.s32 @!p0 $0x1C05  }
0x121: {  	[timem:s3], [sflag:s2] =	dma.local @!p0 [hbm:s0], s1  }
0x122: {  	s0 =	simm.s32 @!p0 $0x5  }
0x123: {  	_ =	swait.ge @!p0 [sflag:s0], s1  }
0x124: {  	s1 =	ssub.s32 @!p0 $0x0, s1;
	[sflag:s0] =	ssyncset.done @!p0 $0x0  }
0x125: {  	[sflag:s0] =	ssyncadd.s32 @!p0 s1  }
0x126: {  	[bflag:$0x3] =	sbarrier.arrive $0xFFFF  }
0x127: {  	_ =	shalt  }

// kernel: kernel.8.cloned.1.call-start
scs
__scs_entry_jumppad:
0x0: {  	(pc) =	sbr.rel $0x88, $3  }
0x1: {  	(tag) =	ssettag $0x0;
	lr =	simm.s32 $0x1  }
0x2: {  	[smem:$0x3F9B] =	sst lr;
	_ =	strace $0xD0000000  }
0x3: {  	_ = 	snop  }
0x4: {  	_ = 	snop  }
0x5: {  	_ = 	snop  }
0x6: {  	_ = 	snop  }
0x7: {  	_ = 	snop  }
__scs_overlays_trampoline_lowered:
0x8: {  	[smem:$0x3FAA] =	sst s0  }
0x9: {  	[smem:$0x3FAB] =	sst s1  }
0xa: {  	[smem:$0x3FAC] =	sst s2  }
0xb: {  	[smem:$0x3FAD] =	sst s3  }
0xc: {  	[smem:$0x3FAE] =	sst s4  }
0xd: {  	[smem:$0x3FAF] =	sst s5  }
0xe: {  	[smem:$0x3FB0] =	sst s6  }
0xf: {  	[smem:$0x3FB1] =	sst s7  }
0x10: {  	[smem:$0x3FB2] =	sst s8  }
0x11: {  	[smem:$0x3FB3] =	sst s9;
	s0 =	simm.s32 @!p0 $0x0  }
0x12: {  	s1 =	sld [smem:$0x3F99];
	s0 =	simm.s32 @p0 $0x1  }
0x13: {  	[smem:$0x3FB4] =	sst s0;
	s0 =	simm.s32 @!p1 $0x0  }
0x14: {  	s2 =	sld [smem:$0x3F98];
	s0 =	simm.s32 @p1 $0x1  }
0x15: {  	[smem:$0x3FB5] =	sst s0;
	s0 =	simm.s32 @!p2 $0x0  }
0x16: {  	s3 =	sld [smem:$0x3FDB];
	s0 =	simm.s32 @p2 $0x1  }
0x17: {  	s4 =	simm.s32 $0x1BF5;
	[smem:$0x3FB7] =	sst s0  }
0x18: {  	s0 =	sld [smem:$0x3F9A];
	_ =	swait.ge [sflag:s4], $0x0  }
0x19: {  	s7 =	sld [smem:$0x3F9B]  }
0x1a: {  	s8 =	sadd.s32 $0xFFFFE003, lr  }
0x1b: {  	s9 =	sadd.s32 $0xFFFFFEF7, lr;
	s5 =	simm.s32 $0xFFFFFFFF;
	p2 =	slt.u32 s8, $0xFFFFF086  }
0x1c: {  	p1 =	slt.u32 s9, $0xF7A;
	s5 =	simm.s32 @!p2 $0x0  }
0x1d: {  	s5 =	simm.s32 @p1 $0x1;
	p0 =	seq.s32 s7, s2  }
0x1e: {  	s7 =	smul.u32 @!p0 $0xF7A, s2;
	p2 =	seq.s32 @!p0 s5, $0x0  }
0x1f: {  	s9 =	smul.u32 $0xF7A, s1;
	s8 =	simm.s32 @!p0 $0x1BF5;
	p2 =	por !p2, p0  }
0x20: {  	[sflag:s8] =	ssyncset.s32 @!p0 $0xFFFFF086;
	s6 =	sadd.s32 @!p0 s3, s7;
	s7 =	simm.s32 @!p0 $0x108  }
0x21: {  	s3 =	sadd.s32 s3, s9;
	s6 =	sadd.s32 @!p0 $0x88, s6;
	s7 =	simm.s32 @p2 $0x1082  }
0x22: {  	[simem:s7], [sflag:s8] =	dma.local @!p0 [hbm:s6], $0xF7A  }
0x23: {  	s9 =	sor.u32 $0xD0000000, s2;
	s6 =	simm.s32 $0x108;
	_ =	swait.ge @!p0 [sflag:s8], $0x0  }
0x24: {  	s3 =	sadd.s32 $0x88, s3;
	s6 =	simm.s32 @!p1 $0x1082;
	[sflag:s4] =	ssyncset.s32 $0xFFFFF086  }
0x25: {  	[simem:s6], [sflag:s4] =	dma.local [hbm:s3], $0xF7A  }
0x26: {  	[smem:$0x3F9B] =	sst s1;
	(tag) =	ssettag s2;
	_ =	strace s9  }
0x27: {  	s1 =	sld [smem:$0x3FAB]  }
0x28: {  	s2 =	sld [smem:$0x3FAC]  }
0x29: {  	s4 =	sld [smem:$0x3FAE]  }
0x2a: {  	p0 =	seq.s32 s5, $0x0;
	s5 =	sld [smem:$0x3FAF]  }
0x2b: {  	s6 =	sld [smem:$0x3FB0]  }
0x2c: {  	s7 =	sld [smem:$0x3FB1]  }
0x2d: {  	s3 =	simm.s32 $0x108;
	s8 =	sld [smem:$0x3FB2]  }
0x2e: {  	s3 =	simm.s32 @!p0 $0x1082;
	s9 =	sld [smem:$0x3FB3]  }
0x2f: {  	lr =	sadd.s32 s0, s3;
	s0 =	sld [smem:$0x3FAA]  }
0x30: {  	s3 =	sld [smem:$0x3FAD]  }
0x31: {  	[smem:$0x3FB6] =	sst s10  }
0x32: {  	s10 =	sld [smem:$0x3FB4];
	_ =	sdelay $0x3  }
0x33: {  	p0 =	seq.s32 s10, $0x1;
	s10 =	sld [smem:$0x3FB6];
	_ =	sdelay $0x3  }
0x34: {  	[smem:$0x3FB6] =	sst s10  }
0x35: {  	s10 =	sld [smem:$0x3FB5];
	_ =	sdelay $0x3  }
0x36: {  	p1 =	seq.s32 s10, $0x1;
	s10 =	sld [smem:$0x3FB6];
	_ =	sdelay $0x3  }
0x37: {  	[smem:$0x3FB6] =	sst s10  }
0x38: {  	s10 =	sld [smem:$0x3FB7]  }
0x39: {  	_ = 	snop;
	(pc) =	sbr.ind lr, $3  }
0x3a: {  	_ = 	snop  }
0x3b: {  	_ = 	snop  }
0x3c: {  	p2 =	seq.s32 s10, $0x1;
	s10 =	sld [smem:$0x3FB6]  }
0x3d: {  	_ =	shalt  }
0x3e: {  	_ =	shalt  }
0x3f: {  	_ =	shalt  }
0x40: {  	_ =	shalt  }
0x41: {  	_ =	shalt  }
0x42: {  	_ =	shalt  }
0x43: {  	_ =	shalt  }
0x44: {  	_ =	shalt  }
0x45: {  	_ =	shalt  }
0x46: {  	_ =	shalt  }
0x47: {  	_ =	shalt  }
0x48: {  	_ =	shalt  }
0x49: {  	_ =	shalt  }
0x4a: {  	_ =	shalt  }
0x4b: {  	_ =	shalt  }
0x4c: {  	_ =	shalt  }
0x4d: {  	_ =	shalt  }
0x4e: {  	_ =	shalt  }
0x4f: {  	_ =	shalt  }
0x50: {  	_ =	shalt  }
0x51: {  	_ =	shalt  }
0x52: {  	_ =	shalt  }
0x53: {  	_ =	shalt  }
0x54: {  	_ =	shalt  }
0x55: {  	_ =	shalt  }
0x56: {  	_ =	shalt  }
0x57: {  	_ =	shalt  }
0x58: {  	_ =	shalt  }
0x59: {  	_ =	shalt  }
0x5a: {  	_ =	shalt  }
0x5b: {  	_ =	shalt  }
0x5c: {  	_ =	shalt  }
0x5d: {  	_ =	shalt  }
0x5e: {  	_ =	shalt  }
0x5f: {  	_ =	shalt  }
0x60: {  	_ =	shalt  }
0x61: {  	_ =	shalt  }
0x62: {  	_ =	shalt  }
0x63: {  	_ =	shalt  }
0x64: {  	_ =	shalt  }
0x65: {  	_ =	shalt  }
0x66: {  	_ =	shalt  }
0x67: {  	_ =	shalt  }
0x68: {  	_ =	shalt  }
0x69: {  	_ =	shalt  }
0x6a: {  	_ =	shalt  }
0x6b: {  	_ =	shalt  }
0x6c: {  	_ =	shalt  }
0x6d: {  	_ =	shalt  }
0x6e: {  	_ =	shalt  }
0x6f: {  	_ =	shalt  }
0x70: {  	_ =	shalt  }
0x71: {  	_ =	shalt  }
0x72: {  	_ =	shalt  }
0x73: {  	_ =	shalt  }
0x74: {  	_ =	shalt  }
0x75: {  	_ =	shalt  }
0x76: {  	_ =	shalt  }
0x77: {  	_ =	shalt  }
0x78: {  	_ =	shalt  }
0x79: {  	_ =	shalt  }
0x7a: {  	_ =	shalt  }
0x7b: {  	_ =	shalt  }
0x7c: {  	_ =	shalt  }
0x7d: {  	_ =	shalt  }
0x7e: {  	_ =	shalt  }
0x7f: {  	_ =	shalt  }
0x80: {  	_ =	shalt  }
0x81: {  	_ =	shalt  }
0x82: {  	_ =	shalt  }
0x83: {  	_ =	shalt  }
0x84: {  	_ =	shalt  }
0x85: {  	_ =	shalt  }
0x86: {  	_ =	shalt  }
0x87: {  	_ =	shalt  }
.Lfunc_end0:
.L_simem_size_0:
called_computation_lowered:
.L_overlay_start_0:
0x88: {  	s2 =	sld [smem:$0x3FD9]  }
0x89: {  	s3 =	sld [smem:$0x3FFE];
	_ =	sdelay $0x1  }
0x8a: {  	s1 =	srdreg.scid  }
0x8b: {  	s0 =	sand.u32 $0x1, s1  }
0x8c: {  	s17 =	sshll.u32 s0, $0xA;
	s2 =	sadd.s32 s3, s2  }
0x8d: {  	s2 =	sadd.s32 s2, s17  }
0x8e: {  	[smem:$0x3FC2] =	sst s2  }
0x8f: {  	_ = 	snop  }
0x90: {  	s2 =	sld [smem:$0x3FD0];
	(tm) =	ssettm $0x1  }
0x91: {  	s18 =	sld [smem:$0x3FFB];
	_ =	sdelay $0x3  }
0x92: {  	_ =	strace s18  }
0x93: {  	s3 =	sld [smem:$0x3FFC];
	_ =	sdelay $0x3  }
0x94: {  	_ =	strace s3  }
0x95: {  	s3 =	sld [smem:$0x3FFD];
	_ =	sdelay $0x3  }
0x96: {  	_ =	strace s3  }
0x97: {  	_ =	strace $0x8FFFFFFF  }
0x98: {  	s19 =	sld [smem:$0x3FDB];
	_ =	sdelay $0x1  }
0x99: {  	s4 =	simm.s32 $_scs_section_size  }
0x9a: {  	s5 =	simm.s32 $_size__tile_overlayer_lowered;
	s6 =	simm.s32 $_tile_overlayer_lowered  }
0x9b: {  	s22 =	simm.s32 $0x1BFF;
	s21 =	sshll.u32 s6, $0x1;
	s3 =	sadd.s32 s4, s19  }
0x9c: {  	s7 =	simm.s32 $0x0;
	s20 =	sshll.u32 s5, $0x1;
	s5 =	sadd.s32 s21, s3  }
0x9d: {  	[timem:s7], [sflag:s22] =	dma.local [hbm:s5], s20  }
0x9e: {  	_ =	swait.ge [sflag:s22], s20  }
0x9f: {  	s4 =	ssub.s32 $0x0, s20;
	[sflag:s22] =	ssyncset.done $0x0  }
0xa0: {  	[sflag:s22] =	ssyncadd.s32 s4;
	_ =	sdelay $0x1  }
0xa1: {  	s23 =	simm.s32 $0x1B8B  }
0xa2: {  	_ =	swait.ge [sflag:s23], $0x1  }
0xa3: {  	[sflag:s23] =	ssyncset.done $0x0  }
0xa4: {  	s25 =	simm.s32 $0x1B8E;
	s24 =	sld [smem:$0x3FFE];
	[sflag:s23] =	ssyncadd.s32 $0xFFFFFFFF  }
0xa5: {  	s26 =	simm.s32 $execute0_lowered;
	[smem:$0x3FD2] =	sst s25  }
0xa6: {  	s5 =	sshll.u32 s26, $0x1;
	_ =	strace $0x80000046;
	[dreg:$0x1] =	wrdreg $0xFFFFFFFF  }
0xa7: {  	s28 =	simm.s32 $_size_execute0_lowered;
	s3 =	sadd.s32 s3, s5;
	[dreg:$0x0] =	wrdreg $0x0  }
0xa8: {  	s5 =	sshll.u32 s28, $0x1;
	[dreg:$0x2] =	wrdreg s3  }
0xa9: {  	[dreg:$0x3] =	wrdreg s5  }
0xaa: {  	[dreg:$0x4] =	wrdreg $0xC0  }
0xab: {  	_ =	task [dreg:s7], $0x5FFFF  }
0xac: {  	[dreg:$0x1] =	wrdreg $0xFFFFFFFF  }
0xad: {  	[dreg:$0x0] =	wrdreg $0x60  }
0xae: {  	[dreg:$0x2] =	wrdreg s2  }
0xaf: {  	[dreg:$0x3] =	wrdreg s24  }
0xb0: {  	[dreg:$0x4] =	wrdreg $0x88000  }
0xb1: {  	[dreg:$0x5] =	wrdreg $0x9  }
0xb2: {  	_ =	task.clear_ibuf [dreg:s7], $0x6FFFF;
	_ =	strace $0x90000046  }
0xb3: {  	s29 =	simm.s32 $0x9;
	_ =	strace $0x80000048  }
0xb4: {  	_ =	swait.ge [sflag:s29], $0x1  }
0xb5: {  	[sflag:s29] =	ssyncadd.s32 $0xFFFFFFFF  }
0xb6: {  	_ =	strace $0x90000048  }
0xb7: {  	_ =	sfence  }
0xb8: {  	s30 =	sld [smem:$0x0];
	_ =	sdelay $0x2  }
0xb9: {  	s31 =	sshll.u32 s1, $0xD;
	s1 =	sshrl.u32 s1, $0x2  }
0xba: {  	s3 =	sand.u32 $0x4000, s31;
	s1 =	sadd.s32 s1, s30  }
0xbb: {  	s0 =	sor.u32 s3, s0;
	s1 =	sshll.u32 s1, $0x11  }
0xbc: {  	s0 =	sor.u32 s1, s0  }
0xbd: {  	s0 =	sadd.s32 $0x8F2B, s0  }
0xbe: {  	[sflag:s0] =	ssyncadd.remote.s32 $0x1  }
0xbf: {  	_ =	sfence.sel $0xFFFF  }
0xc0: {  	[dreg:$0x0] =	wrdreg $0xFFFFFFFF;
	(pc) =	sbr.abs _section_cstart, $3  }
0xc1: {  	[dreg:$0x1] =	wrdreg $0xFFFFFFFF  }
0xc2: {  	_ =	task.clear_ibuf [dreg:s7], $0x2FFFF;
	_ =	strace $0x9FFFFFFF  }
0xc3: {  	(tm) =	ssettm $0x7FFFFFFF  }
tec
execute0_lowered:
.L_overlay_start_1:
0x0: {  	(tag) =	ssettag $0x1  }
0x1: {  	s0 =	rddreg [dreg:$0x0]  }
0x2: {  	s2 =	rddreg [dreg:$0x1]  }
0x3: {  	s1 =	rddreg [dreg:$0x2]  }
0x4: {  	s3 =	srdreg.scid;
	s12 =	stileid.u32  }
0x5: {  	s28 =	simm.s32 $0x200;
	s29 =	simm.s32 $0x280;
	s7 =	smul.u32 $0x14000, s12  }
0x6: {  	s30 =	simm.s32 $0x300;
	s31 =	simm.s32 $0x380;
	s4 =	smul.u32 $0x50000, s12  }
0x7: {  	s5 =	sand.u32 $0x1, s3;
	s3 =	simm.s32 $0x0;
	s12 =	smul.u32 $0x5000, s12  }
0x8: {  	s2 =	sadd.s32 $0x2200, s2;
	s6 =	smul.u32 $0x140000, s5;
	[smem:$0x7FF] =	sst s3  }
0x9: {  	s8 =	ssub.s32 $0x2, s5;
	s5 =	smul.u32 $0x2800, s5;
	_ =	strace $0x80000047  }
0xa: {  	s10 =	sshrl.u32 s8, $0x1;
	s4 =	sshrl.u32 s4, $0x2;
	s16 =	sadd.s32 $0x4000, s7  }
0xb: {  	s21 =	sadd.s32 $0x8000, s7;
	s11 =	sadd.s32 $0xC000, s7;
	s9 =	sadd.s32 s6, s7  }
0xc: {  	s8 =	ssub.s32 s8, s10;
	s4 =	sadd.s32 s4, s1;
	s19 =	sadd.s32 s6, s16  }
0xd: {  	s22 =	sadd.s32 s6, s21;
	s23 =	sadd.s32 s6, s11;
	s10 =	sadd.s32 s21, s1  }
0xe: {  	s7 =	sadd.s32 $0x10000, s7;
	s5 =	sadd.s32 s5, s12;
	s24 =	sadd.s32 s11, s1  }
0xf: {  	s21 =	simm.s32 $0x100;
	s11 =	simm.s32 $0x0;
	s9 =	sshrl.u32 s9, $0x3  }
0x10: {  	s8 =	smax.u32 s8, $0x1;
	s15 =	sadd.s32 $0x4000, s4;
	s17 =	sadd.s32 $0x8000, s4  }
0x11: {  	s18 =	sadd.s32 $0xC000, s4;
	s20 =	sadd.s32 $0x10000, s4;
	[dreg:$0x5] =	wrdreg s8  }
0x12: {  	s6 =	sadd.s32 s6, s7;
	s5 =	sshrl.u32 s5, $0x3;
	[dreg:$0x6] =	wrdreg s15  }
0x13: {  	s25 =	sadd.s32 s7, s1;
	s24 =	sshrl.u32 s24, $0x3;
	[dreg:$0x7] =	wrdreg s17  }
0x14: {  	s7 =	simm.s32 $0x600;
	s9 =	sadd.s32 s2, s9;
	[dreg:$0x8] =	wrdreg s18  }
0x15: {  	[dreg:$0x9] =	wrdreg s20;
	s8 =	sadd.s32 s16, s1;
	s6 =	sshrl.u32 s6, $0x3  }
0x16: {  	s15 =	sadd.s32 s5, s0;
	s16 =	simm.s32 $0x4800;
	s17 =	simm.s32 $0x1  }
0x17: {  	s18 =	simm.s32 $0x7D;
	s20 =	simm.s32 $0x80;
	s25 =	sshrl.u32 s25, $0x3  }
0x18: {  	s0 =	simm.s32 $0x400;
	[dreg:$0x4] =	wrdreg s9;
	s9 =	sshrl.u32 s19, $0x3  }
0x19: {  	s5 =	simm.s32 $0x500;
	s19 =	simm.s32 $0x800;
	s9 =	sadd.s32 s2, s9  }
0x1a: {  	s26 =	sshrl.u32 s8, $0x3;
	[dreg:$0xa] =	wrdreg s9;
	s9 =	sshrl.u32 s22, $0x3  }
0x1b: {  	s8 =	simm.s32 $0x680;
	[dreg:$0xe] =	wrdreg s26;
	s9 =	sadd.s32 s2, s9  }
0x1c: {  	s26 =	simm.s32 $0x180;
	[dreg:$0xb] =	wrdreg s9;
	s9 =	sshrl.u32 s23, $0x3  }
0x1d: {  	s23 =	sshrl.u32 s10, $0x3;
	s10 =	simm.s32 $0x780;
	s9 =	sadd.s32 s2, s9  }
0x1e: {  	s2 =	sadd.s32 s2, s6;
	s6 =	simm.s32 $0x580;
	[dreg:$0xc] =	wrdreg s9  }
0x1f: {  	v0 =	vimm.f32 $1.000000000e+00;
	v1 =	vimm.f32 $0.0e+00;
	[dreg:$0xd] =	wrdreg s2;
	s2 =	simm.s32 $0x480;
	s9 =	simm.s32 $0x700  }
.LBB2_1:
0x20: {  	s12 =	simm.s32 $0x0  }
.LBB2_2:
0x21: {  	p0 =	sne.s32 s12, $0xF800  }
.Ltmp0:
0x22: {  	_ = 	snop;
	(pc) =	sbr.rel @p0 .LBB2_2-.Ltmp0, $3  }
0x23: {  	_ =	sdelay $0x1  }
0x24: {  	s13 =	sshra.s32 s12, $0x2  }
0x25: {  	s12 =	sadd.s32 $0x200, s12;
	[tilespmem:s13+$0x800] =	vst v0  }
0x26: {  	s12 =	simm.s32 $0x200;
	s13 =	simm.s32 $0x0  }
.LBB2_4:
0x27: {  	p0 =	sne.s32 s12, $0xFE00;
	[tilespmem:s13+$0x4800] =	vst v1;
	s13 =	smov.u32 s12;
	s12 =	sadd.s32 $0x200, s12  }
.Ltmp1:
0x28: {  	(pc) =	sbr.rel @p0 .LBB2_4-.Ltmp1, $2  }
0x29: {  	_ =	sdelay $0x2  }
0x2a: {  	s13 =	sshra.s32 s13, $0x2  }
0x2b: {  	[tilespmem:s13+$0x4800] =	vst v1  }
0x2c: {  	[spmem:s4] =	stream.linear.scatter [tilespmem:s16], [sflag:$0x1], $0x4000, $0x38;
	[tilespmem:$0xB000] =	vst v63  }
0x2d: {  	_ =	swait.ge [sflag:s17], $0x4000  }
0x2e: {  	[sflag:s17] =	ssyncset.done $0x0  }
0x2f: {  	s12 =	rddreg [dreg:$0x6];
	[sflag:s17] =	ssyncadd.s32 $0xFFFFC000  }
0x30: {  	[spmem:s12] =	stream.linear.scatter [tilespmem:s16], [sflag:$0x1], $0x4000, $0x38;
	[tilespmem:$0xB000] =	vst v63  }
0x31: {  	_ =	swait.ge [sflag:s17], $0x4000  }
0x32: {  	[sflag:s17] =	ssyncset.done $0x0  }
0x33: {  	s22 =	rddreg [dreg:$0x7];
	[sflag:s17] =	ssyncadd.s32 $0xFFFFC000  }
0x34: {  	[spmem:s22] =	stream.linear.scatter [tilespmem:s16], [sflag:$0x1], $0x4000, $0x38;
	[tilespmem:$0xB000] =	vst v63  }
0x35: {  	_ =	swait.ge [sflag:s17], $0x4000  }
0x36: {  	[sflag:s17] =	ssyncset.done $0x0  }
0x37: {  	s13 =	rddreg [dreg:$0x8];
	[sflag:s17] =	ssyncadd.s32 $0xFFFFC000  }
0x38: {  	[spmem:s13] =	stream.linear.scatter [tilespmem:s16], [sflag:$0x1], $0x4000, $0x38;
	[tilespmem:$0xB000] =	vst v63  }
0x39: {  	_ =	swait.ge [sflag:s17], $0x4000  }
0x3a: {  	[sflag:s17] =	ssyncset.done $0x0  }
0x3b: {  	s14 =	rddreg [dreg:$0x9];
	[sflag:s17] =	ssyncadd.s32 $0xFFFFC000  }
0x3c: {  	[spmem:s14] =	stream.linear.scatter [tilespmem:s16], [sflag:$0x1], $0x4000, $0x38;
	[tilespmem:$0xB000] =	vst v63  }
0x3d: {  	_ =	swait.ge [sflag:s17], $0x4000  }
0x3e: {  	[sflag:s17] =	ssyncset.done $0x0  }
0x3f: {  	[sflag:s17] =	ssyncadd.s32 $0xFFFFC000  }
0x40: {  	s22 =	sadd.s32 $0x0, s15;
	[bflag:$0x0] =	sbarrier.arrive $0xFFFF  }
0x41: {  	[tilespmem:s3], [sflag:$0x1] =	stream.linear.gather [hbm4b:s22+s3], $0x800, $0x38;
	[tilespmem:$0xB000] =	vst v63  }
0x42: {  	_ =	swait.ge [sflag:s17], $0x800  }
0x43: {  	[sflag:s17] =	ssyncset.done $0x0  }
0x44: {  	[sflag:s17] =	ssyncadd.s32 $0xFFFFF800  }
0x45: {  	[spmem:s1] =	stream.indirect.scatter.add.f32 [tilespmem:s19], [sflag:$0x1], $0x10, s3, s18, $0xb8;
	[tilespmem:$0xB000] =	vst v63  }
0x46: {  	_ =	swait.ge [sflag:s17], $0x7D0  }
0x47: {  	[sflag:s17] =	ssyncset.done $0x0  }
0x48: {  	[sflag:s17] =	ssyncadd.s32 $0xFFFFF830  }
0x49: {  	[spmem:s1] =	stream.indirect.scatter.add.f32 [tilespmem:s19], [sflag:$0x1], $0x10, s20, s18, $0xb8;
	[tilespmem:$0xB000] =	vst v63  }
0x4a: {  	_ =	swait.ge [sflag:s17], $0x7D0  }
0x4b: {  	[sflag:s17] =	ssyncset.done $0x0  }
0x4c: {  	[sflag:s17] =	ssyncadd.s32 $0xFFFFF830  }
0x4d: {  	[spmem:s1] =	stream.indirect.scatter.add.f32 [tilespmem:s19], [sflag:$0x1], $0x10, s21, s18, $0xb8;
	[tilespmem:$0xB000] =	vst v63  }
0x4e: {  	_ =	swait.ge [sflag:s17], $0x7D0  }
0x4f: {  	[sflag:s17] =	ssyncset.done $0x0  }
0x50: {  	[sflag:s17] =	ssyncadd.s32 $0xFFFFF830  }
0x51: {  	[spmem:s1] =	stream.indirect.scatter.add.f32 [tilespmem:s19], [sflag:$0x1], $0x10, s26, s18, $0xb8;
	[tilespmem:$0xB000] =	vst v63  }
0x52: {  	_ =	swait.ge [sflag:s17], $0x7D0  }
0x53: {  	[sflag:s17] =	ssyncset.done $0x0  }
0x54: {  	[sflag:s17] =	ssyncadd.s32 $0xFFFFF830  }
0x55: {  	[spmem:s1] =	stream.indirect.scatter.add.f32 [tilespmem:s19], [sflag:$0x1], $0x10, s28, s18, $0xb8;
	[tilespmem:$0xB000] =	vst v63  }
0x56: {  	_ =	swait.ge [sflag:s17], $0x7D0  }
0x57: {  	[sflag:s17] =	ssyncset.done $0x0  }
0x58: {  	[sflag:s17] =	ssyncadd.s32 $0xFFFFF830  }
0x59: {  	[spmem:s1] =	stream.indirect.scatter.add.f32 [tilespmem:s19], [sflag:$0x1], $0x10, s29, s18, $0xb8;
	[tilespmem:$0xB000] =	vst v63  }
0x5a: {  	_ =	swait.ge [sflag:s17], $0x7D0  }
0x5b: {  	[sflag:s17] =	ssyncset.done $0x0  }
0x5c: {  	[sflag:s17] =	ssyncadd.s32 $0xFFFFF830  }
0x5d: {  	[spmem:s1] =	stream.indirect.scatter.add.f32 [tilespmem:s19], [sflag:$0x1], $0x10, s30, s18, $0xb8;
	[tilespmem:$0xB000] =	vst v63  }
0x5e: {  	_ =	swait.ge [sflag:s17], $0x7D0  }
0x5f: {  	[sflag:s17] =	ssyncset.done $0x0  }
0x60: {  	[sflag:s17] =	ssyncadd.s32 $0xFFFFF830  }
0x61: {  	[spmem:s1] =	stream.indirect.scatter.add.f32 [tilespmem:s19], [sflag:$0x1], $0x10, s31, s18, $0xb8;
	[tilespmem:$0xB000] =	vst v63  }
0x62: {  	_ =	swait.ge [sflag:s17], $0x7D0  }
0x63: {  	[sflag:s17] =	ssyncset.done $0x0  }
0x64: {  	[sflag:s17] =	ssyncadd.s32 $0xFFFFF830  }
0x65: {  	[spmem:s1] =	stream.indirect.scatter.add.f32 [tilespmem:s19], [sflag:$0x1], $0x10, s0, s18, $0xb8;
	[tilespmem:$0xB000] =	vst v63  }
0x66: {  	_ =	swait.ge [sflag:s17], $0x7D0  }
0x67: {  	[sflag:s17] =	ssyncset.done $0x0  }
0x68: {  	[sflag:s17] =	ssyncadd.s32 $0xFFFFF830  }
0x69: {  	[spmem:s1] =	stream.indirect.scatter.add.f32 [tilespmem:s19], [sflag:$0x1], $0x10, s2, s18, $0xb8;
	[tilespmem:$0xB000] =	vst v63  }
0x6a: {  	_ =	swait.ge [sflag:s17], $0x7D0  }
0x6b: {  	[sflag:s17] =	ssyncset.done $0x0  }
0x6c: {  	[sflag:s17] =	ssyncadd.s32 $0xFFFFF830  }
0x6d: {  	[spmem:s1] =	stream.indirect.scatter.add.f32 [tilespmem:s19], [sflag:$0x1], $0x10, s5, s18, $0xb8;
	[tilespmem:$0xB000] =	vst v63  }
0x6e: {  	_ =	swait.ge [sflag:s17], $0x7D0  }
0x6f: {  	[sflag:s17] =	ssyncset.done $0x0  }
0x70: {  	[sflag:s17] =	ssyncadd.s32 $0xFFFFF830  }
0x71: {  	[spmem:s1] =	stream.indirect.scatter.add.f32 [tilespmem:s19], [sflag:$0x1], $0x10, s6, s18, $0xb8;
	[tilespmem:$0xB000] =	vst v63  }
0x72: {  	_ =	swait.ge [sflag:s17], $0x7D0  }
0x73: {  	[sflag:s17] =	ssyncset.done $0x0  }
0x74: {  	[sflag:s17] =	ssyncadd.s32 $0xFFFFF830  }
0x75: {  	[spmem:s1] =	stream.indirect.scatter.add.f32 [tilespmem:s19], [sflag:$0x1], $0x10, s7, s18, $0xb8;
	[tilespmem:$0xB000] =	vst v63  }
0x76: {  	_ =	swait.ge [sflag:s17], $0x7D0  }
0x77: {  	[sflag:s17] =	ssyncset.done $0x0  }
0x78: {  	[sflag:s17] =	ssyncadd.s32 $0xFFFFF830  }
0x79: {  	[spmem:s1] =	stream.indirect.scatter.add.f32 [tilespmem:s19], [sflag:$0x1], $0x10, s8, s18, $0xb8;
	[tilespmem:$0xB000] =	vst v63  }
0x7a: {  	_ =	swait.ge [sflag:s17], $0x7D0  }
0x7b: {  	[sflag:s17] =	ssyncset.done $0x0  }
0x7c: {  	[sflag:s17] =	ssyncadd.s32 $0xFFFFF830  }
0x7d: {  	[spmem:s1] =	stream.indirect.scatter.add.f32 [tilespmem:s19], [sflag:$0x1], $0x10, s9, s18, $0xb8;
	[tilespmem:$0xB000] =	vst v63  }
0x7e: {  	_ =	swait.ge [sflag:s17], $0x7D0  }
0x7f: {  	[sflag:s17] =	ssyncset.done $0x0  }
0x80: {  	[sflag:s17] =	ssyncadd.s32 $0xFFFFF830  }
0x81: {  	[spmem:s1] =	stream.indirect.scatter.add.f32 [tilespmem:s19], [sflag:$0x1], $0x10, s10, s18, $0xb8;
	[tilespmem:$0xB000] =	vst v63  }
0x82: {  	_ =	swait.ge [sflag:s17], $0x7D0  }
0x83: {  	s12 =	simm.s32 $0x100;
	s13 =	simm.s32 $0x200;
	[sflag:s17] =	ssyncset.done $0x0  }
.LBB2_6:
0x84: {  	s22 =	sadd.s32 s12, s15  }
0x85: {  	[sflag:s17] =	ssyncadd.s32 $0xFFFFF830;
	s12 =	smov.u32 s13;
	s14 =	sadd.s32 $0x100, s13  }
0x86: {  	[tilespmem:s3], [sflag:$0x1] =	stream.linear.gather [hbm4b:s22+s3], $0x800, $0x38;
	[tilespmem:$0xB000] =	vst v63  }
0x87: {  	p0 =	sne.s32 s13, $0x400;
	_ =	swait.ge [sflag:s17], $0x800  }
0x88: {  	[sflag:s17] =	ssyncset.done $0x0  }
0x89: {  	[sflag:s17] =	ssyncadd.s32 $0xFFFFF800  }
0x8a: {  	[spmem:s1] =	stream.indirect.scatter.add.f32 [tilespmem:s19], [sflag:$0x1], $0x10, s3, s18, $0xb8;
	[tilespmem:$0xB000] =	vst v63  }
0x8b: {  	_ =	swait.ge [sflag:s17], $0x7D0  }
0x8c: {  	[sflag:s17] =	ssyncset.done $0x0  }
0x8d: {  	[sflag:s17] =	ssyncadd.s32 $0xFFFFF830  }
0x8e: {  	[spmem:s1] =	stream.indirect.scatter.add.f32 [tilespmem:s19], [sflag:$0x1], $0x10, s20, s18, $0xb8;
	[tilespmem:$0xB000] =	vst v63  }
0x8f: {  	_ =	swait.ge [sflag:s17], $0x7D0  }
0x90: {  	[sflag:s17] =	ssyncset.done $0x0  }
0x91: {  	[sflag:s17] =	ssyncadd.s32 $0xFFFFF830  }
0x92: {  	[spmem:s1] =	stream.indirect.scatter.add.f32 [tilespmem:s19], [sflag:$0x1], $0x10, s21, s18, $0xb8;
	[tilespmem:$0xB000] =	vst v63  }
0x93: {  	_ =	swait.ge [sflag:s17], $0x7D0  }
0x94: {  	[sflag:s17] =	ssyncset.done $0x0  }
0x95: {  	[sflag:s17] =	ssyncadd.s32 $0xFFFFF830  }
0x96: {  	[spmem:s1] =	stream.indirect.scatter.add.f32 [tilespmem:s19], [sflag:$0x1], $0x10, s26, s18, $0xb8;
	[tilespmem:$0xB000] =	vst v63  }
0x97: {  	_ =	swait.ge [sflag:s17], $0x7D0  }
0x98: {  	[sflag:s17] =	ssyncset.done $0x0  }
0x99: {  	[sflag:s17] =	ssyncadd.s32 $0xFFFFF830  }
0x9a: {  	[spmem:s1] =	stream.indirect.scatter.add.f32 [tilespmem:s19], [sflag:$0x1], $0x10, s28, s18, $0xb8;
	[tilespmem:$0xB000] =	vst v63  }
0x9b: {  	_ =	swait.ge [sflag:s17], $0x7D0  }
0x9c: {  	[sflag:s17] =	ssyncset.done $0x0  }
0x9d: {  	[sflag:s17] =	ssyncadd.s32 $0xFFFFF830  }
0x9e: {  	[spmem:s1] =	stream.indirect.scatter.add.f32 [tilespmem:s19], [sflag:$0x1], $0x10, s29, s18, $0xb8;
	[tilespmem:$0xB000] =	vst v63  }
0x9f: {  	_ =	swait.ge [sflag:s17], $0x7D0  }
0xa0: {  	[sflag:s17] =	ssyncset.done $0x0  }
0xa1: {  	[sflag:s17] =	ssyncadd.s32 $0xFFFFF830  }
0xa2: {  	[spmem:s1] =	stream.indirect.scatter.add.f32 [tilespmem:s19], [sflag:$0x1], $0x10, s30, s18, $0xb8;
	[tilespmem:$0xB000] =	vst v63  }
0xa3: {  	_ =	swait.ge [sflag:s17], $0x7D0  }
0xa4: {  	[sflag:s17] =	ssyncset.done $0x0  }
0xa5: {  	[sflag:s17] =	ssyncadd.s32 $0xFFFFF830  }
0xa6: {  	[spmem:s1] =	stream.indirect.scatter.add.f32 [tilespmem:s19], [sflag:$0x1], $0x10, s31, s18, $0xb8;
	[tilespmem:$0xB000] =	vst v63  }
0xa7: {  	_ =	swait.ge [sflag:s17], $0x7D0  }
0xa8: {  	[sflag:s17] =	ssyncset.done $0x0  }
0xa9: {  	[sflag:s17] =	ssyncadd.s32 $0xFFFFF830  }
0xaa: {  	[spmem:s1] =	stream.indirect.scatter.add.f32 [tilespmem:s19], [sflag:$0x1], $0x10, s0, s18, $0xb8;
	[tilespmem:$0xB000] =	vst v63  }
0xab: {  	_ =	swait.ge [sflag:s17], $0x7D0  }
0xac: {  	[sflag:s17] =	ssyncset.done $0x0  }
0xad: {  	[sflag:s17] =	ssyncadd.s32 $0xFFFFF830  }
0xae: {  	[spmem:s1] =	stream.indirect.scatter.add.f32 [tilespmem:s19], [sflag:$0x1], $0x10, s2, s18, $0xb8;
	[tilespmem:$0xB000] =	vst v63  }
0xaf: {  	_ =	swait.ge [sflag:s17], $0x7D0  }
0xb0: {  	[sflag:s17] =	ssyncset.done $0x0  }
0xb1: {  	[sflag:s17] =	ssyncadd.s32 $0xFFFFF830  }
0xb2: {  	[spmem:s1] =	stream.indirect.scatter.add.f32 [tilespmem:s19], [sflag:$0x1], $0x10, s5, s18, $0xb8;
	[tilespmem:$0xB000] =	vst v63  }
0xb3: {  	_ =	swait.ge [sflag:s17], $0x7D0  }
0xb4: {  	[sflag:s17] =	ssyncset.done $0x0  }
0xb5: {  	[sflag:s17] =	ssyncadd.s32 $0xFFFFF830  }
0xb6: {  	[spmem:s1] =	stream.indirect.scatter.add.f32 [tilespmem:s19], [sflag:$0x1], $0x10, s6, s18, $0xb8;
	[tilespmem:$0xB000] =	vst v63  }
0xb7: {  	_ =	swait.ge [sflag:s17], $0x7D0  }
0xb8: {  	[sflag:s17] =	ssyncset.done $0x0  }
0xb9: {  	[sflag:s17] =	ssyncadd.s32 $0xFFFFF830  }
0xba: {  	[spmem:s1] =	stream.indirect.scatter.add.f32 [tilespmem:s19], [sflag:$0x1], $0x10, s7, s18, $0xb8;
	[tilespmem:$0xB000] =	vst v63  }
0xbb: {  	_ =	swait.ge [sflag:s17], $0x7D0  }
0xbc: {  	[sflag:s17] =	ssyncset.done $0x0  }
0xbd: {  	[sflag:s17] =	ssyncadd.s32 $0xFFFFF830  }
0xbe: {  	[spmem:s1] =	stream.indirect.scatter.add.f32 [tilespmem:s19], [sflag:$0x1], $0x10, s8, s18, $0xb8;
	[tilespmem:$0xB000] =	vst v63  }
0xbf: {  	_ =	swait.ge [sflag:s17], $0x7D0  }
0xc0: {  	[sflag:s17] =	ssyncset.done $0x0  }
0xc1: {  	[sflag:s17] =	ssyncadd.s32 $0xFFFFF830  }
0xc2: {  	[spmem:s1] =	stream.indirect.scatter.add.f32 [tilespmem:s19], [sflag:$0x1], $0x10, s9, s18, $0xb8;
	[tilespmem:$0xB000] =	vst v63  }
0xc3: {  	_ =	swait.ge [sflag:s17], $0x7D0  }
.Ltmp2:
0xc4: {  	[sflag:s17] =	ssyncset.done $0x0;
	(pc) =	sbr.rel @p0 .LBB2_6-.Ltmp2, $4  }
0xc5: {  	[sflag:s17] =	ssyncadd.s32 $0xFFFFF830  }
0xc6: {  	[spmem:s1] =	stream.indirect.scatter.add.f32 [tilespmem:s19], [sflag:$0x1], $0x10, s10, s18, $0xb8;
	[tilespmem:$0xB000] =	vst v63  }
0xc7: {  	_ =	swait.ge [sflag:s17], $0x7D0  }
0xc8: {  	s13 =	smov.u32 s14;
	[sflag:s17] =	ssyncset.done $0x0  }
0xc9: {  	s12 =	sadd.s32 s12, s15;
	[sflag:s17] =	ssyncadd.s32 $0xFFFFF830  }
0xca: {  	[tilespmem:s3], [sflag:$0x1] =	stream.linear.gather [hbm4b:s12+s3], $0x800, $0x38;
	[tilespmem:$0xB000] =	vst v63  }
0xcb: {  	_ =	swait.ge [sflag:s17], $0x800  }
0xcc: {  	[sflag:s17] =	ssyncset.done $0x0  }
0xcd: {  	[sflag:s17] =	ssyncadd.s32 $0xFFFFF800  }
0xce: {  	[spmem:s1] =	stream.indirect.scatter.add.f32 [tilespmem:s19], [sflag:$0x1], $0x10, s3, s18, $0xb8;
	[tilespmem:$0xB000] =	vst v63  }
0xcf: {  	_ =	swait.ge [sflag:s17], $0x7D0  }
0xd0: {  	[sflag:s17] =	ssyncset.done $0x0  }
0xd1: {  	[sflag:s17] =	ssyncadd.s32 $0xFFFFF830  }
0xd2: {  	[spmem:s1] =	stream.indirect.scatter.add.f32 [tilespmem:s19], [sflag:$0x1], $0x10, s20, s18, $0xb8;
	[tilespmem:$0xB000] =	vst v63  }
0xd3: {  	_ =	swait.ge [sflag:s17], $0x7D0  }
0xd4: {  	[sflag:s17] =	ssyncset.done $0x0  }
0xd5: {  	[sflag:s17] =	ssyncadd.s32 $0xFFFFF830  }
0xd6: {  	[spmem:s1] =	stream.indirect.scatter.add.f32 [tilespmem:s19], [sflag:$0x1], $0x10, s21, s18, $0xb8;
	[tilespmem:$0xB000] =	vst v63  }
0xd7: {  	_ =	swait.ge [sflag:s17], $0x7D0  }
0xd8: {  	[sflag:s17] =	ssyncset.done $0x0  }
0xd9: {  	[sflag:s17] =	ssyncadd.s32 $0xFFFFF830  }
0xda: {  	[spmem:s1] =	stream.indirect.scatter.add.f32 [tilespmem:s19], [sflag:$0x1], $0x10, s26, s18, $0xb8;
	[tilespmem:$0xB000] =	vst v63  }
0xdb: {  	_ =	swait.ge [sflag:s17], $0x7D0  }
0xdc: {  	[sflag:s17] =	ssyncset.done $0x0  }
0xdd: {  	[sflag:s17] =	ssyncadd.s32 $0xFFFFF830  }
0xde: {  	[spmem:s1] =	stream.indirect.scatter.add.f32 [tilespmem:s19], [sflag:$0x1], $0x10, s28, s18, $0xb8;
	[tilespmem:$0xB000] =	vst v63  }
0xdf: {  	_ =	swait.ge [sflag:s17], $0x7D0  }
0xe0: {  	[sflag:s17] =	ssyncset.done $0x0  }
0xe1: {  	[sflag:s17] =	ssyncadd.s32 $0xFFFFF830  }
0xe2: {  	[spmem:s1] =	stream.indirect.scatter.add.f32 [tilespmem:s19], [sflag:$0x1], $0x10, s29, s18, $0xb8;
	[tilespmem:$0xB000] =	vst v63  }
0xe3: {  	_ =	swait.ge [sflag:s17], $0x7D0  }
0xe4: {  	[sflag:s17] =	ssyncset.done $0x0  }
0xe5: {  	[sflag:s17] =	ssyncadd.s32 $0xFFFFF830  }
0xe6: {  	[spmem:s1] =	stream.indirect.scatter.add.f32 [tilespmem:s19], [sflag:$0x1], $0x10, s30, s18, $0xb8;
	[tilespmem:$0xB000] =	vst v63  }
0xe7: {  	_ =	swait.ge [sflag:s17], $0x7D0  }
0xe8: {  	[sflag:s17] =	ssyncset.done $0x0  }
0xe9: {  	[sflag:s17] =	ssyncadd.s32 $0xFFFFF830  }
0xea: {  	[spmem:s1] =	stream.indirect.scatter.add.f32 [tilespmem:s19], [sflag:$0x1], $0x10, s31, s18, $0xb8;
	[tilespmem:$0xB000] =	vst v63  }
0xeb: {  	_ =	swait.ge [sflag:s17], $0x7D0  }
0xec: {  	[sflag:s17] =	ssyncset.done $0x0  }
0xed: {  	[sflag:s17] =	ssyncadd.s32 $0xFFFFF830  }
0xee: {  	[spmem:s1] =	stream.indirect.scatter.add.f32 [tilespmem:s19], [sflag:$0x1], $0x10, s0, s18, $0xb8;
	[tilespmem:$0xB000] =	vst v63  }
0xef: {  	_ =	swait.ge [sflag:s17], $0x7D0  }
0xf0: {  	[sflag:s17] =	ssyncset.done $0x0  }
0xf1: {  	[sflag:s17] =	ssyncadd.s32 $0xFFFFF830  }
0xf2: {  	[spmem:s1] =	stream.indirect.scatter.add.f32 [tilespmem:s19], [sflag:$0x1], $0x10, s2, s18, $0xb8;
	[tilespmem:$0xB000] =	vst v63  }
0xf3: {  	_ =	swait.ge [sflag:s17], $0x7D0  }
0xf4: {  	[sflag:s17] =	ssyncset.done $0x0  }
0xf5: {  	[sflag:s17] =	ssyncadd.s32 $0xFFFFF830  }
0xf6: {  	[spmem:s1] =	stream.indirect.scatter.add.f32 [tilespmem:s19], [sflag:$0x1], $0x10, s5, s18, $0xb8;
	[tilespmem:$0xB000] =	vst v63  }
0xf7: {  	_ =	swait.ge [sflag:s17], $0x7D0  }
0xf8: {  	[sflag:s17] =	ssyncset.done $0x0  }
0xf9: {  	[sflag:s17] =	ssyncadd.s32 $0xFFFFF830  }
0xfa: {  	[spmem:s1] =	stream.indirect.scatter.add.f32 [tilespmem:s19], [sflag:$0x1], $0x10, s6, s18, $0xb8;
	[tilespmem:$0xB000] =	vst v63  }
0xfb: {  	_ =	swait.ge [sflag:s17], $0x7D0  }
0xfc: {  	[sflag:s17] =	ssyncset.done $0x0  }
0xfd: {  	[sflag:s17] =	ssyncadd.s32 $0xFFFFF830  }
0xfe: {  	[spmem:s1] =	stream.indirect.scatter.add.f32 [tilespmem:s19], [sflag:$0x1], $0x10, s7, s18, $0xb8;
	[tilespmem:$0xB000] =	vst v63  }
0xff: {  	_ =	swait.ge [sflag:s17], $0x7D0  }
0x100: {  	[sflag:s17] =	ssyncset.done $0x0  }
0x101: {  	[sflag:s17] =	ssyncadd.s32 $0xFFFFF830  }
0x102: {  	[spmem:s1] =	stream.indirect.scatter.add.f32 [tilespmem:s19], [sflag:$0x1], $0x10, s8, s18, $0xb8;
	[tilespmem:$0xB000] =	vst v63  }
0x103: {  	_ =	swait.ge [sflag:s17], $0x7D0  }
0x104: {  	[sflag:s17] =	ssyncset.done $0x0  }
0x105: {  	[sflag:s17] =	ssyncadd.s32 $0xFFFFF830  }
0x106: {  	[spmem:s1] =	stream.indirect.scatter.add.f32 [tilespmem:s19], [sflag:$0x1], $0x10, s9, s18, $0xb8;
	[tilespmem:$0xB000] =	vst v63  }
0x107: {  	_ =	swait.ge [sflag:s17], $0x7D0  }
0x108: {  	[sflag:s17] =	ssyncset.done $0x0  }
0x109: {  	[sflag:s17] =	ssyncadd.s32 $0xFFFFF830  }
0x10a: {  	[spmem:s1] =	stream.indirect.scatter.add.f32 [tilespmem:s19], [sflag:$0x1], $0x10, s10, s18, $0xb8;
	[tilespmem:$0xB000] =	vst v63  }
0x10b: {  	_ =	swait.ge [sflag:s17], $0x7D0  }
0x10c: {  	[sflag:s17] =	ssyncset.done $0x0  }
0x10d: {  	s13 =	stileid.u32;
	[sflag:s17] =	ssyncadd.s32 $0xFFFFF830  }
0x10e: {  	s12 =	sshll.u32 s13, $0x6;
	[bflag:$0x0] =	sbarrier.arrive $0xFFFF  }
0x10f: {  	s13 =	sshrl.u32 s4, $0x3;
	s12 =	sor.u32 $0x1C01, s12;
	s14 =	rddreg [dreg:$0x4]  }
0x110: {  	[hbm:s14], [sflag:s12] =	dma.local [spmem:s13], $0x800  }
0x111: {  	_ =	swait.ge [sflag:s17], $0x800  }
0x112: {  	[sflag:s17] =	ssyncset.done $0x0;
	s14 =	rddreg [dreg:$0xa]  }
0x113: {  	s22 =	rddreg [dreg:$0xe];
	[sflag:s17] =	ssyncadd.s32 $0xFFFFF800  }
0x114: {  	[hbm:s14], [sflag:s12] =	dma.local [spmem:s22], $0x800  }
0x115: {  	_ =	swait.ge [sflag:s17], $0x800  }
0x116: {  	[sflag:s17] =	ssyncset.done $0x0  }
0x117: {  	s14 =	rddreg [dreg:$0xb];
	[sflag:s17] =	ssyncadd.s32 $0xFFFFF800  }
0x118: {  	[hbm:s14], [sflag:s12] =	dma.local [spmem:s23], $0x800  }
0x119: {  	_ =	swait.ge [sflag:s17], $0x800  }
0x11a: {  	[sflag:s17] =	ssyncset.done $0x0  }
0x11b: {  	s22 =	rddreg [dreg:$0xc];
	[sflag:s17] =	ssyncadd.s32 $0xFFFFF800  }
0x11c: {  	[hbm:s22], [sflag:s12] =	dma.local [spmem:s24], $0x800  }
0x11d: {  	_ =	swait.ge [sflag:s17], $0x800  }
0x11e: {  	[sflag:s17] =	ssyncset.done $0x0  }
0x11f: {  	s14 =	rddreg [dreg:$0xd];
	[sflag:s17] =	ssyncadd.s32 $0xFFFFF800  }
0x120: {  	[hbm:s14], [sflag:s12] =	dma.local [spmem:s25], $0x800  }
0x121: {  	_ =	swait.ge [sflag:s17], $0x800  }
0x122: {  	s11 =	sadd.s32 $0x1, s11;
	s22 =	rddreg [dreg:$0x5]  }
0x123: {  	p0 =	sne.s32 s11, s22  }
.Ltmp3:
0x124: {  	_ = 	snop;
	(pc) =	sbr.rel @p0 .LBB2_1-.Ltmp3, $3  }
0x125: {  	_ =	sdelay $0x1  }
0x126: {  	[sflag:s17] =	ssyncset.done $0x0  }
0x127: {  	[sflag:s17] =	ssyncadd.s32 $0xFFFFF800  }
0x128: {  	_ =	sfence.sel $0x180000  }
0x129: {  	[bflag:$0x0] =	sbarrier.arrive $0xFFFF  }
0x12a: {  	_ =	strace $0x90000047  }
0x12b: {  	s0 =	stileid.u32;
	[bflag:$0x2] =	sbarrier.arrive $0xFFFF  }
0x12c: {  	p0 =	sne.s32 s0, $0x0;
	s0 =	rddreg [dreg:$0x3]  }
0x12d: {  	s0 =	sadd.s32 @!p0 $0x100000, s0  }
0x12e: {  	[sflag:s0] =	ssyncadd.tile.s32 @!p0 $0x1;
	_ =	shalt  }
.Lfunc_end2:
_tile_overlayer_lowered:
.L_overlay_start_2:
0x12f: {  	(tag) =	ssettag $0x2  }
0x130: {  	s0 =	rddreg [dreg:$0x0];
	s2 =	stileid.u32  }
0x131: {  	s1 =	rddreg [dreg:$0x1];
	p0 =	sne.s32 s2, $0x0  }
0x132: {  	s3 =	rddreg [dreg:$0x2];
	[bflag:$0x3] =	sbarrier.arrive $0xFFFF;
	s2 =	simm.s32 @!p0 $0x1C01  }
0x133: {  	[timem:s3], [sflag:s2] =	dma.local @!p0 [hbm:s0], s1  }
0x134: {  	s0 =	simm.s32 @!p0 $0x1  }
0x135: {  	_ =	swait.ge @!p0 [sflag:s0], s1  }
0x136: {  	s1 =	ssub.s32 @!p0 $0x0, s1;
	[sflag:s0] =	ssyncset.done @!p0 $0x0  }
0x137: {  	[sflag:s0] =	ssyncadd.s32 @!p0 s1  }
0x138: {  	[bflag:$0x3] =	sbarrier.arrive $0xFFFF  }
0x139: {  	_ =	shalt  }

</sc_bundles>
